<compile_context>
chip_gen: v7x
topology: tpu7x:2x2x1
jax: 0.10.2.dev20260603
libtpu: 0.0.44.dev20260713+nightly
codegen_flags: <defaults>
</compile_context>

<pallas_src>
import functools

import jax
import jax.numpy as jnp
from jax import lax
from jax.experimental import pallas as pl
from jax.experimental.pallas import tpu as pltpu
from jax.experimental.pallas import tpu_sc as plsc

_NC = 2
_NS = 16
_NW = _NC * _NS
_L = 16
_Q = 4


def _make_gather(B, V, D):
    bpw = B // _NW
    mesh = plsc.VectorSubcoreMesh(core_axis_name="c", subcore_axis_name="s")

    @functools.partial(
        pl.kernel,
        mesh=mesh,
        out_type=[
            jax.ShapeDtypeStruct((D, B), jnp.float32),
            jax.ShapeDtypeStruct((D, B), jnp.float32),
        ],
        scratch_types=[
            pltpu.VMEM((bpw,), jnp.int32),
            pltpu.VMEM((bpw,), jnp.int32),
            pltpu.VMEM((2 * _Q * D, 128), jnp.float32),
            pltpu.VMEM((2 * _Q * D, 128), jnp.float32),
            pltpu.VMEM((D, bpw), jnp.float32),
            pltpu.VMEM((D, bpw), jnp.float32),
            pltpu.SemaphoreType.DMA,
            pltpu.SemaphoreType.DMA,
            pltpu.SemaphoreType.DMA,
        ],
        compiler_params=pltpu.CompilerParams(needs_layout_passes=False),
    )
    def gather_k(uemb_t, iemb_t, uids, iids, ue_out, ie_out,
                 uidx, iidx, uring, iring, ubuf, ibuf,
                 sem_i, sem_a, sem_b):
        wid = lax.axis_index("s") * _NC + lax.axis_index("c")
        base = wid * bpw
        cu = pltpu.async_copy(uids.at[pl.ds(base, bpw)], uidx, sem_i)
        ci = pltpu.async_copy(iids.at[pl.ds(base, bpw)], iidx, sem_i)
        cu.wait()
        ci.wait()

        lanes = lax.iota(jnp.int32, _L)

        def fire(rs, setid, sem):
            so = setid * _Q * D
            for s, (ru, ri) in enumerate(rs):
                cu_ = pl.multiple_of((ru >> 7) * 128, 128)
                ci_ = pl.multiple_of((ri >> 7) * 128, 128)
                pltpu.async_copy(uemb_t.at[:, pl.ds(cu_, 128)],
                                 uring.at[pl.ds(so + s * D, D)], sem)
                pltpu.async_copy(iemb_t.at[:, pl.ds(ci_, 128)],
                                 iring.at[pl.ds(so + s * D, D)], sem)

        def drain(sem):
            for _ in range(2 * _Q):
                pltpu.make_async_copy(uemb_t.at[:, pl.ds(0, 128)],
                                      uring.at[pl.ds(0, D)], sem).wait()

        def extract(rs, setid, pos0):
            so = setid * _Q * D
            for s, (ru, ri) in enumerate(rs):
                pv = (pos0 + s) + 0 * lanes
                for ring, buf, r in ((uring, ubuf, ru), (iring, ibuf, ri)):
                    mv = (r & 127) + 0 * lanes
                    for h in range(D // _L):
                        c = h * _L + lanes
                        vals = plsc.load_gather(ring, [so + s * D + c, mv])
                        plsc.store_scatter(buf, [c, pv], vals)

        ng = bpw // _L

        def group(g, carry):
            o = pl.multiple_of(g * _L, _L)
            vu = uidx[pl.ds(o, _L)]
            vi = iidx[pl.ds(o, _L)]
            q = [[(vu[t * _Q + s], vi[t * _Q + s]) for s in range(_Q)]
                 for t in range(_L // _Q)]
            pos = g * _L
            fire(q[0], 0, sem_a)
            fire(q[1], 1, sem_b)
            drain(sem_a)
            extract(q[0], 0, pos)
            fire(q[2], 0, sem_a)
            drain(sem_b)
            extract(q[1], 1, pos + _Q)
            fire(q[3], 1, sem_b)
            drain(sem_a)
            extract(q[2], 0, pos + 2 * _Q)
            drain(sem_b)
            extract(q[3], 1, pos + 3 * _Q)
            return carry

        lax.fori_loop(0, ng, group, 0)

        ob = pl.multiple_of(base, 128)
        pltpu.sync_copy(ubuf, ue_out.at[:, pl.ds(ob, bpw)])
        pltpu.sync_copy(ibuf, ie_out.at[:, pl.ds(ob, bpw)])

    return gather_k


def _mlp_body(ue_ref, ie_ref, w0_ref, b0_ref, g0_ref, be0_ref,
              w1_ref, b1_ref, g1_ref, be1_ref, hw_ref, hb_ref, out_ref):
    def l2n(x):
        n = jnp.sqrt(jnp.sum(x * x, axis=0, keepdims=True))
        return x / jnp.maximum(n, 1e-12)

    def layer_norm(x, w, b):
        mu = jnp.mean(x, axis=0, keepdims=True)
        xc = x - mu
        var = jnp.mean(xc * xc, axis=0, keepdims=True)
        return xc * lax.rsqrt(var + 1e-5) * w + b

    x = jnp.concatenate([l2n(ue_ref[...]), l2n(ie_ref[...])], axis=0)
    h = jnp.dot(w0_ref[...], x, preferred_element_type=jnp.float32) + b0_ref[...]
    h = jax.nn.relu(layer_norm(h, g0_ref[...], be0_ref[...]))
    h = jnp.dot(w1_ref[...], h, preferred_element_type=jnp.float32) + b1_ref[...]
    h = jax.nn.relu(layer_norm(h, g1_ref[...], be1_ref[...]))
    out_ref[...] = jnp.sum(h * hw_ref[...], axis=0) + hb_ref[0]


def _make_mlp(B, D, H0, H1, blk):
    grid = (B // blk,)
    full = lambda shape: pl.BlockSpec(shape, lambda i: (0,) * len(shape))
    return pl.pallas_call(
        _mlp_body,
        grid=grid,
        in_specs=[
            pl.BlockSpec((D, blk), lambda i: (0, i)),
            pl.BlockSpec((D, blk), lambda i: (0, i)),
            full((H0, 2 * D)),
            full((H0, 1)),
            full((H0, 1)),
            full((H0, 1)),
            full((H1, H0)),
            full((H1, 1)),
            full((H1, 1)),
            full((H1, 1)),
            full((H1, 1)),
            pl.BlockSpec(memory_space=pltpu.SMEM),
        ],
        out_specs=pl.BlockSpec((blk,), lambda i: (i,)),
        out_shape=jax.ShapeDtypeStruct((B,), jnp.float32),
    )


def kernel(user_ids, item_ids, user_emb, item_emb,
           fc0_w, fc0_b, ln0_w, ln0_b,
           fc1_w, fc1_b, ln1_w, ln1_b,
           head_w, head_b):
    B = user_ids.shape[0]
    V, D = user_emb.shape
    H0 = fc0_w.shape[0]
    H1 = fc1_w.shape[0]
    bpw = B // _NW

    uids = user_ids.astype(jnp.int32)
    iids = item_ids.astype(jnp.int32)
    ue_t, ie_t = _make_gather(B, V, D)(user_emb.T, item_emb.T, uids, iids)

    mlp = _make_mlp(B, D, H0, H1, blk=2048)
    return mlp(ue_t, ie_t,
               fc0_w, fc0_b.reshape(H0, 1), ln0_w.reshape(H0, 1),
               ln0_b.reshape(H0, 1),
               fc1_w, fc1_b.reshape(H1, 1), ln1_w.reshape(H1, 1),
               ln1_b.reshape(H1, 1), head_w.reshape(H1, 1), head_b)

# --- scband reference (transcript-rebuilt; emitter-appended) ---
"""Pipeline reference for scband-rec-model-v3-50397146251331 (READ-ONLY COPY).

The authoritative reference and input builder live on the scoring server;
editing this copy changes nothing except your own understanding.
"""

import jax, jax.numpy as jnp
import numpy as np

B = 16384
V_USERS = 1000000
V_ITEMS = 1000000
D = 32
H0 = 128
H1 = 64


def _l2_normalize(x, eps=1e-12):
    # torch F.normalize(p=2): x / max(||x||_2, eps)
    n = jnp.sqrt(jnp.sum(x * x, axis=-1, keepdims=True))
    return x / jnp.maximum(n, eps)


def _layer_norm(x, w, b, eps=1e-5):
    mu = jnp.mean(x, axis=-1, keepdims=True)
    var = jnp.mean((x - mu) ** 2, axis=-1, keepdims=True)
    return (x - mu) / jnp.sqrt(var + eps) * w + b


def setup_inputs(seed: int = 0) -> dict:
    key = jax.random.key(seed)
    ks = jax.random.split(key, 8)
    user_ids = jax.random.randint(ks[0], (B,), 0, V_USERS, dtype=jnp.int64 if jax.config.jax_enable_x64 else jnp.int32)
    item_ids = jax.random.randint(ks[1], (B,), 0, V_ITEMS, dtype=jnp.int64 if jax.config.jax_enable_x64 else jnp.int32)
    user_emb = jax.random.normal(ks[2], (V_USERS, D), dtype=jnp.float32) * 0.1
    item_emb = jax.random.normal(ks[3], (V_ITEMS, D), dtype=jnp.float32) * 0.1
    fc0_w = jax.random.normal(ks[4], (H0, 2 * D), dtype=jnp.float32) * (1.0 / np.sqrt(2 * D))
    fc0_b = jnp.zeros((H0,), dtype=jnp.float32)
    ln0_w = jnp.ones((H0,), dtype=jnp.float32)
    ln0_b = jnp.zeros((H0,), dtype=jnp.float32)
    fc1_w = jax.random.normal(ks[5], (H1, H0), dtype=jnp.float32) * (1.0 / np.sqrt(H0))
    fc1_b = jnp.zeros((H1,), dtype=jnp.float32)
    ln1_w = jnp.ones((H1,), dtype=jnp.float32)
    ln1_b = jnp.zeros((H1,), dtype=jnp.float32)
    head_w = jax.random.normal(ks[6], (1, H1), dtype=jnp.float32) * (1.0 / np.sqrt(H1))
    head_b = jnp.zeros((1,), dtype=jnp.float32)
    return {
        'user_ids': user_ids, 'item_ids': item_ids,
        'user_emb': user_emb, 'item_emb': item_emb,
        'fc0_w': fc0_w, 'fc0_b': fc0_b, 'ln0_w': ln0_w, 'ln0_b': ln0_b,
        'fc1_w': fc1_w, 'fc1_b': fc1_b, 'ln1_w': ln1_w, 'ln1_b': ln1_b,
        'head_w': head_w, 'head_b': head_b,
    }


def reference(user_ids, item_ids, user_emb, item_emb,
              fc0_w, fc0_b, ln0_w, ln0_b,
              fc1_w, fc1_b, ln1_w, ln1_b,
              head_w, head_b):
    ue = jnp.take(user_emb, user_ids, axis=0)
    ie = jnp.take(item_emb, item_ids, axis=0)
    ue = _l2_normalize(ue)
    ie = _l2_normalize(ie)
    x = jnp.concatenate([ue, ie], axis=-1)
    # backbone layer 0
    x = x @ fc0_w.T + fc0_b
    x = _layer_norm(x, ln0_w, ln0_b)
    x = jax.nn.relu(x)
    # backbone layer 1
    x = x @ fc1_w.T + fc1_b
    x = _layer_norm(x, ln1_w, ln1_b)
    x = jax.nn.relu(x)
    # head
    out = x @ head_w.T + head_b
    return out.squeeze(-1)

if __name__ == "__main__":
    import jax
    _d = setup_inputs()
    print(jax.jit(kernel)(*tuple(_d.values())))

</pallas_src>

<mosaic_0001>
#map = affine_map<(d0, d1) -> (0, 0)>
#map1 = affine_map<(d0, d1) -> (0)>
module attributes {stable_mosaic.version = 14 : i64} {
  func.func @gather_k(%arg0: i32, %arg1: i32, %arg2: memref<32x1000000xf32, #tpu.memory_space<hbm>>, %arg3: memref<32x1000000xf32, #tpu.memory_space<hbm>>, %arg4: memref<16384xi32, #tpu.memory_space<hbm>>, %arg5: memref<16384xi32, #tpu.memory_space<hbm>>, %arg6: memref<32x16384xf32, #tpu.memory_space<hbm>>, %arg7: memref<32x16384xf32, #tpu.memory_space<hbm>>, %arg8: memref<512xi32, #tpu.memory_space<vmem>>, %arg9: memref<512xi32, #tpu.memory_space<vmem>>, %arg10: memref<256x128xf32, #tpu.memory_space<vmem>>, %arg11: memref<256x128xf32, #tpu.memory_space<vmem>>, %arg12: memref<32x512xf32, #tpu.memory_space<vmem>>, %arg13: memref<32x512xf32, #tpu.memory_space<vmem>>, %arg14: memref<!tpu.dma_semaphore, #tpu.memory_space<semaphore_mem>>, %arg15: memref<!tpu.dma_semaphore, #tpu.memory_space<semaphore_mem>>, %arg16: memref<!tpu.dma_semaphore, #tpu.memory_space<semaphore_mem>>) attributes {dimension_semantics = [#tpu.dimension_semantics<core_parallel>, #tpu.dimension_semantics<subcore_parallel>], iteration_bounds = array<i64: 2, 16>, scalar_prefetch = 0 : i64, scratch_operands = 9 : i64, tpu.core_type = #tpu.core_type<sc_vector_subcore>, window_params = [{transform_indices = #map}, {transform_indices = #map}, {transform_indices = #map1}, {transform_indices = #map1}, {transform_indices = #map}, {transform_indices = #map}]} {
    %mul3A = arith.constant 2 : i32
    %mul3A_0 = arith.muli %arg1, %mul3A : i32
    %add3A = arith.addi %mul3A_0, %arg0 : i32
    %mul3A_1 = arith.constant 512 : i32
    %mul3A_2 = arith.muli %add3A, %mul3A_1 : i32
    %dma_start3A = tpu.memref_slice %arg4[%mul3A_2] : memref<16384xi32, #tpu.memory_space<hbm>> -> memref<512xi32, #tpu.memory_space<hbm>>
    %dma_start3A_3 = tpu.memref_slice %arg4[%mul3A_2] : memref<16384xi32, #tpu.memory_space<hbm>> -> memref<512xi32, #tpu.memory_space<hbm>>
    tpu.enqueue_dma source(%dma_start3A_3 : memref<512xi32, #tpu.memory_space<hbm>>) target(%arg8 : memref<512xi32, #tpu.memory_space<vmem>>) target_semaphore(%arg14 : memref<!tpu.dma_semaphore, #tpu.memory_space<semaphore_mem>>)
    %dma_start3A_4 = tpu.memref_slice %arg5[%mul3A_2] : memref<16384xi32, #tpu.memory_space<hbm>> -> memref<512xi32, #tpu.memory_space<hbm>>
    %dma_start3A_5 = tpu.memref_slice %arg5[%mul3A_2] : memref<16384xi32, #tpu.memory_space<hbm>> -> memref<512xi32, #tpu.memory_space<hbm>>
    tpu.enqueue_dma source(%dma_start3A_5 : memref<512xi32, #tpu.memory_space<hbm>>) target(%arg9 : memref<512xi32, #tpu.memory_space<vmem>>) target_semaphore(%arg14 : memref<!tpu.dma_semaphore, #tpu.memory_space<semaphore_mem>>)
    %dma_wait3A = tpu.memref_slice %arg4[%mul3A_2] : memref<16384xi32, #tpu.memory_space<hbm>> -> memref<512xi32, #tpu.memory_space<hbm>>
    %dma_wait3A_6 = tpu.memref_slice %arg4[%mul3A_2] : memref<16384xi32, #tpu.memory_space<hbm>> -> memref<512xi32, #tpu.memory_space<hbm>>
    tpu.wait_dma2 semaphore(%arg14 : memref<!tpu.dma_semaphore, #tpu.memory_space<semaphore_mem>>) src(%dma_wait3A_6 : memref<512xi32, #tpu.memory_space<hbm>>) dst(%arg8 : memref<512xi32, #tpu.memory_space<vmem>>)
    %dma_wait3A_7 = tpu.memref_slice %arg5[%mul3A_2] : memref<16384xi32, #tpu.memory_space<hbm>> -> memref<512xi32, #tpu.memory_space<hbm>>
    %dma_wait3A_8 = tpu.memref_slice %arg5[%mul3A_2] : memref<16384xi32, #tpu.memory_space<hbm>> -> memref<512xi32, #tpu.memory_space<hbm>>
    tpu.wait_dma2 semaphore(%arg14 : memref<!tpu.dma_semaphore, #tpu.memory_space<semaphore_mem>>) src(%dma_wait3A_8 : memref<512xi32, #tpu.memory_space<hbm>>) dst(%arg9 : memref<512xi32, #tpu.memory_space<vmem>>)
    %iota3A = tpu.iota {dimensions = array<i32: 0>} : vector<16xi32>
    %scan3A = arith.constant 0 : i32
    %scan3A_9 = arith.constant 0 : i32
    %scan3A_10 = arith.constant 32 : i32
    %scan3A_11 = arith.addi %scan3A_9, %scan3A_10 : i32
    %scan3A_12 = arith.constant 1 : i32
    scf.for %scan3A_14 = %scan3A_9 to %scan3A_11 step %scan3A_12  : i32 {
      %mul3A_15 = arith.constant 16 : i32
      %mul3A_16 = arith.muli %scan3A_14, %mul3A_15 : i32
      %multiple_of3A_17 = tpu.assume_multiple %mul3A_16, 16 : i32
      %get3A = arith.index_cast %multiple_of3A_17 : i32 to index
      %get3A_18 = tpu.vector_load %arg8[%get3A] {strides = array<i32>} : memref<512xi32, #tpu.memory_space<vmem>>, vector<16xi32>,
      %get3A_19 = arith.index_cast %multiple_of3A_17 : i32 to index
      %get3A_20 = tpu.vector_load %arg9[%get3A_19] {strides = array<i32>} : memref<512xi32, #tpu.memory_space<vmem>>, vector<16xi32>,
      %slice3A = vector.extract_strided_slice %get3A_18 {offsets = [0], sizes = [1], strides = [1]} : vector<16xi32> to vector<1xi32>
      %squeeze3A = vector.extract %slice3A[0] : i32 from vector<1xi32>
      %slice3A_21 = vector.extract_strided_slice %get3A_20 {offsets = [0], sizes = [1], strides = [1]} : vector<16xi32> to vector<1xi32>
      %squeeze3A_22 = vector.extract %slice3A_21[0] : i32 from vector<1xi32>
      %slice3A_23 = vector.extract_strided_slice %get3A_18 {offsets = [1], sizes = [1], strides = [1]} : vector<16xi32> to vector<1xi32>
      %squeeze3A_24 = vector.extract %slice3A_23[0] : i32 from vector<1xi32>
      %slice3A_25 = vector.extract_strided_slice %get3A_20 {offsets = [1], sizes = [1], strides = [1]} : vector<16xi32> to vector<1xi32>
      %squeeze3A_26 = vector.extract %slice3A_25[0] : i32 from vector<1xi32>
      %slice3A_27 = vector.extract_strided_slice %get3A_18 {offsets = [2], sizes = [1], strides = [1]} : vector<16xi32> to vector<1xi32>
      %squeeze3A_28 = vector.extract %slice3A_27[0] : i32 from vector<1xi32>
      %slice3A_29 = vector.extract_strided_slice %get3A_20 {offsets = [2], sizes = [1], strides = [1]} : vector<16xi32> to vector<1xi32>
      %squeeze3A_30 = vector.extract %slice3A_29[0] : i32 from vector<1xi32>
      %slice3A_31 = vector.extract_strided_slice %get3A_18 {offsets = [3], sizes = [1], strides = [1]} : vector<16xi32> to vector<1xi32>
      %squeeze3A_32 = vector.extract %slice3A_31[0] : i32 from vector<1xi32>
      %slice3A_33 = vector.extract_strided_slice %get3A_20 {offsets = [3], sizes = [1], strides = [1]} : vector<16xi32> to vector<1xi32>
      %squeeze3A_34 = vector.extract %slice3A_33[0] : i32 from vector<1xi32>
      %slice3A_35 = vector.extract_strided_slice %get3A_18 {offsets = [4], sizes = [1], strides = [1]} : vector<16xi32> to vector<1xi32>
      %squeeze3A_36 = vector.extract %slice3A_35[0] : i32 from vector<1xi32>
      %slice3A_37 = vector.extract_strided_slice %get3A_20 {offsets = [4], sizes = [1], strides = [1]} : vector<16xi32> to vector<1xi32>
      %squeeze3A_38 = vector.extract %slice3A_37[0] : i32 from vector<1xi32>
      %slice3A_39 = vector.extract_strided_slice %get3A_18 {offsets = [5], sizes = [1], strides = [1]} : vector<16xi32> to vector<1xi32>
      %squeeze3A_40 = vector.extract %slice3A_39[0] : i32 from vector<1xi32>
      %slice3A_41 = vector.extract_strided_slice %get3A_20 {offsets = [5], sizes = [1], strides = [1]} : vector<16xi32> to vector<1xi32>
      %squeeze3A_42 = vector.extract %slice3A_41[0] : i32 from vector<1xi32>
      %slice3A_43 = vector.extract_strided_slice %get3A_18 {offsets = [6], sizes = [1], strides = [1]} : vector<16xi32> to vector<1xi32>
      %squeeze3A_44 = vector.extract %slice3A_43[0] : i32 from vector<1xi32>
      %slice3A_45 = vector.extract_strided_slice %get3A_20 {offsets = [6], sizes = [1], strides = [1]} : vector<16xi32> to vector<1xi32>
      %squeeze3A_46 = vector.extract %slice3A_45[0] : i32 from vector<1xi32>
      %slice3A_47 = vector.extract_strided_slice %get3A_18 {offsets = [7], sizes = [1], strides = [1]} : vector<16xi32> to vector<1xi32>
      %squeeze3A_48 = vector.extract %slice3A_47[0] : i32 from vector<1xi32>
      %slice3A_49 = vector.extract_strided_slice %get3A_20 {offsets = [7], sizes = [1], strides = [1]} : vector<16xi32> to vector<1xi32>
      %squeeze3A_50 = vector.extract %slice3A_49[0] : i32 from vector<1xi32>
      %slice3A_51 = vector.extract_strided_slice %get3A_18 {offsets = [8], sizes = [1], strides = [1]} : vector<16xi32> to vector<1xi32>
      %squeeze3A_52 = vector.extract %slice3A_51[0] : i32 from vector<1xi32>
      %slice3A_53 = vector.extract_strided_slice %get3A_20 {offsets = [8], sizes = [1], strides = [1]} : vector<16xi32> to vector<1xi32>
      %squeeze3A_54 = vector.extract %slice3A_53[0] : i32 from vector<1xi32>
      %slice3A_55 = vector.extract_strided_slice %get3A_18 {offsets = [9], sizes = [1], strides = [1]} : vector<16xi32> to vector<1xi32>
      %squeeze3A_56 = vector.extract %slice3A_55[0] : i32 from vector<1xi32>
      %slice3A_57 = vector.extract_strided_slice %get3A_20 {offsets = [9], sizes = [1], strides = [1]} : vector<16xi32> to vector<1xi32>
      %squeeze3A_58 = vector.extract %slice3A_57[0] : i32 from vector<1xi32>
      %slice3A_59 = vector.extract_strided_slice %get3A_18 {offsets = [10], sizes = [1], strides = [1]} : vector<16xi32> to vector<1xi32>
      %squeeze3A_60 = vector.extract %slice3A_59[0] : i32 from vector<1xi32>
      %slice3A_61 = vector.extract_strided_slice %get3A_20 {offsets = [10], sizes = [1], strides = [1]} : vector<16xi32> to vector<1xi32>
      %squeeze3A_62 = vector.extract %slice3A_61[0] : i32 from vector<1xi32>
      %slice3A_63 = vector.extract_strided_slice %get3A_18 {offsets = [11], sizes = [1], strides = [1]} : vector<16xi32> to vector<1xi32>
      %squeeze3A_64 = vector.extract %slice3A_63[0] : i32 from vector<1xi32>
      %slice3A_65 = vector.extract_strided_slice %get3A_20 {offsets = [11], sizes = [1], strides = [1]} : vector<16xi32> to vector<1xi32>
      %squeeze3A_66 = vector.extract %slice3A_65[0] : i32 from vector<1xi32>
      %slice3A_67 = vector.extract_strided_slice %get3A_18 {offsets = [12], sizes = [1], strides = [1]} : vector<16xi32> to vector<1xi32>
      %squeeze3A_68 = vector.extract %slice3A_67[0] : i32 from vector<1xi32>
      %slice3A_69 = vector.extract_strided_slice %get3A_20 {offsets = [12], sizes = [1], strides = [1]} : vector<16xi32> to vector<1xi32>
      %squeeze3A_70 = vector.extract %slice3A_69[0] : i32 from vector<1xi32>
      %slice3A_71 = vector.extract_strided_slice %get3A_18 {offsets = [13], sizes = [1], strides = [1]} : vector<16xi32> to vector<1xi32>
      %squeeze3A_72 = vector.extract %slice3A_71[0] : i32 from vector<1xi32>
      %slice3A_73 = vector.extract_strided_slice %get3A_20 {offsets = [13], sizes = [1], strides = [1]} : vector<16xi32> to vector<1xi32>
      %squeeze3A_74 = vector.extract %slice3A_73[0] : i32 from vector<1xi32>
      %slice3A_75 = vector.extract_strided_slice %get3A_18 {offsets = [14], sizes = [1], strides = [1]} : vector<16xi32> to vector<1xi32>
      %squeeze3A_76 = vector.extract %slice3A_75[0] : i32 from vector<1xi32>
      %slice3A_77 = vector.extract_strided_slice %get3A_20 {offsets = [14], sizes = [1], strides = [1]} : vector<16xi32> to vector<1xi32>
      %squeeze3A_78 = vector.extract %slice3A_77[0] : i32 from vector<1xi32>
      %slice3A_79 = vector.extract_strided_slice %get3A_18 {offsets = [15], sizes = [1], strides = [1]} : vector<16xi32> to vector<1xi32>
      %squeeze3A_80 = vector.extract %slice3A_79[0] : i32 from vector<1xi32>
      %slice3A_81 = vector.extract_strided_slice %get3A_20 {offsets = [15], sizes = [1], strides = [1]} : vector<16xi32> to vector<1xi32>
      %squeeze3A_82 = vector.extract %slice3A_81[0] : i32 from vector<1xi32>
      %mul3A_83 = arith.constant 16 : i32
      %mul3A_84 = arith.muli %scan3A_14, %mul3A_83 : i32
      %shift_right_arithmetic3A = arith.constant 7 : i32
      %shift_right_arithmetic3A_85 = arith.shrsi %squeeze3A, %shift_right_arithmetic3A : i32
      %mul3A_86 = arith.constant 128 : i32
      %mul3A_87 = arith.muli %shift_right_arithmetic3A_85, %mul3A_86 : i32
      %multiple_of3A_88 = tpu.assume_multiple %mul3A_87, 128 : i32
      %shift_right_arithmetic3A_89 = arith.constant 7 : i32
      %shift_right_arithmetic3A_90 = arith.shrsi %squeeze3A_22, %shift_right_arithmetic3A_89 : i32
      %mul3A_91 = arith.constant 128 : i32
      %mul3A_92 = arith.muli %shift_right_arithmetic3A_90, %mul3A_91 : i32
      %multiple_of3A_93 = tpu.assume_multiple %mul3A_92, 128 : i32
      %dma_start3A_94 = arith.constant 0 : i32
      %dma_start3A_95 = arith.constant 0 : i32
      %dma_start3A_96 = tpu.memref_slice %arg10[%dma_start3A_94, %dma_start3A_95] : memref<256x128xf32, #tpu.memory_space<vmem>> -> memref<32x128xf32, #tpu.memory_space<vmem>>
      %dma_start3A_97 = arith.constant 0 : i32
      %dma_start3A_98 = tpu.memref_slice %arg2[%dma_start3A_97, %multiple_of3A_88] : memref<32x1000000xf32, #tpu.memory_space<hbm>> -> memref<32x128xf32, #tpu.memory_space<hbm>>
      %dma_start3A_99 = arith.constant 0 : i32
      %dma_start3A_100 = arith.constant 0 : i32
      %dma_start3A_101 = tpu.memref_slice %arg10[%dma_start3A_99, %dma_start3A_100] : memref<256x128xf32, #tpu.memory_space<vmem>> -> memref<32x128xf32, #tpu.memory_space<vmem>>
      %dma_start3A_102 = arith.constant 0 : i32
      %dma_start3A_103 = tpu.memref_slice %arg2[%dma_start3A_102, %multiple_of3A_88] : memref<32x1000000xf32, #tpu.memory_space<hbm>> -> memref<32x128xf32, #tpu.memory_space<hbm>>
      tpu.enqueue_dma source(%dma_start3A_103 : memref<32x128xf32, #tpu.memory_space<hbm>>) target(%dma_start3A_101 : memref<32x128xf32, #tpu.memory_space<vmem>>) target_semaphore(%arg15 : memref<!tpu.dma_semaphore, #tpu.memory_space<semaphore_mem>>)
      %dma_start3A_104 = arith.constant 0 : i32
      %dma_start3A_105 = arith.constant 0 : i32
      %dma_start3A_106 = tpu.memref_slice %arg11[%dma_start3A_104, %dma_start3A_105] : memref<256x128xf32, #tpu.memory_space<vmem>> -> memref<32x128xf32, #tpu.memory_space<vmem>>
      %dma_start3A_107 = arith.constant 0 : i32
      %dma_start3A_108 = tpu.memref_slice %arg3[%dma_start3A_107, %multiple_of3A_93] : memref<32x1000000xf32, #tpu.memory_space<hbm>> -> memref<32x128xf32, #tpu.memory_space<hbm>>
      %dma_start3A_109 = arith.constant 0 : i32
      %dma_start3A_110 = arith.constant 0 : i32
      %dma_start3A_111 = tpu.memref_slice %arg11[%dma_start3A_109, %dma_start3A_110] : memref<256x128xf32, #tpu.memory_space<vmem>> -> memref<32x128xf32, #tpu.memory_space<vmem>>
      %dma_start3A_112 = arith.constant 0 : i32
      %dma_start3A_113 = tpu.memref_slice %arg3[%dma_start3A_112, %multiple_of3A_93] : memref<32x1000000xf32, #tpu.memory_space<hbm>> -> memref<32x128xf32, #tpu.memory_space<hbm>>
      tpu.enqueue_dma source(%dma_start3A_113 : memref<32x128xf32, #tpu.memory_space<hbm>>) target(%dma_start3A_111 : memref<32x128xf32, #tpu.memory_space<vmem>>) target_semaphore(%arg15 : memref<!tpu.dma_semaphore, #tpu.memory_space<semaphore_mem>>)
      %shift_right_arithmetic3A_114 = arith.constant 7 : i32
      %shift_right_arithmetic3A_115 = arith.shrsi %squeeze3A_24, %shift_right_arithmetic3A_114 : i32
      %mul3A_116 = arith.constant 128 : i32
      %mul3A_117 = arith.muli %shift_right_arithmetic3A_115, %mul3A_116 : i32
      %multiple_of3A_118 = tpu.assume_multiple %mul3A_117, 128 : i32
      %shift_right_arithmetic3A_119 = arith.constant 7 : i32
      %shift_right_arithmetic3A_120 = arith.shrsi %squeeze3A_26, %shift_right_arithmetic3A_119 : i32
      %mul3A_121 = arith.constant 128 : i32
      %mul3A_122 = arith.muli %shift_right_arithmetic3A_120, %mul3A_121 : i32
      %multiple_of3A_123 = tpu.assume_multiple %mul3A_122, 128 : i32
      %dma_start3A_124 = arith.constant 32 : i32
      %dma_start3A_125 = arith.constant 0 : i32
      %dma_start3A_126 = tpu.memref_slice %arg10[%dma_start3A_124, %dma_start3A_125] : memref<256x128xf32, #tpu.memory_space<vmem>> -> memref<32x128xf32, #tpu.memory_space<vmem>>
      %dma_start3A_127 = arith.constant 0 : i32
      %dma_start3A_128 = tpu.memref_slice %arg2[%dma_start3A_127, %multiple_of3A_118] : memref<32x1000000xf32, #tpu.memory_space<hbm>> -> memref<32x128xf32, #tpu.memory_space<hbm>>
      %dma_start3A_129 = arith.constant 32 : i32
      %dma_start3A_130 = arith.constant 0 : i32
      %dma_start3A_131 = tpu.memref_slice %arg10[%dma_start3A_129, %dma_start3A_130] : memref<256x128xf32, #tpu.memory_space<vmem>> -> memref<32x128xf32, #tpu.memory_space<vmem>>
      %dma_start3A_132 = arith.constant 0 : i32
      %dma_start3A_133 = tpu.memref_slice %arg2[%dma_start3A_132, %multiple_of3A_118] : memref<32x1000000xf32, #tpu.memory_space<hbm>> -> memref<32x128xf32, #tpu.memory_space<hbm>>
      tpu.enqueue_dma source(%dma_start3A_133 : memref<32x128xf32, #tpu.memory_space<hbm>>) target(%dma_start3A_131 : memref<32x128xf32, #tpu.memory_space<vmem>>) target_semaphore(%arg15 : memref<!tpu.dma_semaphore, #tpu.memory_space<semaphore_mem>>)
      %dma_start3A_134 = arith.constant 32 : i32
      %dma_start3A_135 = arith.constant 0 : i32
      %dma_start3A_136 = tpu.memref_slice %arg11[%dma_start3A_134, %dma_start3A_135] : memref<256x128xf32, #tpu.memory_space<vmem>> -> memref<32x128xf32, #tpu.memory_space<vmem>>
      %dma_start3A_137 = arith.constant 0 : i32
      %dma_start3A_138 = tpu.memref_slice %arg3[%dma_start3A_137, %multiple_of3A_123] : memref<32x1000000xf32, #tpu.memory_space<hbm>> -> memref<32x128xf32, #tpu.memory_space<hbm>>
      %dma_start3A_139 = arith.constant 32 : i32
      %dma_start3A_140 = arith.constant 0 : i32
      %dma_start3A_141 = tpu.memref_slice %arg11[%dma_start3A_139, %dma_start3A_140] : memref<256x128xf32, #tpu.memory_space<vmem>> -> memref<32x128xf32, #tpu.memory_space<vmem>>
      %dma_start3A_142 = arith.constant 0 : i32
      %dma_start3A_143 = tpu.memref_slice %arg3[%dma_start3A_142, %multiple_of3A_123] : memref<32x1000000xf32, #tpu.memory_space<hbm>> -> memref<32x128xf32, #tpu.memory_space<hbm>>
      tpu.enqueue_dma source(%dma_start3A_143 : memref<32x128xf32, #tpu.memory_space<hbm>>) target(%dma_start3A_141 : memref<32x128xf32, #tpu.memory_space<vmem>>) target_semaphore(%arg15 : memref<!tpu.dma_semaphore, #tpu.memory_space<semaphore_mem>>)
      %shift_right_arithmetic3A_144 = arith.constant 7 : i32
      %shift_right_arithmetic3A_145 = arith.shrsi %squeeze3A_28, %shift_right_arithmetic3A_144 : i32
      %mul3A_146 = arith.constant 128 : i32
      %mul3A_147 = arith.muli %shift_right_arithmetic3A_145, %mul3A_146 : i32
      %multiple_of3A_148 = tpu.assume_multiple %mul3A_147, 128 : i32
      %shift_right_arithmetic3A_149 = arith.constant 7 : i32
      %shift_right_arithmetic3A_150 = arith.shrsi %squeeze3A_30, %shift_right_arithmetic3A_149 : i32
      %mul3A_151 = arith.constant 128 : i32
      %mul3A_152 = arith.muli %shift_right_arithmetic3A_150, %mul3A_151 : i32
      %multiple_of3A_153 = tpu.assume_multiple %mul3A_152, 128 : i32
      %dma_start3A_154 = arith.constant 64 : i32
      %dma_start3A_155 = arith.constant 0 : i32
      %dma_start3A_156 = tpu.memref_slice %arg10[%dma_start3A_154, %dma_start3A_155] : memref<256x128xf32, #tpu.memory_space<vmem>> -> memref<32x128xf32, #tpu.memory_space<vmem>>
      %dma_start3A_157 = arith.constant 0 : i32
      %dma_start3A_158 = tpu.memref_slice %arg2[%dma_start3A_157, %multiple_of3A_148] : memref<32x1000000xf32, #tpu.memory_space<hbm>> -> memref<32x128xf32, #tpu.memory_space<hbm>>
      %dma_start3A_159 = arith.constant 64 : i32
      %dma_start3A_160 = arith.constant 0 : i32
      %dma_start3A_161 = tpu.memref_slice %arg10[%dma_start3A_159, %dma_start3A_160] : memref<256x128xf32, #tpu.memory_space<vmem>> -> memref<32x128xf32, #tpu.memory_space<vmem>>
      %dma_start3A_162 = arith.constant 0 : i32
      %dma_start3A_163 = tpu.memref_slice %arg2[%dma_start3A_162, %multiple_of3A_148] : memref<32x1000000xf32, #tpu.memory_space<hbm>> -> memref<32x128xf32, #tpu.memory_space<hbm>>
      tpu.enqueue_dma source(%dma_start3A_163 : memref<32x128xf32, #tpu.memory_space<hbm>>) target(%dma_start3A_161 : memref<32x128xf32, #tpu.memory_space<vmem>>) target_semaphore(%arg15 : memref<!tpu.dma_semaphore, #tpu.memory_space<semaphore_mem>>)
      %dma_start3A_164 = arith.constant 64 : i32
      %dma_start3A_165 = arith.constant 0 : i32
      %dma_start3A_166 = tpu.memref_slice %arg11[%dma_start3A_164, %dma_start3A_165] : memref<256x128xf32, #tpu.memory_space<vmem>> -> memref<32x128xf32, #tpu.memory_space<vmem>>
      %dma_start3A_167 = arith.constant 0 : i32
      %dma_start3A_168 = tpu.memref_slice %arg3[%dma_start3A_167, %multiple_of3A_153] : memref<32x1000000xf32, #tpu.memory_space<hbm>> -> memref<32x128xf32, #tpu.memory_space<hbm>>
      %dma_start3A_169 = arith.constant 64 : i32
      %dma_start3A_170 = arith.constant 0 : i32
      %dma_start3A_171 = tpu.memref_slice %arg11[%dma_start3A_169, %dma_start3A_170] : memref<256x128xf32, #tpu.memory_space<vmem>> -> memref<32x128xf32, #tpu.memory_space<vmem>>
      %dma_start3A_172 = arith.constant 0 : i32
      %dma_start3A_173 = tpu.memref_slice %arg3[%dma_start3A_172, %multiple_of3A_153] : memref<32x1000000xf32, #tpu.memory_space<hbm>> -> memref<32x128xf32, #tpu.memory_space<hbm>>
      tpu.enqueue_dma source(%dma_start3A_173 : memref<32x128xf32, #tpu.memory_space<hbm>>) target(%dma_start3A_171 : memref<32x128xf32, #tpu.memory_space<vmem>>) target_semaphore(%arg15 : memref<!tpu.dma_semaphore, #tpu.memory_space<semaphore_mem>>)
      %shift_right_arithmetic3A_174 = arith.constant 7 : i32
      %shift_right_arithmetic3A_175 = arith.shrsi %squeeze3A_32, %shift_right_arithmetic3A_174 : i32
      %mul3A_176 = arith.constant 128 : i32
      %mul3A_177 = arith.muli %shift_right_arithmetic3A_175, %mul3A_176 : i32
      %multiple_of3A_178 = tpu.assume_multiple %mul3A_177, 128 : i32
      %shift_right_arithmetic3A_179 = arith.constant 7 : i32
      %shift_right_arithmetic3A_180 = arith.shrsi %squeeze3A_34, %shift_right_arithmetic3A_179 : i32
      %mul3A_181 = arith.constant 128 : i32
      %mul3A_182 = arith.muli %shift_right_arithmetic3A_180, %mul3A_181 : i32
      %multiple_of3A_183 = tpu.assume_multiple %mul3A_182, 128 : i32
      %dma_start3A_184 = arith.constant 96 : i32
      %dma_start3A_185 = arith.constant 0 : i32
      %dma_start3A_186 = tpu.memref_slice %arg10[%dma_start3A_184, %dma_start3A_185] : memref<256x128xf32, #tpu.memory_space<vmem>> -> memref<32x128xf32, #tpu.memory_space<vmem>>
      %dma_start3A_187 = arith.constant 0 : i32
      %dma_start3A_188 = tpu.memref_slice %arg2[%dma_start3A_187, %multiple_of3A_178] : memref<32x1000000xf32, #tpu.memory_space<hbm>> -> memref<32x128xf32, #tpu.memory_space<hbm>>
      %dma_start3A_189 = arith.constant 96 : i32
      %dma_start3A_190 = arith.constant 0 : i32
      %dma_start3A_191 = tpu.memref_slice %arg10[%dma_start3A_189, %dma_start3A_190] : memref<256x128xf32, #tpu.memory_space<vmem>> -> memref<32x128xf32, #tpu.memory_space<vmem>>
      %dma_start3A_192 = arith.constant 0 : i32
      %dma_start3A_193 = tpu.memref_slice %arg2[%dma_start3A_192, %multiple_of3A_178] : memref<32x1000000xf32, #tpu.memory_space<hbm>> -> memref<32x128xf32, #tpu.memory_space<hbm>>
      tpu.enqueue_dma source(%dma_start3A_193 : memref<32x128xf32, #tpu.memory_space<hbm>>) target(%dma_start3A_191 : memref<32x128xf32, #tpu.memory_space<vmem>>) target_semaphore(%arg15 : memref<!tpu.dma_semaphore, #tpu.memory_space<semaphore_mem>>)
      %dma_start3A_194 = arith.constant 96 : i32
      %dma_start3A_195 = arith.constant 0 : i32
      %dma_start3A_196 = tpu.memref_slice %arg11[%dma_start3A_194, %dma_start3A_195] : memref<256x128xf32, #tpu.memory_space<vmem>> -> memref<32x128xf32, #tpu.memory_space<vmem>>
      %dma_start3A_197 = arith.constant 0 : i32
      %dma_start3A_198 = tpu.memref_slice %arg3[%dma_start3A_197, %multiple_of3A_183] : memref<32x1000000xf32, #tpu.memory_space<hbm>> -> memref<32x128xf32, #tpu.memory_space<hbm>>
      %dma_start3A_199 = arith.constant 96 : i32
      %dma_start3A_200 = arith.constant 0 : i32
      %dma_start3A_201 = tpu.memref_slice %arg11[%dma_start3A_199, %dma_start3A_200] : memref<256x128xf32, #tpu.memory_space<vmem>> -> memref<32x128xf32, #tpu.memory_space<vmem>>
      %dma_start3A_202 = arith.constant 0 : i32
      %dma_start3A_203 = tpu.memref_slice %arg3[%dma_start3A_202, %multiple_of3A_183] : memref<32x1000000xf32, #tpu.memory_space<hbm>> -> memref<32x128xf32, #tpu.memory_space<hbm>>
      tpu.enqueue_dma source(%dma_start3A_203 : memref<32x128xf32, #tpu.memory_space<hbm>>) target(%dma_start3A_201 : memref<32x128xf32, #tpu.memory_space<vmem>>) target_semaphore(%arg15 : memref<!tpu.dma_semaphore, #tpu.memory_space<semaphore_mem>>)
      %shift_right_arithmetic3A_204 = arith.constant 7 : i32
      %shift_right_arithmetic3A_205 = arith.shrsi %squeeze3A_36, %shift_right_arithmetic3A_204 : i32
      %mul3A_206 = arith.constant 128 : i32
      %mul3A_207 = arith.muli %shift_right_arithmetic3A_205, %mul3A_206 : i32
      %multiple_of3A_208 = tpu.assume_multiple %mul3A_207, 128 : i32
      %shift_right_arithmetic3A_209 = arith.constant 7 : i32
      %shift_right_arithmetic3A_210 = arith.shrsi %squeeze3A_38, %shift_right_arithmetic3A_209 : i32
      %mul3A_211 = arith.constant 128 : i32
      %mul3A_212 = arith.muli %shift_right_arithmetic3A_210, %mul3A_211 : i32
      %multiple_of3A_213 = tpu.assume_multiple %mul3A_212, 128 : i32
      %dma_start3A_214 = arith.constant 128 : i32
      %dma_start3A_215 = arith.constant 0 : i32
      %dma_start3A_216 = tpu.memref_slice %arg10[%dma_start3A_214, %dma_start3A_215] : memref<256x128xf32, #tpu.memory_space<vmem>> -> memref<32x128xf32, #tpu.memory_space<vmem>>
      %dma_start3A_217 = arith.constant 0 : i32
      %dma_start3A_218 = tpu.memref_slice %arg2[%dma_start3A_217, %multiple_of3A_208] : memref<32x1000000xf32, #tpu.memory_space<hbm>> -> memref<32x128xf32, #tpu.memory_space<hbm>>
      %dma_start3A_219 = arith.constant 128 : i32
      %dma_start3A_220 = arith.constant 0 : i32
      %dma_start3A_221 = tpu.memref_slice %arg10[%dma_start3A_219, %dma_start3A_220] : memref<256x128xf32, #tpu.memory_space<vmem>> -> memref<32x128xf32, #tpu.memory_space<vmem>>
      %dma_start3A_222 = arith.constant 0 : i32
      %dma_start3A_223 = tpu.memref_slice %arg2[%dma_start3A_222, %multiple_of3A_208] : memref<32x1000000xf32, #tpu.memory_space<hbm>> -> memref<32x128xf32, #tpu.memory_space<hbm>>
      tpu.enqueue_dma source(%dma_start3A_223 : memref<32x128xf32, #tpu.memory_space<hbm>>) target(%dma_start3A_221 : memref<32x128xf32, #tpu.memory_space<vmem>>) target_semaphore(%arg16 : memref<!tpu.dma_semaphore, #tpu.memory_space<semaphore_mem>>)
      %dma_start3A_224 = arith.constant 128 : i32
      %dma_start3A_225 = arith.constant 0 : i32
      %dma_start3A_226 = tpu.memref_slice %arg11[%dma_start3A_224, %dma_start3A_225] : memref<256x128xf32, #tpu.memory_space<vmem>> -> memref<32x128xf32, #tpu.memory_space<vmem>>
      %dma_start3A_227 = arith.constant 0 : i32
      %dma_start3A_228 = tpu.memref_slice %arg3[%dma_start3A_227, %multiple_of3A_213] : memref<32x1000000xf32, #tpu.memory_space<hbm>> -> memref<32x128xf32, #tpu.memory_space<hbm>>
      %dma_start3A_229 = arith.constant 128 : i32
      %dma_start3A_230 = arith.constant 0 : i32
      %dma_start3A_231 = tpu.memref_slice %arg11[%dma_start3A_229, %dma_start3A_230] : memref<256x128xf32, #tpu.memory_space<vmem>> -> memref<32x128xf32, #tpu.memory_space<vmem>>
      %dma_start3A_232 = arith.constant 0 : i32
      %dma_start3A_233 = tpu.memref_slice %arg3[%dma_start3A_232, %multiple_of3A_213] : memref<32x1000000xf32, #tpu.memory_space<hbm>> -> memref<32x128xf32, #tpu.memory_space<hbm>>
      tpu.enqueue_dma source(%dma_start3A_233 : memref<32x128xf32, #tpu.memory_space<hbm>>) target(%dma_start3A_231 : memref<32x128xf32, #tpu.memory_space<vmem>>) target_semaphore(%arg16 : memref<!tpu.dma_semaphore, #tpu.memory_space<semaphore_mem>>)
      %shift_right_arithmetic3A_234 = arith.constant 7 : i32
      %shift_right_arithmetic3A_235 = arith.shrsi %squeeze3A_40, %shift_right_arithmetic3A_234 : i32
      %mul3A_236 = arith.constant 128 : i32
      %mul3A_237 = arith.muli %shift_right_arithmetic3A_235, %mul3A_236 : i32
      %multiple_of3A_238 = tpu.assume_multiple %mul3A_237, 128 : i32
      %shift_right_arithmetic3A_239 = arith.constant 7 : i32
      %shift_right_arithmetic3A_240 = arith.shrsi %squeeze3A_42, %shift_right_arithmetic3A_239 : i32
      %mul3A_241 = arith.constant 128 : i32
      %mul3A_242 = arith.muli %shift_right_arithmetic3A_240, %mul3A_241 : i32
      %multiple_of3A_243 = tpu.assume_multiple %mul3A_242, 128 : i32
      %dma_start3A_244 = arith.constant 160 : i32
      %dma_start3A_245 = arith.constant 0 : i32
      %dma_start3A_246 = tpu.memref_slice %arg10[%dma_start3A_244, %dma_start3A_245] : memref<256x128xf32, #tpu.memory_space<vmem>> -> memref<32x128xf32, #tpu.memory_space<vmem>>
      %dma_start3A_247 = arith.constant 0 : i32
      %dma_start3A_248 = tpu.memref_slice %arg2[%dma_start3A_247, %multiple_of3A_238] : memref<32x1000000xf32, #tpu.memory_space<hbm>> -> memref<32x128xf32, #tpu.memory_space<hbm>>
      %dma_start3A_249 = arith.constant 160 : i32
      %dma_start3A_250 = arith.constant 0 : i32
      %dma_start3A_251 = tpu.memref_slice %arg10[%dma_start3A_249, %dma_start3A_250] : memref<256x128xf32, #tpu.memory_space<vmem>> -> memref<32x128xf32, #tpu.memory_space<vmem>>
      %dma_start3A_252 = arith.constant 0 : i32
      %dma_start3A_253 = tpu.memref_slice %arg2[%dma_start3A_252, %multiple_of3A_238] : memref<32x1000000xf32, #tpu.memory_space<hbm>> -> memref<32x128xf32, #tpu.memory_space<hbm>>
      tpu.enqueue_dma source(%dma_start3A_253 : memref<32x128xf32, #tpu.memory_space<hbm>>) target(%dma_start3A_251 : memref<32x128xf32, #tpu.memory_space<vmem>>) target_semaphore(%arg16 : memref<!tpu.dma_semaphore, #tpu.memory_space<semaphore_mem>>)
      %dma_start3A_254 = arith.constant 160 : i32
      %dma_start3A_255 = arith.constant 0 : i32
      %dma_start3A_256 = tpu.memref_slice %arg11[%dma_start3A_254, %dma_start3A_255] : memref<256x128xf32, #tpu.memory_space<vmem>> -> memref<32x128xf32, #tpu.memory_space<vmem>>
      %dma_start3A_257 = arith.constant 0 : i32
      %dma_start3A_258 = tpu.memref_slice %arg3[%dma_start3A_257, %multiple_of3A_243] : memref<32x1000000xf32, #tpu.memory_space<hbm>> -> memref<32x128xf32, #tpu.memory_space<hbm>>
      %dma_start3A_259 = arith.constant 160 : i32
      %dma_start3A_260 = arith.constant 0 : i32
      %dma_start3A_261 = tpu.memref_slice %arg11[%dma_start3A_259, %dma_start3A_260] : memref<256x128xf32, #tpu.memory_space<vmem>> -> memref<32x128xf32, #tpu.memory_space<vmem>>
      %dma_start3A_262 = arith.constant 0 : i32
      %dma_start3A_263 = tpu.memref_slice %arg3[%dma_start3A_262, %multiple_of3A_243] : memref<32x1000000xf32, #tpu.memory_space<hbm>> -> memref<32x128xf32, #tpu.memory_space<hbm>>
      tpu.enqueue_dma source(%dma_start3A_263 : memref<32x128xf32, #tpu.memory_space<hbm>>) target(%dma_start3A_261 : memref<32x128xf32, #tpu.memory_space<vmem>>) target_semaphore(%arg16 : memref<!tpu.dma_semaphore, #tpu.memory_space<semaphore_mem>>)
      %shift_right_arithmetic3A_264 = arith.constant 7 : i32
      %shift_right_arithmetic3A_265 = arith.shrsi %squeeze3A_44, %shift_right_arithmetic3A_264 : i32
      %mul3A_266 = arith.constant 128 : i32
      %mul3A_267 = arith.muli %shift_right_arithmetic3A_265, %mul3A_266 : i32
      %multiple_of3A_268 = tpu.assume_multiple %mul3A_267, 128 : i32
      %shift_right_arithmetic3A_269 = arith.constant 7 : i32
      %shift_right_arithmetic3A_270 = arith.shrsi %squeeze3A_46, %shift_right_arithmetic3A_269 : i32
      %mul3A_271 = arith.constant 128 : i32
      %mul3A_272 = arith.muli %shift_right_arithmetic3A_270, %mul3A_271 : i32
      %multiple_of3A_273 = tpu.assume_multiple %mul3A_272, 128 : i32
      %dma_start3A_274 = arith.constant 192 : i32
      %dma_start3A_275 = arith.constant 0 : i32
      %dma_start3A_276 = tpu.memref_slice %arg10[%dma_start3A_274, %dma_start3A_275] : memref<256x128xf32, #tpu.memory_space<vmem>> -> memref<32x128xf32, #tpu.memory_space<vmem>>
      %dma_start3A_277 = arith.constant 0 : i32
      %dma_start3A_278 = tpu.memref_slice %arg2[%dma_start3A_277, %multiple_of3A_268] : memref<32x1000000xf32, #tpu.memory_space<hbm>> -> memref<32x128xf32, #tpu.memory_space<hbm>>
      %dma_start3A_279 = arith.constant 192 : i32
      %dma_start3A_280 = arith.constant 0 : i32
      %dma_start3A_281 = tpu.memref_slice %arg10[%dma_start3A_279, %dma_start3A_280] : memref<256x128xf32, #tpu.memory_space<vmem>> -> memref<32x128xf32, #tpu.memory_space<vmem>>
      %dma_start3A_282 = arith.constant 0 : i32
      %dma_start3A_283 = tpu.memref_slice %arg2[%dma_start3A_282, %multiple_of3A_268] : memref<32x1000000xf32, #tpu.memory_space<hbm>> -> memref<32x128xf32, #tpu.memory_space<hbm>>
      tpu.enqueue_dma source(%dma_start3A_283 : memref<32x128xf32, #tpu.memory_space<hbm>>) target(%dma_start3A_281 : memref<32x128xf32, #tpu.memory_space<vmem>>) target_semaphore(%arg16 : memref<!tpu.dma_semaphore, #tpu.memory_space<semaphore_mem>>)
      %dma_start3A_284 = arith.constant 192 : i32
      %dma_start3A_285 = arith.constant 0 : i32
      %dma_start3A_286 = tpu.memref_slice %arg11[%dma_start3A_284, %dma_start3A_285] : memref<256x128xf32, #tpu.memory_space<vmem>> -> memref<32x128xf32, #tpu.memory_space<vmem>>
      %dma_start3A_287 = arith.constant 0 : i32
      %dma_start3A_288 = tpu.memref_slice %arg3[%dma_start3A_287, %multiple_of3A_273] : memref<32x1000000xf32, #tpu.memory_space<hbm>> -> memref<32x128xf32, #tpu.memory_space<hbm>>
      %dma_start3A_289 = arith.constant 192 : i32
      %dma_start3A_290 = arith.constant 0 : i32
      %dma_start3A_291 = tpu.memref_slice %arg11[%dma_start3A_289, %dma_start3A_290] : memref<256x128xf32, #tpu.memory_space<vmem>> -> memref<32x128xf32, #tpu.memory_space<vmem>>
      %dma_start3A_292 = arith.constant 0 : i32
      %dma_start3A_293 = tpu.memref_slice %arg3[%dma_start3A_292, %multiple_of3A_273] : memref<32x1000000xf32, #tpu.memory_space<hbm>> -> memref<32x128xf32, #tpu.memory_space<hbm>>
      tpu.enqueue_dma source(%dma_start3A_293 : memref<32x128xf32, #tpu.memory_space<hbm>>) target(%dma_start3A_291 : memref<32x128xf32, #tpu.memory_space<vmem>>) target_semaphore(%arg16 : memref<!tpu.dma_semaphore, #tpu.memory_space<semaphore_mem>>)
      %shift_right_arithmetic3A_294 = arith.constant 7 : i32
      %shift_right_arithmetic3A_295 = arith.shrsi %squeeze3A_48, %shift_right_arithmetic3A_294 : i32
      %mul3A_296 = arith.constant 128 : i32
      %mul3A_297 = arith.muli %shift_right_arithmetic3A_295, %mul3A_296 : i32
      %multiple_of3A_298 = tpu.assume_multiple %mul3A_297, 128 : i32
      %shift_right_arithmetic3A_299 = arith.constant 7 : i32
      %shift_right_arithmetic3A_300 = arith.shrsi %squeeze3A_50, %shift_right_arithmetic3A_299 : i32
      %mul3A_301 = arith.constant 128 : i32
      %mul3A_302 = arith.muli %shift_right_arithmetic3A_300, %mul3A_301 : i32
      %multiple_of3A_303 = tpu.assume_multiple %mul3A_302, 128 : i32
      %dma_start3A_304 = arith.constant 224 : i32
      %dma_start3A_305 = arith.constant 0 : i32
      %dma_start3A_306 = tpu.memref_slice %arg10[%dma_start3A_304, %dma_start3A_305] : memref<256x128xf32, #tpu.memory_space<vmem>> -> memref<32x128xf32, #tpu.memory_space<vmem>>
      %dma_start3A_307 = arith.constant 0 : i32
      %dma_start3A_308 = tpu.memref_slice %arg2[%dma_start3A_307, %multiple_of3A_298] : memref<32x1000000xf32, #tpu.memory_space<hbm>> -> memref<32x128xf32, #tpu.memory_space<hbm>>
      %dma_start3A_309 = arith.constant 224 : i32
      %dma_start3A_310 = arith.constant 0 : i32
      %dma_start3A_311 = tpu.memref_slice %arg10[%dma_start3A_309, %dma_start3A_310] : memref<256x128xf32, #tpu.memory_space<vmem>> -> memref<32x128xf32, #tpu.memory_space<vmem>>
      %dma_start3A_312 = arith.constant 0 : i32
      %dma_start3A_313 = tpu.memref_slice %arg2[%dma_start3A_312, %multiple_of3A_298] : memref<32x1000000xf32, #tpu.memory_space<hbm>> -> memref<32x128xf32, #tpu.memory_space<hbm>>
      tpu.enqueue_dma source(%dma_start3A_313 : memref<32x128xf32, #tpu.memory_space<hbm>>) target(%dma_start3A_311 : memref<32x128xf32, #tpu.memory_space<vmem>>) target_semaphore(%arg16 : memref<!tpu.dma_semaphore, #tpu.memory_space<semaphore_mem>>)
      %dma_start3A_314 = arith.constant 224 : i32
      %dma_start3A_315 = arith.constant 0 : i32
      %dma_start3A_316 = tpu.memref_slice %arg11[%dma_start3A_314, %dma_start3A_315] : memref<256x128xf32, #tpu.memory_space<vmem>> -> memref<32x128xf32, #tpu.memory_space<vmem>>
      %dma_start3A_317 = arith.constant 0 : i32
      %dma_start3A_318 = tpu.memref_slice %arg3[%dma_start3A_317, %multiple_of3A_303] : memref<32x1000000xf32, #tpu.memory_space<hbm>> -> memref<32x128xf32, #tpu.memory_space<hbm>>
      %dma_start3A_319 = arith.constant 224 : i32
      %dma_start3A_320 = arith.constant 0 : i32
      %dma_start3A_321 = tpu.memref_slice %arg11[%dma_start3A_319, %dma_start3A_320] : memref<256x128xf32, #tpu.memory_space<vmem>> -> memref<32x128xf32, #tpu.memory_space<vmem>>
      %dma_start3A_322 = arith.constant 0 : i32
      %dma_start3A_323 = tpu.memref_slice %arg3[%dma_start3A_322, %multiple_of3A_303] : memref<32x1000000xf32, #tpu.memory_space<hbm>> -> memref<32x128xf32, #tpu.memory_space<hbm>>
      tpu.enqueue_dma source(%dma_start3A_323 : memref<32x128xf32, #tpu.memory_space<hbm>>) target(%dma_start3A_321 : memref<32x128xf32, #tpu.memory_space<vmem>>) target_semaphore(%arg16 : memref<!tpu.dma_semaphore, #tpu.memory_space<semaphore_mem>>)
      %dma_wait3A_324 = arith.constant 0 : i32
      %dma_wait3A_325 = arith.constant 0 : i32
      %dma_wait3A_326 = tpu.memref_slice %arg10[%dma_wait3A_324, %dma_wait3A_325] : memref<256x128xf32, #tpu.memory_space<vmem>> -> memref<32x128xf32, #tpu.memory_space<vmem>>
      %dma_wait3A_327 = arith.constant 0 : i32
      %dma_wait3A_328 = arith.constant 0 : i32
      %dma_wait3A_329 = tpu.memref_slice %arg2[%dma_wait3A_327, %dma_wait3A_328] : memref<32x1000000xf32, #tpu.memory_space<hbm>> -> memref<32x128xf32, #tpu.memory_space<hbm>>
      %dma_wait3A_330 = arith.constant 0 : i32
      %dma_wait3A_331 = arith.constant 0 : i32
      %dma_wait3A_332 = tpu.memref_slice %arg10[%dma_wait3A_330, %dma_wait3A_331] : memref<256x128xf32, #tpu.memory_space<vmem>> -> memref<32x128xf32, #tpu.memory_space<vmem>>
      %dma_wait3A_333 = arith.constant 0 : i32
      %dma_wait3A_334 = arith.constant 0 : i32
      %dma_wait3A_335 = tpu.memref_slice %arg2[%dma_wait3A_333, %dma_wait3A_334] : memref<32x1000000xf32, #tpu.memory_space<hbm>> -> memref<32x128xf32, #tpu.memory_space<hbm>>
      tpu.wait_dma2 semaphore(%arg15 : memref<!tpu.dma_semaphore, #tpu.memory_space<semaphore_mem>>) src(%dma_wait3A_335 : memref<32x128xf32, #tpu.memory_space<hbm>>) dst(%dma_wait3A_332 : memref<32x128xf32, #tpu.memory_space<vmem>>)
      %dma_wait3A_336 = arith.constant 0 : i32
      %dma_wait3A_337 = arith.constant 0 : i32
      %dma_wait3A_338 = tpu.memref_slice %arg10[%dma_wait3A_336, %dma_wait3A_337] : memref<256x128xf32, #tpu.memory_space<vmem>> -> memref<32x128xf32, #tpu.memory_space<vmem>>
      %dma_wait3A_339 = arith.constant 0 : i32
      %dma_wait3A_340 = arith.constant 0 : i32
      %dma_wait3A_341 = tpu.memref_slice %arg2[%dma_wait3A_339, %dma_wait3A_340] : memref<32x1000000xf32, #tpu.memory_space<hbm>> -> memref<32x128xf32, #tpu.memory_space<hbm>>
      %dma_wait3A_342 = arith.constant 0 : i32
      %dma_wait3A_343 = arith.constant 0 : i32
      %dma_wait3A_344 = tpu.memref_slice %arg10[%dma_wait3A_342, %dma_wait3A_343] : memref<256x128xf32, #tpu.memory_space<vmem>> -> memref<32x128xf32, #tpu.memory_space<vmem>>
      %dma_wait3A_345 = arith.constant 0 : i32
      %dma_wait3A_346 = arith.constant 0 : i32
      %dma_wait3A_347 = tpu.memref_slice %arg2[%dma_wait3A_345, %dma_wait3A_346] : memref<32x1000000xf32, #tpu.memory_space<hbm>> -> memref<32x128xf32, #tpu.memory_space<hbm>>
      tpu.wait_dma2 semaphore(%arg15 : memref<!tpu.dma_semaphore, #tpu.memory_space<semaphore_mem>>) src(%dma_wait3A_347 : memref<32x128xf32, #tpu.memory_space<hbm>>) dst(%dma_wait3A_344 : memref<32x128xf32, #tpu.memory_space<vmem>>)
      %dma_wait3A_348 = arith.constant 0 : i32
      %dma_wait3A_349 = arith.constant 0 : i32
      %dma_wait3A_350 = tpu.memref_slice %arg10[%dma_wait3A_348, %dma_wait3A_349] : memref<256x128xf32, #tpu.memory_space<vmem>> -> memref<32x128xf32, #tpu.memory_space<vmem>>
      %dma_wait3A_351 = arith.constant 0 : i32
      %dma_wait3A_352 = arith.constant 0 : i32
      %dma_wait3A_353 = tpu.memref_slice %arg2[%dma_wait3A_351, %dma_wait3A_352] : memref<32x1000000xf32, #tpu.memory_space<hbm>> -> memref<32x128xf32, #tpu.memory_space<hbm>>
      %dma_wait3A_354 = arith.constant 0 : i32
      %dma_wait3A_355 = arith.constant 0 : i32
      %dma_wait3A_356 = tpu.memref_slice %arg10[%dma_wait3A_354, %dma_wait3A_355] : memref<256x128xf32, #tpu.memory_space<vmem>> -> memref<32x128xf32, #tpu.memory_space<vmem>>
      %dma_wait3A_357 = arith.constant 0 : i32
      %dma_wait3A_358 = arith.constant 0 : i32
      %dma_wait3A_359 = tpu.memref_slice %arg2[%dma_wait3A_357, %dma_wait3A_358] : memref<32x1000000xf32, #tpu.memory_space<hbm>> -> memref<32x128xf32, #tpu.memory_space<hbm>>
      tpu.wait_dma2 semaphore(%arg15 : memref<!tpu.dma_semaphore, #tpu.memory_space<semaphore_mem>>) src(%dma_wait3A_359 : memref<32x128xf32, #tpu.memory_space<hbm>>) dst(%dma_wait3A_356 : memref<32x128xf32, #tpu.memory_space<vmem>>)
      %dma_wait3A_360 = arith.constant 0 : i32
      %dma_wait3A_361 = arith.constant 0 : i32
      %dma_wait3A_362 = tpu.memref_slice %arg10[%dma_wait3A_360, %dma_wait3A_361] : memref<256x128xf32, #tpu.memory_space<vmem>> -> memref<32x128xf32, #tpu.memory_space<vmem>>
      %dma_wait3A_363 = arith.constant 0 : i32
      %dma_wait3A_364 = arith.constant 0 : i32
      %dma_wait3A_365 = tpu.memref_slice %arg2[%dma_wait3A_363, %dma_wait3A_364] : memref<32x1000000xf32, #tpu.memory_space<hbm>> -> memref<32x128xf32, #tpu.memory_space<hbm>>
      %dma_wait3A_366 = arith.constant 0 : i32
      %dma_wait3A_367 = arith.constant 0 : i32
      %dma_wait3A_368 = tpu.memref_slice %arg10[%dma_wait3A_366, %dma_wait3A_367] : memref<256x128xf32, #tpu.memory_space<vmem>> -> memref<32x128xf32, #tpu.memory_space<vmem>>
      %dma_wait3A_369 = arith.constant 0 : i32
      %dma_wait3A_370 = arith.constant 0 : i32
      %dma_wait3A_371 = tpu.memref_slice %arg2[%dma_wait3A_369, %dma_wait3A_370] : memref<32x1000000xf32, #tpu.memory_space<hbm>> -> memref<32x128xf32, #tpu.memory_space<hbm>>
      tpu.wait_dma2 semaphore(%arg15 : memref<!tpu.dma_semaphore, #tpu.memory_space<semaphore_mem>>) src(%dma_wait3A_371 : memref<32x128xf32, #tpu.memory_space<hbm>>) dst(%dma_wait3A_368 : memref<32x128xf32, #tpu.memory_space<vmem>>)
      %dma_wait3A_372 = arith.constant 0 : i32
      %dma_wait3A_373 = arith.constant 0 : i32
      %dma_wait3A_374 = tpu.memref_slice %arg10[%dma_wait3A_372, %dma_wait3A_373] : memref<256x128xf32, #tpu.memory_space<vmem>> -> memref<32x128xf32, #tpu.memory_space<vmem>>
      %dma_wait3A_375 = arith.constant 0 : i32
      %dma_wait3A_376 = arith.constant 0 : i32
      %dma_wait3A_377 = tpu.memref_slice %arg2[%dma_wait3A_375, %dma_wait3A_376] : memref<32x1000000xf32, #tpu.memory_space<hbm>> -> memref<32x128xf32, #tpu.memory_space<hbm>>
      %dma_wait3A_378 = arith.constant 0 : i32
      %dma_wait3A_379 = arith.constant 0 : i32
      %dma_wait3A_380 = tpu.memref_slice %arg10[%dma_wait3A_378, %dma_wait3A_379] : memref<256x128xf32, #tpu.memory_space<vmem>> -> memref<32x128xf32, #tpu.memory_space<vmem>>
      %dma_wait3A_381 = arith.constant 0 : i32
      %dma_wait3A_382 = arith.constant 0 : i32
      %dma_wait3A_383 = tpu.memref_slice %arg2[%dma_wait3A_381, %dma_wait3A_382] : memref<32x1000000xf32, #tpu.memory_space<hbm>> -> memref<32x128xf32, #tpu.memory_space<hbm>>
      tpu.wait_dma2 semaphore(%arg15 : memref<!tpu.dma_semaphore, #tpu.memory_space<semaphore_mem>>) src(%dma_wait3A_383 : memref<32x128xf32, #tpu.memory_space<hbm>>) dst(%dma_wait3A_380 : memref<32x128xf32, #tpu.memory_space<vmem>>)
      %dma_wait3A_384 = arith.constant 0 : i32
      %dma_wait3A_385 = arith.constant 0 : i32
      %dma_wait3A_386 = tpu.memref_slice %arg10[%dma_wait3A_384, %dma_wait3A_385] : memref<256x128xf32, #tpu.memory_space<vmem>> -> memref<32x128xf32, #tpu.memory_space<vmem>>
      %dma_wait3A_387 = arith.constant 0 : i32
      %dma_wait3A_388 = arith.constant 0 : i32
      %dma_wait3A_389 = tpu.memref_slice %arg2[%dma_wait3A_387, %dma_wait3A_388] : memref<32x1000000xf32, #tpu.memory_space<hbm>> -> memref<32x128xf32, #tpu.memory_space<hbm>>
      %dma_wait3A_390 = arith.constant 0 : i32
      %dma_wait3A_391 = arith.constant 0 : i32
      %dma_wait3A_392 = tpu.memref_slice %arg10[%dma_wait3A_390, %dma_wait3A_391] : memref<256x128xf32, #tpu.memory_space<vmem>> -> memref<32x128xf32, #tpu.memory_space<vmem>>
      %dma_wait3A_393 = arith.constant 0 : i32
      %dma_wait3A_394 = arith.constant 0 : i32
      %dma_wait3A_395 = tpu.memref_slice %arg2[%dma_wait3A_393, %dma_wait3A_394] : memref<32x1000000xf32, #tpu.memory_space<hbm>> -> memref<32x128xf32, #tpu.memory_space<hbm>>
      tpu.wait_dma2 semaphore(%arg15 : memref<!tpu.dma_semaphore, #tpu.memory_space<semaphore_mem>>) src(%dma_wait3A_395 : memref<32x128xf32, #tpu.memory_space<hbm>>) dst(%dma_wait3A_392 : memref<32x128xf32, #tpu.memory_space<vmem>>)
      %dma_wait3A_396 = arith.constant 0 : i32
      %dma_wait3A_397 = arith.constant 0 : i32
      %dma_wait3A_398 = tpu.memref_slice %arg10[%dma_wait3A_396, %dma_wait3A_397] : memref<256x128xf32, #tpu.memory_space<vmem>> -> memref<32x128xf32, #tpu.memory_space<vmem>>
      %dma_wait3A_399 = arith.constant 0 : i32
      %dma_wait3A_400 = arith.constant 0 : i32
      %dma_wait3A_401 = tpu.memref_slice %arg2[%dma_wait3A_399, %dma_wait3A_400] : memref<32x1000000xf32, #tpu.memory_space<hbm>> -> memref<32x128xf32, #tpu.memory_space<hbm>>
      %dma_wait3A_402 = arith.constant 0 : i32
      %dma_wait3A_403 = arith.constant 0 : i32
      %dma_wait3A_404 = tpu.memref_slice %arg10[%dma_wait3A_402, %dma_wait3A_403] : memref<256x128xf32, #tpu.memory_space<vmem>> -> memref<32x128xf32, #tpu.memory_space<vmem>>
      %dma_wait3A_405 = arith.constant 0 : i32
      %dma_wait3A_406 = arith.constant 0 : i32
      %dma_wait3A_407 = tpu.memref_slice %arg2[%dma_wait3A_405, %dma_wait3A_406] : memref<32x1000000xf32, #tpu.memory_space<hbm>> -> memref<32x128xf32, #tpu.memory_space<hbm>>
      tpu.wait_dma2 semaphore(%arg15 : memref<!tpu.dma_semaphore, #tpu.memory_space<semaphore_mem>>) src(%dma_wait3A_407 : memref<32x128xf32, #tpu.memory_space<hbm>>) dst(%dma_wait3A_404 : memref<32x128xf32, #tpu.memory_space<vmem>>)
      %dma_wait3A_408 = arith.constant 0 : i32
      %dma_wait3A_409 = arith.constant 0 : i32
      %dma_wait3A_410 = tpu.memref_slice %arg10[%dma_wait3A_408, %dma_wait3A_409] : memref<256x128xf32, #tpu.memory_space<vmem>> -> memref<32x128xf32, #tpu.memory_space<vmem>>
      %dma_wait3A_411 = arith.constant 0 : i32
      %dma_wait3A_412 = arith.constant 0 : i32
      %dma_wait3A_413 = tpu.memref_slice %arg2[%dma_wait3A_411, %dma_wait3A_412] : memref<32x1000000xf32, #tpu.memory_space<hbm>> -> memref<32x128xf32, #tpu.memory_space<hbm>>
      %dma_wait3A_414 = arith.constant 0 : i32
      %dma_wait3A_415 = arith.constant 0 : i32
      %dma_wait3A_416 = tpu.memref_slice %arg10[%dma_wait3A_414, %dma_wait3A_415] : memref<256x128xf32, #tpu.memory_space<vmem>> -> memref<32x128xf32, #tpu.memory_space<vmem>>
      %dma_wait3A_417 = arith.constant 0 : i32
      %dma_wait3A_418 = arith.constant 0 : i32
      %dma_wait3A_419 = tpu.memref_slice %arg2[%dma_wait3A_417, %dma_wait3A_418] : memref<32x1000000xf32, #tpu.memory_space<hbm>> -> memref<32x128xf32, #tpu.memory_space<hbm>>
      tpu.wait_dma2 semaphore(%arg15 : memref<!tpu.dma_semaphore, #tpu.memory_space<semaphore_mem>>) src(%dma_wait3A_419 : memref<32x128xf32, #tpu.memory_space<hbm>>) dst(%dma_wait3A_416 : memref<32x128xf32, #tpu.memory_space<vmem>>)
      %add3A_420 = arith.constant 0 : i32
      %add3A_421 = arith.addi %mul3A_84, %add3A_420 : i32
      %mul3A_422 = arith.constant 0 : i32
      %mul3A_423 = vector.broadcast %mul3A_422 : i32 to vector<16xi32>
      %mul3A_424 = arith.muli %mul3A_423, %iota3A : vector<16xi32>
      %add3A_425 = vector.broadcast %add3A_421 : i32 to vector<16xi32>
      %add3A_426 = arith.addi %add3A_425, %mul3A_424 : vector<16xi32>
      %and3A = arith.constant 127 : i32
      %and3A_427 = arith.andi %squeeze3A, %and3A : i32
      %mul3A_428 = arith.constant 0 : i32
      %mul3A_429 = vector.broadcast %mul3A_428 : i32 to vector<16xi32>
      %mul3A_430 = arith.muli %mul3A_429, %iota3A : vector<16xi32>
      %add3A_431 = vector.broadcast %and3A_427 : i32 to vector<16xi32>
      %add3A_432 = arith.addi %add3A_431, %mul3A_430 : vector<16xi32>
      %add3A_433 = arith.constant 0 : i32
      %add3A_434 = vector.broadcast %add3A_433 : i32 to vector<16xi32>
      %add3A_435 = arith.addi %add3A_434, %iota3A : vector<16xi32>
      %add3A_436 = arith.constant 0 : i32
      %add3A_437 = vector.broadcast %add3A_436 : i32 to vector<16xi32>
      %add3A_438 = arith.addi %add3A_437, %add3A_435 : vector<16xi32>
      %gather3A = tpu.vector_load_idx %arg10[%add3A_438, %add3A_432] : memref<256x128xf32, #tpu.memory_space<vmem>>[vector<16xi32>, vector<16xi32>], vector<16xf32>,
      tpu.vector_store_idx %arg12[%add3A_435, %add3A_426], %gather3A : memref<32x512xf32, #tpu.memory_space<vmem>>[vector<16xi32>, vector<16xi32>], vector<16xf32>,
      %add3A_439 = arith.constant 16 : i32
      %add3A_440 = vector.broadcast %add3A_439 : i32 to vector<16xi32>
      %add3A_441 = arith.addi %add3A_440, %iota3A : vector<16xi32>
      %add3A_442 = arith.constant 0 : i32
      %add3A_443 = vector.broadcast %add3A_442 : i32 to vector<16xi32>
      %add3A_444 = arith.addi %add3A_443, %add3A_441 : vector<16xi32>
      %gather3A_445 = tpu.vector_load_idx %arg10[%add3A_444, %add3A_432] : memref<256x128xf32, #tpu.memory_space<vmem>>[vector<16xi32>, vector<16xi32>], vector<16xf32>,
      tpu.vector_store_idx %arg12[%add3A_441, %add3A_426], %gather3A_445 : memref<32x512xf32, #tpu.memory_space<vmem>>[vector<16xi32>, vector<16xi32>], vector<16xf32>,
      %and3A_446 = arith.constant 127 : i32
      %and3A_447 = arith.andi %squeeze3A_22, %and3A_446 : i32
      %mul3A_448 = arith.constant 0 : i32
      %mul3A_449 = vector.broadcast %mul3A_448 : i32 to vector<16xi32>
      %mul3A_450 = arith.muli %mul3A_449, %iota3A : vector<16xi32>
      %add3A_451 = vector.broadcast %and3A_447 : i32 to vector<16xi32>
      %add3A_452 = arith.addi %add3A_451, %mul3A_450 : vector<16xi32>
      %add3A_453 = arith.constant 0 : i32
      %add3A_454 = vector.broadcast %add3A_453 : i32 to vector<16xi32>
      %add3A_455 = arith.addi %add3A_454, %iota3A : vector<16xi32>
      %add3A_456 = arith.constant 0 : i32
      %add3A_457 = vector.broadcast %add3A_456 : i32 to vector<16xi32>
      %add3A_458 = arith.addi %add3A_457, %add3A_455 : vector<16xi32>
      %gather3A_459 = tpu.vector_load_idx %arg11[%add3A_458, %add3A_452] : memref<256x128xf32, #tpu.memory_space<vmem>>[vector<16xi32>, vector<16xi32>], vector<16xf32>,
      tpu.vector_store_idx %arg13[%add3A_455, %add3A_426], %gather3A_459 : memref<32x512xf32, #tpu.memory_space<vmem>>[vector<16xi32>, vector<16xi32>], vector<16xf32>,
      %add3A_460 = arith.constant 16 : i32
      %add3A_461 = vector.broadcast %add3A_460 : i32 to vector<16xi32>
      %add3A_462 = arith.addi %add3A_461, %iota3A : vector<16xi32>
      %add3A_463 = arith.constant 0 : i32
      %add3A_464 = vector.broadcast %add3A_463 : i32 to vector<16xi32>
      %add3A_465 = arith.addi %add3A_464, %add3A_462 : vector<16xi32>
      %gather3A_466 = tpu.vector_load_idx %arg11[%add3A_465, %add3A_452] : memref<256x128xf32, #tpu.memory_space<vmem>>[vector<16xi32>, vector<16xi32>], vector<16xf32>,
      tpu.vector_store_idx %arg13[%add3A_462, %add3A_426], %gather3A_466 : memref<32x512xf32, #tpu.memory_space<vmem>>[vector<16xi32>, vector<16xi32>], vector<16xf32>,
      %add3A_467 = arith.constant 1 : i32
      %add3A_468 = arith.addi %mul3A_84, %add3A_467 : i32
      %mul3A_469 = arith.constant 0 : i32
      %mul3A_470 = vector.broadcast %mul3A_469 : i32 to vector<16xi32>
      %mul3A_471 = arith.muli %mul3A_470, %iota3A : vector<16xi32>
      %add3A_472 = vector.broadcast %add3A_468 : i32 to vector<16xi32>
      %add3A_473 = arith.addi %add3A_472, %mul3A_471 : vector<16xi32>
      %and3A_474 = arith.constant 127 : i32
      %and3A_475 = arith.andi %squeeze3A_24, %and3A_474 : i32
      %mul3A_476 = arith.constant 0 : i32
      %mul3A_477 = vector.broadcast %mul3A_476 : i32 to vector<16xi32>
      %mul3A_478 = arith.muli %mul3A_477, %iota3A : vector<16xi32>
      %add3A_479 = vector.broadcast %and3A_475 : i32 to vector<16xi32>
      %add3A_480 = arith.addi %add3A_479, %mul3A_478 : vector<16xi32>
      %add3A_481 = arith.constant 0 : i32
      %add3A_482 = vector.broadcast %add3A_481 : i32 to vector<16xi32>
      %add3A_483 = arith.addi %add3A_482, %iota3A : vector<16xi32>
      %add3A_484 = arith.constant 32 : i32
      %add3A_485 = vector.broadcast %add3A_484 : i32 to vector<16xi32>
      %add3A_486 = arith.addi %add3A_485, %add3A_483 : vector<16xi32>
      %gather3A_487 = tpu.vector_load_idx %arg10[%add3A_486, %add3A_480] : memref<256x128xf32, #tpu.memory_space<vmem>>[vector<16xi32>, vector<16xi32>], vector<16xf32>,
      tpu.vector_store_idx %arg12[%add3A_483, %add3A_473], %gather3A_487 : memref<32x512xf32, #tpu.memory_space<vmem>>[vector<16xi32>, vector<16xi32>], vector<16xf32>,
      %add3A_488 = arith.constant 16 : i32
      %add3A_489 = vector.broadcast %add3A_488 : i32 to vector<16xi32>
      %add3A_490 = arith.addi %add3A_489, %iota3A : vector<16xi32>
      %add3A_491 = arith.constant 32 : i32
      %add3A_492 = vector.broadcast %add3A_491 : i32 to vector<16xi32>
      %add3A_493 = arith.addi %add3A_492, %add3A_490 : vector<16xi32>
      %gather3A_494 = tpu.vector_load_idx %arg10[%add3A_493, %add3A_480] : memref<256x128xf32, #tpu.memory_space<vmem>>[vector<16xi32>, vector<16xi32>], vector<16xf32>,
      tpu.vector_store_idx %arg12[%add3A_490, %add3A_473], %gather3A_494 : memref<32x512xf32, #tpu.memory_space<vmem>>[vector<16xi32>, vector<16xi32>], vector<16xf32>,
      %and3A_495 = arith.constant 127 : i32
      %and3A_496 = arith.andi %squeeze3A_26, %and3A_495 : i32
      %mul3A_497 = arith.constant 0 : i32
      %mul3A_498 = vector.broadcast %mul3A_497 : i32 to vector<16xi32>
      %mul3A_499 = arith.muli %mul3A_498, %iota3A : vector<16xi32>
      %add3A_500 = vector.broadcast %and3A_496 : i32 to vector<16xi32>
      %add3A_501 = arith.addi %add3A_500, %mul3A_499 : vector<16xi32>
      %add3A_502 = arith.constant 0 : i32
      %add3A_503 = vector.broadcast %add3A_502 : i32 to vector<16xi32>
      %add3A_504 = arith.addi %add3A_503, %iota3A : vector<16xi32>
      %add3A_505 = arith.constant 32 : i32
      %add3A_506 = vector.broadcast %add3A_505 : i32 to vector<16xi32>
      %add3A_507 = arith.addi %add3A_506, %add3A_504 : vector<16xi32>
      %gather3A_508 = tpu.vector_load_idx %arg11[%add3A_507, %add3A_501] : memref<256x128xf32, #tpu.memory_space<vmem>>[vector<16xi32>, vector<16xi32>], vector<16xf32>,
      tpu.vector_store_idx %arg13[%add3A_504, %add3A_473], %gather3A_508 : memref<32x512xf32, #tpu.memory_space<vmem>>[vector<16xi32>, vector<16xi32>], vector<16xf32>,
      %add3A_509 = arith.constant 16 : i32
      %add3A_510 = vector.broadcast %add3A_509 : i32 to vector<16xi32>
      %add3A_511 = arith.addi %add3A_510, %iota3A : vector<16xi32>
      %add3A_512 = arith.constant 32 : i32
      %add3A_513 = vector.broadcast %add3A_512 : i32 to vector<16xi32>
      %add3A_514 = arith.addi %add3A_513, %add3A_511 : vector<16xi32>
      %gather3A_515 = tpu.vector_load_idx %arg11[%add3A_514, %add3A_501] : memref<256x128xf32, #tpu.memory_space<vmem>>[vector<16xi32>, vector<16xi32>], vector<16xf32>,
      tpu.vector_store_idx %arg13[%add3A_511, %add3A_473], %gather3A_515 : memref<32x512xf32, #tpu.memory_space<vmem>>[vector<16xi32>, vector<16xi32>], vector<16xf32>,
      %add3A_516 = arith.constant 2 : i32
      %add3A_517 = arith.addi %mul3A_84, %add3A_516 : i32
      %mul3A_518 = arith.constant 0 : i32
      %mul3A_519 = vector.broadcast %mul3A_518 : i32 to vector<16xi32>
      %mul3A_520 = arith.muli %mul3A_519, %iota3A : vector<16xi32>
      %add3A_521 = vector.broadcast %add3A_517 : i32 to vector<16xi32>
      %add3A_522 = arith.addi %add3A_521, %mul3A_520 : vector<16xi32>
      %and3A_523 = arith.constant 127 : i32
      %and3A_524 = arith.andi %squeeze3A_28, %and3A_523 : i32
      %mul3A_525 = arith.constant 0 : i32
      %mul3A_526 = vector.broadcast %mul3A_525 : i32 to vector<16xi32>
      %mul3A_527 = arith.muli %mul3A_526, %iota3A : vector<16xi32>
      %add3A_528 = vector.broadcast %and3A_524 : i32 to vector<16xi32>
      %add3A_529 = arith.addi %add3A_528, %mul3A_527 : vector<16xi32>
      %add3A_530 = arith.constant 0 : i32
      %add3A_531 = vector.broadcast %add3A_530 : i32 to vector<16xi32>
      %add3A_532 = arith.addi %add3A_531, %iota3A : vector<16xi32>
      %add3A_533 = arith.constant 64 : i32
      %add3A_534 = vector.broadcast %add3A_533 : i32 to vector<16xi32>
      %add3A_535 = arith.addi %add3A_534, %add3A_532 : vector<16xi32>
      %gather3A_536 = tpu.vector_load_idx %arg10[%add3A_535, %add3A_529] : memref<256x128xf32, #tpu.memory_space<vmem>>[vector<16xi32>, vector<16xi32>], vector<16xf32>,
      tpu.vector_store_idx %arg12[%add3A_532, %add3A_522], %gather3A_536 : memref<32x512xf32, #tpu.memory_space<vmem>>[vector<16xi32>, vector<16xi32>], vector<16xf32>,
      %add3A_537 = arith.constant 16 : i32
      %add3A_538 = vector.broadcast %add3A_537 : i32 to vector<16xi32>
      %add3A_539 = arith.addi %add3A_538, %iota3A : vector<16xi32>
      %add3A_540 = arith.constant 64 : i32
      %add3A_541 = vector.broadcast %add3A_540 : i32 to vector<16xi32>
      %add3A_542 = arith.addi %add3A_541, %add3A_539 : vector<16xi32>
      %gather3A_543 = tpu.vector_load_idx %arg10[%add3A_542, %add3A_529] : memref<256x128xf32, #tpu.memory_space<vmem>>[vector<16xi32>, vector<16xi32>], vector<16xf32>,
      tpu.vector_store_idx %arg12[%add3A_539, %add3A_522], %gather3A_543 : memref<32x512xf32, #tpu.memory_space<vmem>>[vector<16xi32>, vector<16xi32>], vector<16xf32>,
      %and3A_544 = arith.constant 127 : i32
      %and3A_545 = arith.andi %squeeze3A_30, %and3A_544 : i32
      %mul3A_546 = arith.constant 0 : i32
      %mul3A_547 = vector.broadcast %mul3A_546 : i32 to vector<16xi32>
      %mul3A_548 = arith.muli %mul3A_547, %iota3A : vector<16xi32>
      %add3A_549 = vector.broadcast %and3A_545 : i32 to vector<16xi32>
      %add3A_550 = arith.addi %add3A_549, %mul3A_548 : vector<16xi32>
      %add3A_551 = arith.constant 0 : i32
      %add3A_552 = vector.broadcast %add3A_551 : i32 to vector<16xi32>
      %add3A_553 = arith.addi %add3A_552, %iota3A : vector<16xi32>
      %add3A_554 = arith.constant 64 : i32
      %add3A_555 = vector.broadcast %add3A_554 : i32 to vector<16xi32>
      %add3A_556 = arith.addi %add3A_555, %add3A_553 : vector<16xi32>
      %gather3A_557 = tpu.vector_load_idx %arg11[%add3A_556, %add3A_550] : memref<256x128xf32, #tpu.memory_space<vmem>>[vector<16xi32>, vector<16xi32>], vector<16xf32>,
      tpu.vector_store_idx %arg13[%add3A_553, %add3A_522], %gather3A_557 : memref<32x512xf32, #tpu.memory_space<vmem>>[vector<16xi32>, vector<16xi32>], vector<16xf32>,
      %add3A_558 = arith.constant 16 : i32
      %add3A_559 = vector.broadcast %add3A_558 : i32 to vector<16xi32>
      %add3A_560 = arith.addi %add3A_559, %iota3A : vector<16xi32>
      %add3A_561 = arith.constant 64 : i32
      %add3A_562 = vector.broadcast %add3A_561 : i32 to vector<16xi32>
      %add3A_563 = arith.addi %add3A_562, %add3A_560 : vector<16xi32>
      %gather3A_564 = tpu.vector_load_idx %arg11[%add3A_563, %add3A_550] : memref<256x128xf32, #tpu.memory_space<vmem>>[vector<16xi32>, vector<16xi32>], vector<16xf32>,
      tpu.vector_store_idx %arg13[%add3A_560, %add3A_522], %gather3A_564 : memref<32x512xf32, #tpu.memory_space<vmem>>[vector<16xi32>, vector<16xi32>], vector<16xf32>,
      %add3A_565 = arith.constant 3 : i32
      %add3A_566 = arith.addi %mul3A_84, %add3A_565 : i32
      %mul3A_567 = arith.constant 0 : i32
      %mul3A_568 = vector.broadcast %mul3A_567 : i32 to vector<16xi32>
      %mul3A_569 = arith.muli %mul3A_568, %iota3A : vector<16xi32>
      %add3A_570 = vector.broadcast %add3A_566 : i32 to vector<16xi32>
      %add3A_571 = arith.addi %add3A_570, %mul3A_569 : vector<16xi32>
      %and3A_572 = arith.constant 127 : i32
      %and3A_573 = arith.andi %squeeze3A_32, %and3A_572 : i32
      %mul3A_574 = arith.constant 0 : i32
      %mul3A_575 = vector.broadcast %mul3A_574 : i32 to vector<16xi32>
      %mul3A_576 = arith.muli %mul3A_575, %iota3A : vector<16xi32>
      %add3A_577 = vector.broadcast %and3A_573 : i32 to vector<16xi32>
      %add3A_578 = arith.addi %add3A_577, %mul3A_576 : vector<16xi32>
      %add3A_579 = arith.constant 0 : i32
      %add3A_580 = vector.broadcast %add3A_579 : i32 to vector<16xi32>
      %add3A_581 = arith.addi %add3A_580, %iota3A : vector<16xi32>
      %add3A_582 = arith.constant 96 : i32
      %add3A_583 = vector.broadcast %add3A_582 : i32 to vector<16xi32>
      %add3A_584 = arith.addi %add3A_583, %add3A_581 : vector<16xi32>
      %gather3A_585 = tpu.vector_load_idx %arg10[%add3A_584, %add3A_578] : memref<256x128xf32, #tpu.memory_space<vmem>>[vector<16xi32>, vector<16xi32>], vector<16xf32>,
      tpu.vector_store_idx %arg12[%add3A_581, %add3A_571], %gather3A_585 : memref<32x512xf32, #tpu.memory_space<vmem>>[vector<16xi32>, vector<16xi32>], vector<16xf32>,
      %add3A_586 = arith.constant 16 : i32
      %add3A_587 = vector.broadcast %add3A_586 : i32 to vector<16xi32>
      %add3A_588 = arith.addi %add3A_587, %iota3A : vector<16xi32>
      %add3A_589 = arith.constant 96 : i32
      %add3A_590 = vector.broadcast %add3A_589 : i32 to vector<16xi32>
      %add3A_591 = arith.addi %add3A_590, %add3A_588 : vector<16xi32>
      %gather3A_592 = tpu.vector_load_idx %arg10[%add3A_591, %add3A_578] : memref<256x128xf32, #tpu.memory_space<vmem>>[vector<16xi32>, vector<16xi32>], vector<16xf32>,
      tpu.vector_store_idx %arg12[%add3A_588, %add3A_571], %gather3A_592 : memref<32x512xf32, #tpu.memory_space<vmem>>[vector<16xi32>, vector<16xi32>], vector<16xf32>,
      %and3A_593 = arith.constant 127 : i32
      %and3A_594 = arith.andi %squeeze3A_34, %and3A_593 : i32
      %mul3A_595 = arith.constant 0 : i32
      %mul3A_596 = vector.broadcast %mul3A_595 : i32 to vector<16xi32>
      %mul3A_597 = arith.muli %mul3A_596, %iota3A : vector<16xi32>
      %add3A_598 = vector.broadcast %and3A_594 : i32 to vector<16xi32>
      %add3A_599 = arith.addi %add3A_598, %mul3A_597 : vector<16xi32>
      %add3A_600 = arith.constant 0 : i32
      %add3A_601 = vector.broadcast %add3A_600 : i32 to vector<16xi32>
      %add3A_602 = arith.addi %add3A_601, %iota3A : vector<16xi32>
      %add3A_603 = arith.constant 96 : i32
      %add3A_604 = vector.broadcast %add3A_603 : i32 to vector<16xi32>
      %add3A_605 = arith.addi %add3A_604, %add3A_602 : vector<16xi32>
      %gather3A_606 = tpu.vector_load_idx %arg11[%add3A_605, %add3A_599] : memref<256x128xf32, #tpu.memory_space<vmem>>[vector<16xi32>, vector<16xi32>], vector<16xf32>,
      tpu.vector_store_idx %arg13[%add3A_602, %add3A_571], %gather3A_606 : memref<32x512xf32, #tpu.memory_space<vmem>>[vector<16xi32>, vector<16xi32>], vector<16xf32>,
      %add3A_607 = arith.constant 16 : i32
      %add3A_608 = vector.broadcast %add3A_607 : i32 to vector<16xi32>
      %add3A_609 = arith.addi %add3A_608, %iota3A : vector<16xi32>
      %add3A_610 = arith.constant 96 : i32
      %add3A_611 = vector.broadcast %add3A_610 : i32 to vector<16xi32>
      %add3A_612 = arith.addi %add3A_611, %add3A_609 : vector<16xi32>
      %gather3A_613 = tpu.vector_load_idx %arg11[%add3A_612, %add3A_599] : memref<256x128xf32, #tpu.memory_space<vmem>>[vector<16xi32>, vector<16xi32>], vector<16xf32>,
      tpu.vector_store_idx %arg13[%add3A_609, %add3A_571], %gather3A_613 : memref<32x512xf32, #tpu.memory_space<vmem>>[vector<16xi32>, vector<16xi32>], vector<16xf32>,
      %shift_right_arithmetic3A_614 = arith.constant 7 : i32
      %shift_right_arithmetic3A_615 = arith.shrsi %squeeze3A_52, %shift_right_arithmetic3A_614 : i32
      %mul3A_616 = arith.constant 128 : i32
      %mul3A_617 = arith.muli %shift_right_arithmetic3A_615, %mul3A_616 : i32
      %multiple_of3A_618 = tpu.assume_multiple %mul3A_617, 128 : i32
      %shift_right_arithmetic3A_619 = arith.constant 7 : i32
      %shift_right_arithmetic3A_620 = arith.shrsi %squeeze3A_54, %shift_right_arithmetic3A_619 : i32
      %mul3A_621 = arith.constant 128 : i32
      %mul3A_622 = arith.muli %shift_right_arithmetic3A_620, %mul3A_621 : i32
      %multiple_of3A_623 = tpu.assume_multiple %mul3A_622, 128 : i32
      %dma_start3A_624 = arith.constant 0 : i32
      %dma_start3A_625 = arith.constant 0 : i32
      %dma_start3A_626 = tpu.memref_slice %arg10[%dma_start3A_624, %dma_start3A_625] : memref<256x128xf32, #tpu.memory_space<vmem>> -> memref<32x128xf32, #tpu.memory_space<vmem>>
      %dma_start3A_627 = arith.constant 0 : i32
      %dma_start3A_628 = tpu.memref_slice %arg2[%dma_start3A_627, %multiple_of3A_618] : memref<32x1000000xf32, #tpu.memory_space<hbm>> -> memref<32x128xf32, #tpu.memory_space<hbm>>
      %dma_start3A_629 = arith.constant 0 : i32
      %dma_start3A_630 = arith.constant 0 : i32
      %dma_start3A_631 = tpu.memref_slice %arg10[%dma_start3A_629, %dma_start3A_630] : memref<256x128xf32, #tpu.memory_space<vmem>> -> memref<32x128xf32, #tpu.memory_space<vmem>>
      %dma_start3A_632 = arith.constant 0 : i32
      %dma_start3A_633 = tpu.memref_slice %arg2[%dma_start3A_632, %multiple_of3A_618] : memref<32x1000000xf32, #tpu.memory_space<hbm>> -> memref<32x128xf32, #tpu.memory_space<hbm>>
      tpu.enqueue_dma source(%dma_start3A_633 : memref<32x128xf32, #tpu.memory_space<hbm>>) target(%dma_start3A_631 : memref<32x128xf32, #tpu.memory_space<vmem>>) target_semaphore(%arg15 : memref<!tpu.dma_semaphore, #tpu.memory_space<semaphore_mem>>)
      %dma_start3A_634 = arith.constant 0 : i32
      %dma_start3A_635 = arith.constant 0 : i32
      %dma_start3A_636 = tpu.memref_slice %arg11[%dma_start3A_634, %dma_start3A_635] : memref<256x128xf32, #tpu.memory_space<vmem>> -> memref<32x128xf32, #tpu.memory_space<vmem>>
      %dma_start3A_637 = arith.constant 0 : i32
      %dma_start3A_638 = tpu.memref_slice %arg3[%dma_start3A_637, %multiple_of3A_623] : memref<32x1000000xf32, #tpu.memory_space<hbm>> -> memref<32x128xf32, #tpu.memory_space<hbm>>
      %dma_start3A_639 = arith.constant 0 : i32
      %dma_start3A_640 = arith.constant 0 : i32
      %dma_start3A_641 = tpu.memref_slice %arg11[%dma_start3A_639, %dma_start3A_640] : memref<256x128xf32, #tpu.memory_space<vmem>> -> memref<32x128xf32, #tpu.memory_space<vmem>>
      %dma_start3A_642 = arith.constant 0 : i32
      %dma_start3A_643 = tpu.memref_slice %arg3[%dma_start3A_642, %multiple_of3A_623] : memref<32x1000000xf32, #tpu.memory_space<hbm>> -> memref<32x128xf32, #tpu.memory_space<hbm>>
      tpu.enqueue_dma source(%dma_start3A_643 : memref<32x128xf32, #tpu.memory_space<hbm>>) target(%dma_start3A_641 : memref<32x128xf32, #tpu.memory_space<vmem>>) target_semaphore(%arg15 : memref<!tpu.dma_semaphore, #tpu.memory_space<semaphore_mem>>)
      %shift_right_arithmetic3A_644 = arith.constant 7 : i32
      %shift_right_arithmetic3A_645 = arith.shrsi %squeeze3A_56, %shift_right_arithmetic3A_644 : i32
      %mul3A_646 = arith.constant 128 : i32
      %mul3A_647 = arith.muli %shift_right_arithmetic3A_645, %mul3A_646 : i32
      %multiple_of3A_648 = tpu.assume_multiple %mul3A_647, 128 : i32
      %shift_right_arithmetic3A_649 = arith.constant 7 : i32
      %shift_right_arithmetic3A_650 = arith.shrsi %squeeze3A_58, %shift_right_arithmetic3A_649 : i32
      %mul3A_651 = arith.constant 128 : i32
      %mul3A_652 = arith.muli %shift_right_arithmetic3A_650, %mul3A_651 : i32
      %multiple_of3A_653 = tpu.assume_multiple %mul3A_652, 128 : i32
      %dma_start3A_654 = arith.constant 32 : i32
      %dma_start3A_655 = arith.constant 0 : i32
      %dma_start3A_656 = tpu.memref_slice %arg10[%dma_start3A_654, %dma_start3A_655] : memref<256x128xf32, #tpu.memory_space<vmem>> -> memref<32x128xf32, #tpu.memory_space<vmem>>
      %dma_start3A_657 = arith.constant 0 : i32
      %dma_start3A_658 = tpu.memref_slice %arg2[%dma_start3A_657, %multiple_of3A_648] : memref<32x1000000xf32, #tpu.memory_space<hbm>> -> memref<32x128xf32, #tpu.memory_space<hbm>>
      %dma_start3A_659 = arith.constant 32 : i32
      %dma_start3A_660 = arith.constant 0 : i32
      %dma_start3A_661 = tpu.memref_slice %arg10[%dma_start3A_659, %dma_start3A_660] : memref<256x128xf32, #tpu.memory_space<vmem>> -> memref<32x128xf32, #tpu.memory_space<vmem>>
      %dma_start3A_662 = arith.constant 0 : i32
      %dma_start3A_663 = tpu.memref_slice %arg2[%dma_start3A_662, %multiple_of3A_648] : memref<32x1000000xf32, #tpu.memory_space<hbm>> -> memref<32x128xf32, #tpu.memory_space<hbm>>
      tpu.enqueue_dma source(%dma_start3A_663 : memref<32x128xf32, #tpu.memory_space<hbm>>) target(%dma_start3A_661 : memref<32x128xf32, #tpu.memory_space<vmem>>) target_semaphore(%arg15 : memref<!tpu.dma_semaphore, #tpu.memory_space<semaphore_mem>>)
      %dma_start3A_664 = arith.constant 32 : i32
      %dma_start3A_665 = arith.constant 0 : i32
      %dma_start3A_666 = tpu.memref_slice %arg11[%dma_start3A_664, %dma_start3A_665] : memref<256x128xf32, #tpu.memory_space<vmem>> -> memref<32x128xf32, #tpu.memory_space<vmem>>
      %dma_start3A_667 = arith.constant 0 : i32
      %dma_start3A_668 = tpu.memref_slice %arg3[%dma_start3A_667, %multiple_of3A_653] : memref<32x1000000xf32, #tpu.memory_space<hbm>> -> memref<32x128xf32, #tpu.memory_space<hbm>>
      %dma_start3A_669 = arith.constant 32 : i32
      %dma_start3A_670 = arith.constant 0 : i32
      %dma_start3A_671 = tpu.memref_slice %arg11[%dma_start3A_669, %dma_start3A_670] : memref<256x128xf32, #tpu.memory_space<vmem>> -> memref<32x128xf32, #tpu.memory_space<vmem>>
      %dma_start3A_672 = arith.constant 0 : i32
      %dma_start3A_673 = tpu.memref_slice %arg3[%dma_start3A_672, %multiple_of3A_653] : memref<32x1000000xf32, #tpu.memory_space<hbm>> -> memref<32x128xf32, #tpu.memory_space<hbm>>
      tpu.enqueue_dma source(%dma_start3A_673 : memref<32x128xf32, #tpu.memory_space<hbm>>) target(%dma_start3A_671 : memref<32x128xf32, #tpu.memory_space<vmem>>) target_semaphore(%arg15 : memref<!tpu.dma_semaphore, #tpu.memory_space<semaphore_mem>>)
      %shift_right_arithmetic3A_674 = arith.constant 7 : i32
      %shift_right_arithmetic3A_675 = arith.shrsi %squeeze3A_60, %shift_right_arithmetic3A_674 : i32
      %mul3A_676 = arith.constant 128 : i32
      %mul3A_677 = arith.muli %shift_right_arithmetic3A_675, %mul3A_676 : i32
      %multiple_of3A_678 = tpu.assume_multiple %mul3A_677, 128 : i32
      %shift_right_arithmetic3A_679 = arith.constant 7 : i32
      %shift_right_arithmetic3A_680 = arith.shrsi %squeeze3A_62, %shift_right_arithmetic3A_679 : i32
      %mul3A_681 = arith.constant 128 : i32
      %mul3A_682 = arith.muli %shift_right_arithmetic3A_680, %mul3A_681 : i32
      %multiple_of3A_683 = tpu.assume_multiple %mul3A_682, 128 : i32
      %dma_start3A_684 = arith.constant 64 : i32
      %dma_start3A_685 = arith.constant 0 : i32
      %dma_start3A_686 = tpu.memref_slice %arg10[%dma_start3A_684, %dma_start3A_685] : memref<256x128xf32, #tpu.memory_space<vmem>> -> memref<32x128xf32, #tpu.memory_space<vmem>>
      %dma_start3A_687 = arith.constant 0 : i32
      %dma_start3A_688 = tpu.memref_slice %arg2[%dma_start3A_687, %multiple_of3A_678] : memref<32x1000000xf32, #tpu.memory_space<hbm>> -> memref<32x128xf32, #tpu.memory_space<hbm>>
      %dma_start3A_689 = arith.constant 64 : i32
      %dma_start3A_690 = arith.constant 0 : i32
      %dma_start3A_691 = tpu.memref_slice %arg10[%dma_start3A_689, %dma_start3A_690] : memref<256x128xf32, #tpu.memory_space<vmem>> -> memref<32x128xf32, #tpu.memory_space<vmem>>
      %dma_start3A_692 = arith.constant 0 : i32
      %dma_start3A_693 = tpu.memref_slice %arg2[%dma_start3A_692, %multiple_of3A_678] : memref<32x1000000xf32, #tpu.memory_space<hbm>> -> memref<32x128xf32, #tpu.memory_space<hbm>>
      tpu.enqueue_dma source(%dma_start3A_693 : memref<32x128xf32, #tpu.memory_space<hbm>>) target(%dma_start3A_691 : memref<32x128xf32, #tpu.memory_space<vmem>>) target_semaphore(%arg15 : memref<!tpu.dma_semaphore, #tpu.memory_space<semaphore_mem>>)
      %dma_start3A_694 = arith.constant 64 : i32
      %dma_start3A_695 = arith.constant 0 : i32
      %dma_start3A_696 = tpu.memref_slice %arg11[%dma_start3A_694, %dma_start3A_695] : memref<256x128xf32, #tpu.memory_space<vmem>> -> memref<32x128xf32, #tpu.memory_space<vmem>>
      %dma_start3A_697 = arith.constant 0 : i32
      %dma_start3A_698 = tpu.memref_slice %arg3[%dma_start3A_697, %multiple_of3A_683] : memref<32x1000000xf32, #tpu.memory_space<hbm>> -> memref<32x128xf32, #tpu.memory_space<hbm>>
      %dma_start3A_699 = arith.constant 64 : i32
      %dma_start3A_700 = arith.constant 0 : i32
      %dma_start3A_701 = tpu.memref_slice %arg11[%dma_start3A_699, %dma_start3A_700] : memref<256x128xf32, #tpu.memory_space<vmem>> -> memref<32x128xf32, #tpu.memory_space<vmem>>
      %dma_start3A_702 = arith.constant 0 : i32
      %dma_start3A_703 = tpu.memref_slice %arg3[%dma_start3A_702, %multiple_of3A_683] : memref<32x1000000xf32, #tpu.memory_space<hbm>> -> memref<32x128xf32, #tpu.memory_space<hbm>>
      tpu.enqueue_dma source(%dma_start3A_703 : memref<32x128xf32, #tpu.memory_space<hbm>>) target(%dma_start3A_701 : memref<32x128xf32, #tpu.memory_space<vmem>>) target_semaphore(%arg15 : memref<!tpu.dma_semaphore, #tpu.memory_space<semaphore_mem>>)
      %shift_right_arithmetic3A_704 = arith.constant 7 : i32
      %shift_right_arithmetic3A_705 = arith.shrsi %squeeze3A_64, %shift_right_arithmetic3A_704 : i32
      %mul3A_706 = arith.constant 128 : i32
      %mul3A_707 = arith.muli %shift_right_arithmetic3A_705, %mul3A_706 : i32
      %multiple_of3A_708 = tpu.assume_multiple %mul3A_707, 128 : i32
      %shift_right_arithmetic3A_709 = arith.constant 7 : i32
      %shift_right_arithmetic3A_710 = arith.shrsi %squeeze3A_66, %shift_right_arithmetic3A_709 : i32
      %mul3A_711 = arith.constant 128 : i32
      %mul3A_712 = arith.muli %shift_right_arithmetic3A_710, %mul3A_711 : i32
      %multiple_of3A_713 = tpu.assume_multiple %mul3A_712, 128 : i32
      %dma_start3A_714 = arith.constant 96 : i32
      %dma_start3A_715 = arith.constant 0 : i32
      %dma_start3A_716 = tpu.memref_slice %arg10[%dma_start3A_714, %dma_start3A_715] : memref<256x128xf32, #tpu.memory_space<vmem>> -> memref<32x128xf32, #tpu.memory_space<vmem>>
      %dma_start3A_717 = arith.constant 0 : i32
      %dma_start3A_718 = tpu.memref_slice %arg2[%dma_start3A_717, %multiple_of3A_708] : memref<32x1000000xf32, #tpu.memory_space<hbm>> -> memref<32x128xf32, #tpu.memory_space<hbm>>
      %dma_start3A_719 = arith.constant 96 : i32
      %dma_start3A_720 = arith.constant 0 : i32
      %dma_start3A_721 = tpu.memref_slice %arg10[%dma_start3A_719, %dma_start3A_720] : memref<256x128xf32, #tpu.memory_space<vmem>> -> memref<32x128xf32, #tpu.memory_space<vmem>>
      %dma_start3A_722 = arith.constant 0 : i32
      %dma_start3A_723 = tpu.memref_slice %arg2[%dma_start3A_722, %multiple_of3A_708] : memref<32x1000000xf32, #tpu.memory_space<hbm>> -> memref<32x128xf32, #tpu.memory_space<hbm>>
      tpu.enqueue_dma source(%dma_start3A_723 : memref<32x128xf32, #tpu.memory_space<hbm>>) target(%dma_start3A_721 : memref<32x128xf32, #tpu.memory_space<vmem>>) target_semaphore(%arg15 : memref<!tpu.dma_semaphore, #tpu.memory_space<semaphore_mem>>)
      %dma_start3A_724 = arith.constant 96 : i32
      %dma_start3A_725 = arith.constant 0 : i32
      %dma_start3A_726 = tpu.memref_slice %arg11[%dma_start3A_724, %dma_start3A_725] : memref<256x128xf32, #tpu.memory_space<vmem>> -> memref<32x128xf32, #tpu.memory_space<vmem>>
      %dma_start3A_727 = arith.constant 0 : i32
      %dma_start3A_728 = tpu.memref_slice %arg3[%dma_start3A_727, %multiple_of3A_713] : memref<32x1000000xf32, #tpu.memory_space<hbm>> -> memref<32x128xf32, #tpu.memory_space<hbm>>
      %dma_start3A_729 = arith.constant 96 : i32
      %dma_start3A_730 = arith.constant 0 : i32
      %dma_start3A_731 = tpu.memref_slice %arg11[%dma_start3A_729, %dma_start3A_730] : memref<256x128xf32, #tpu.memory_space<vmem>> -> memref<32x128xf32, #tpu.memory_space<vmem>>
      %dma_start3A_732 = arith.constant 0 : i32
      %dma_start3A_733 = tpu.memref_slice %arg3[%dma_start3A_732, %multiple_of3A_713] : memref<32x1000000xf32, #tpu.memory_space<hbm>> -> memref<32x128xf32, #tpu.memory_space<hbm>>
      tpu.enqueue_dma source(%dma_start3A_733 : memref<32x128xf32, #tpu.memory_space<hbm>>) target(%dma_start3A_731 : memref<32x128xf32, #tpu.memory_space<vmem>>) target_semaphore(%arg15 : memref<!tpu.dma_semaphore, #tpu.memory_space<semaphore_mem>>)
      %dma_wait3A_734 = arith.constant 0 : i32
      %dma_wait3A_735 = arith.constant 0 : i32
      %dma_wait3A_736 = tpu.memref_slice %arg10[%dma_wait3A_734, %dma_wait3A_735] : memref<256x128xf32, #tpu.memory_space<vmem>> -> memref<32x128xf32, #tpu.memory_space<vmem>>
      %dma_wait3A_737 = arith.constant 0 : i32
      %dma_wait3A_738 = arith.constant 0 : i32
      %dma_wait3A_739 = tpu.memref_slice %arg2[%dma_wait3A_737, %dma_wait3A_738] : memref<32x1000000xf32, #tpu.memory_space<hbm>> -> memref<32x128xf32, #tpu.memory_space<hbm>>
      %dma_wait3A_740 = arith.constant 0 : i32
      %dma_wait3A_741 = arith.constant 0 : i32
      %dma_wait3A_742 = tpu.memref_slice %arg10[%dma_wait3A_740, %dma_wait3A_741] : memref<256x128xf32, #tpu.memory_space<vmem>> -> memref<32x128xf32, #tpu.memory_space<vmem>>
      %dma_wait3A_743 = arith.constant 0 : i32
      %dma_wait3A_744 = arith.constant 0 : i32
      %dma_wait3A_745 = tpu.memref_slice %arg2[%dma_wait3A_743, %dma_wait3A_744] : memref<32x1000000xf32, #tpu.memory_space<hbm>> -> memref<32x128xf32, #tpu.memory_space<hbm>>
      tpu.wait_dma2 semaphore(%arg16 : memref<!tpu.dma_semaphore, #tpu.memory_space<semaphore_mem>>) src(%dma_wait3A_745 : memref<32x128xf32, #tpu.memory_space<hbm>>) dst(%dma_wait3A_742 : memref<32x128xf32, #tpu.memory_space<vmem>>)
      %dma_wait3A_746 = arith.constant 0 : i32
      %dma_wait3A_747 = arith.constant 0 : i32
      %dma_wait3A_748 = tpu.memref_slice %arg10[%dma_wait3A_746, %dma_wait3A_747] : memref<256x128xf32, #tpu.memory_space<vmem>> -> memref<32x128xf32, #tpu.memory_space<vmem>>
      %dma_wait3A_749 = arith.constant 0 : i32
      %dma_wait3A_750 = arith.constant 0 : i32
      %dma_wait3A_751 = tpu.memref_slice %arg2[%dma_wait3A_749, %dma_wait3A_750] : memref<32x1000000xf32, #tpu.memory_space<hbm>> -> memref<32x128xf32, #tpu.memory_space<hbm>>
      %dma_wait3A_752 = arith.constant 0 : i32
      %dma_wait3A_753 = arith.constant 0 : i32
      %dma_wait3A_754 = tpu.memref_slice %arg10[%dma_wait3A_752, %dma_wait3A_753] : memref<256x128xf32, #tpu.memory_space<vmem>> -> memref<32x128xf32, #tpu.memory_space<vmem>>
      %dma_wait3A_755 = arith.constant 0 : i32
      %dma_wait3A_756 = arith.constant 0 : i32
      %dma_wait3A_757 = tpu.memref_slice %arg2[%dma_wait3A_755, %dma_wait3A_756] : memref<32x1000000xf32, #tpu.memory_space<hbm>> -> memref<32x128xf32, #tpu.memory_space<hbm>>
      tpu.wait_dma2 semaphore(%arg16 : memref<!tpu.dma_semaphore, #tpu.memory_space<semaphore_mem>>) src(%dma_wait3A_757 : memref<32x128xf32, #tpu.memory_space<hbm>>) dst(%dma_wait3A_754 : memref<32x128xf32, #tpu.memory_space<vmem>>)
      %dma_wait3A_758 = arith.constant 0 : i32
      %dma_wait3A_759 = arith.constant 0 : i32
      %dma_wait3A_760 = tpu.memref_slice %arg10[%dma_wait3A_758, %dma_wait3A_759] : memref<256x128xf32, #tpu.memory_space<vmem>> -> memref<32x128xf32, #tpu.memory_space<vmem>>
      %dma_wait3A_761 = arith.constant 0 : i32
      %dma_wait3A_762 = arith.constant 0 : i32
      %dma_wait3A_763 = tpu.memref_slice %arg2[%dma_wait3A_761, %dma_wait3A_762] : memref<32x1000000xf32, #tpu.memory_space<hbm>> -> memref<32x128xf32, #tpu.memory_space<hbm>>
      %dma_wait3A_764 = arith.constant 0 : i32
      %dma_wait3A_765 = arith.constant 0 : i32
      %dma_wait3A_766 = tpu.memref_slice %arg10[%dma_wait3A_764, %dma_wait3A_765] : memref<256x128xf32, #tpu.memory_space<vmem>> -> memref<32x128xf32, #tpu.memory_space<vmem>>
      %dma_wait3A_767 = arith.constant 0 : i32
      %dma_wait3A_768 = arith.constant 0 : i32
      %dma_wait3A_769 = tpu.memref_slice %arg2[%dma_wait3A_767, %dma_wait3A_768] : memref<32x1000000xf32, #tpu.memory_space<hbm>> -> memref<32x128xf32, #tpu.memory_space<hbm>>
      tpu.wait_dma2 semaphore(%arg16 : memref<!tpu.dma_semaphore, #tpu.memory_space<semaphore_mem>>) src(%dma_wait3A_769 : memref<32x128xf32, #tpu.memory_space<hbm>>) dst(%dma_wait3A_766 : memref<32x128xf32, #tpu.memory_space<vmem>>)
      %dma_wait3A_770 = arith.constant 0 : i32
      %dma_wait3A_771 = arith.constant 0 : i32
      %dma_wait3A_772 = tpu.memref_slice %arg10[%dma_wait3A_770, %dma_wait3A_771] : memref<256x128xf32, #tpu.memory_space<vmem>> -> memref<32x128xf32, #tpu.memory_space<vmem>>
      %dma_wait3A_773 = arith.constant 0 : i32
      %dma_wait3A_774 = arith.constant 0 : i32
      %dma_wait3A_775 = tpu.memref_slice %arg2[%dma_wait3A_773, %dma_wait3A_774] : memref<32x1000000xf32, #tpu.memory_space<hbm>> -> memref<32x128xf32, #tpu.memory_space<hbm>>
      %dma_wait3A_776 = arith.constant 0 : i32
      %dma_wait3A_777 = arith.constant 0 : i32
      %dma_wait3A_778 = tpu.memref_slice %arg10[%dma_wait3A_776, %dma_wait3A_777] : memref<256x128xf32, #tpu.memory_space<vmem>> -> memref<32x128xf32, #tpu.memory_space<vmem>>
      %dma_wait3A_779 = arith.constant 0 : i32
      %dma_wait3A_780 = arith.constant 0 : i32
      %dma_wait3A_781 = tpu.memref_slice %arg2[%dma_wait3A_779, %dma_wait3A_780] : memref<32x1000000xf32, #tpu.memory_space<hbm>> -> memref<32x128xf32, #tpu.memory_space<hbm>>
      tpu.wait_dma2 semaphore(%arg16 : memref<!tpu.dma_semaphore, #tpu.memory_space<semaphore_mem>>) src(%dma_wait3A_781 : memref<32x128xf32, #tpu.memory_space<hbm>>) dst(%dma_wait3A_778 : memref<32x128xf32, #tpu.memory_space<vmem>>)
      %dma_wait3A_782 = arith.constant 0 : i32
      %dma_wait3A_783 = arith.constant 0 : i32
      %dma_wait3A_784 = tpu.memref_slice %arg10[%dma_wait3A_782, %dma_wait3A_783] : memref<256x128xf32, #tpu.memory_space<vmem>> -> memref<32x128xf32, #tpu.memory_space<vmem>>
      %dma_wait3A_785 = arith.constant 0 : i32
      %dma_wait3A_786 = arith.constant 0 : i32
      %dma_wait3A_787 = tpu.memref_slice %arg2[%dma_wait3A_785, %dma_wait3A_786] : memref<32x1000000xf32, #tpu.memory_space<hbm>> -> memref<32x128xf32, #tpu.memory_space<hbm>>
      %dma_wait3A_788 = arith.constant 0 : i32
      %dma_wait3A_789 = arith.constant 0 : i32
      %dma_wait3A_790 = tpu.memref_slice %arg10[%dma_wait3A_788, %dma_wait3A_789] : memref<256x128xf32, #tpu.memory_space<vmem>> -> memref<32x128xf32, #tpu.memory_space<vmem>>
      %dma_wait3A_791 = arith.constant 0 : i32
      %dma_wait3A_792 = arith.constant 0 : i32
      %dma_wait3A_793 = tpu.memref_slice %arg2[%dma_wait3A_791, %dma_wait3A_792] : memref<32x1000000xf32, #tpu.memory_space<hbm>> -> memref<32x128xf32, #tpu.memory_space<hbm>>
      tpu.wait_dma2 semaphore(%arg16 : memref<!tpu.dma_semaphore, #tpu.memory_space<semaphore_mem>>) src(%dma_wait3A_793 : memref<32x128xf32, #tpu.memory_space<hbm>>) dst(%dma_wait3A_790 : memref<32x128xf32, #tpu.memory_space<vmem>>)
      %dma_wait3A_794 = arith.constant 0 : i32
      %dma_wait3A_795 = arith.constant 0 : i32
      %dma_wait3A_796 = tpu.memref_slice %arg10[%dma_wait3A_794, %dma_wait3A_795] : memref<256x128xf32, #tpu.memory_space<vmem>> -> memref<32x128xf32, #tpu.memory_space<vmem>>
      %dma_wait3A_797 = arith.constant 0 : i32
      %dma_wait3A_798 = arith.constant 0 : i32
      %dma_wait3A_799 = tpu.memref_slice %arg2[%dma_wait3A_797, %dma_wait3A_798] : memref<32x1000000xf32, #tpu.memory_space<hbm>> -> memref<32x128xf32, #tpu.memory_space<hbm>>
      %dma_wait3A_800 = arith.constant 0 : i32
      %dma_wait3A_801 = arith.constant 0 : i32
      %dma_wait3A_802 = tpu.memref_slice %arg10[%dma_wait3A_800, %dma_wait3A_801] : memref<256x128xf32, #tpu.memory_space<vmem>> -> memref<32x128xf32, #tpu.memory_space<vmem>>
      %dma_wait3A_803 = arith.constant 0 : i32
      %dma_wait3A_804 = arith.constant 0 : i32
      %dma_wait3A_805 = tpu.memref_slice %arg2[%dma_wait3A_803, %dma_wait3A_804] : memref<32x1000000xf32, #tpu.memory_space<hbm>> -> memref<32x128xf32, #tpu.memory_space<hbm>>
      tpu.wait_dma2 semaphore(%arg16 : memref<!tpu.dma_semaphore, #tpu.memory_space<semaphore_mem>>) src(%dma_wait3A_805 : memref<32x128xf32, #tpu.memory_space<hbm>>) dst(%dma_wait3A_802 : memref<32x128xf32, #tpu.memory_space<vmem>>)
      %dma_wait3A_806 = arith.constant 0 : i32
      %dma_wait3A_807 = arith.constant 0 : i32
      %dma_wait3A_808 = tpu.memref_slice %arg10[%dma_wait3A_806, %dma_wait3A_807] : memref<256x128xf32, #tpu.memory_space<vmem>> -> memref<32x128xf32, #tpu.memory_space<vmem>>
      %dma_wait3A_809 = arith.constant 0 : i32
      %dma_wait3A_810 = arith.constant 0 : i32
      %dma_wait3A_811 = tpu.memref_slice %arg2[%dma_wait3A_809, %dma_wait3A_810] : memref<32x1000000xf32, #tpu.memory_space<hbm>> -> memref<32x128xf32, #tpu.memory_space<hbm>>
      %dma_wait3A_812 = arith.constant 0 : i32
      %dma_wait3A_813 = arith.constant 0 : i32
      %dma_wait3A_814 = tpu.memref_slice %arg10[%dma_wait3A_812, %dma_wait3A_813] : memref<256x128xf32, #tpu.memory_space<vmem>> -> memref<32x128xf32, #tpu.memory_space<vmem>>
      %dma_wait3A_815 = arith.constant 0 : i32
      %dma_wait3A_816 = arith.constant 0 : i32
      %dma_wait3A_817 = tpu.memref_slice %arg2[%dma_wait3A_815, %dma_wait3A_816] : memref<32x1000000xf32, #tpu.memory_space<hbm>> -> memref<32x128xf32, #tpu.memory_space<hbm>>
      tpu.wait_dma2 semaphore(%arg16 : memref<!tpu.dma_semaphore, #tpu.memory_space<semaphore_mem>>) src(%dma_wait3A_817 : memref<32x128xf32, #tpu.memory_space<hbm>>) dst(%dma_wait3A_814 : memref<32x128xf32, #tpu.memory_space<vmem>>)
      %dma_wait3A_818 = arith.constant 0 : i32
      %dma_wait3A_819 = arith.constant 0 : i32
      %dma_wait3A_820 = tpu.memref_slice %arg10[%dma_wait3A_818, %dma_wait3A_819] : memref<256x128xf32, #tpu.memory_space<vmem>> -> memref<32x128xf32, #tpu.memory_space<vmem>>
      %dma_wait3A_821 = arith.constant 0 : i32
      %dma_wait3A_822 = arith.constant 0 : i32
      %dma_wait3A_823 = tpu.memref_slice %arg2[%dma_wait3A_821, %dma_wait3A_822] : memref<32x1000000xf32, #tpu.memory_space<hbm>> -> memref<32x128xf32, #tpu.memory_space<hbm>>
      %dma_wait3A_824 = arith.constant 0 : i32
      %dma_wait3A_825 = arith.constant 0 : i32
      %dma_wait3A_826 = tpu.memref_slice %arg10[%dma_wait3A_824, %dma_wait3A_825] : memref<256x128xf32, #tpu.memory_space<vmem>> -> memref<32x128xf32, #tpu.memory_space<vmem>>
      %dma_wait3A_827 = arith.constant 0 : i32
      %dma_wait3A_828 = arith.constant 0 : i32
      %dma_wait3A_829 = tpu.memref_slice %arg2[%dma_wait3A_827, %dma_wait3A_828] : memref<32x1000000xf32, #tpu.memory_space<hbm>> -> memref<32x128xf32, #tpu.memory_space<hbm>>
      tpu.wait_dma2 semaphore(%arg16 : memref<!tpu.dma_semaphore, #tpu.memory_space<semaphore_mem>>) src(%dma_wait3A_829 : memref<32x128xf32, #tpu.memory_space<hbm>>) dst(%dma_wait3A_826 : memref<32x128xf32, #tpu.memory_space<vmem>>)
      %add3A_830 = arith.constant 4 : i32
      %add3A_831 = arith.addi %mul3A_84, %add3A_830 : i32
      %add3A_832 = arith.constant 0 : i32
      %add3A_833 = arith.addi %add3A_831, %add3A_832 : i32
      %mul3A_834 = arith.constant 0 : i32
      %mul3A_835 = vector.broadcast %mul3A_834 : i32 to vector<16xi32>
      %mul3A_836 = arith.muli %mul3A_835, %iota3A : vector<16xi32>
      %add3A_837 = vector.broadcast %add3A_833 : i32 to vector<16xi32>
      %add3A_838 = arith.addi %add3A_837, %mul3A_836 : vector<16xi32>
      %and3A_839 = arith.constant 127 : i32
      %and3A_840 = arith.andi %squeeze3A_36, %and3A_839 : i32
      %mul3A_841 = arith.constant 0 : i32
      %mul3A_842 = vector.broadcast %mul3A_841 : i32 to vector<16xi32>
      %mul3A_843 = arith.muli %mul3A_842, %iota3A : vector<16xi32>
      %add3A_844 = vector.broadcast %and3A_840 : i32 to vector<16xi32>
      %add3A_845 = arith.addi %add3A_844, %mul3A_843 : vector<16xi32>
      %add3A_846 = arith.constant 0 : i32
      %add3A_847 = vector.broadcast %add3A_846 : i32 to vector<16xi32>
      %add3A_848 = arith.addi %add3A_847, %iota3A : vector<16xi32>
      %add3A_849 = arith.constant 128 : i32
      %add3A_850 = vector.broadcast %add3A_849 : i32 to vector<16xi32>
      %add3A_851 = arith.addi %add3A_850, %add3A_848 : vector<16xi32>
      %gather3A_852 = tpu.vector_load_idx %arg10[%add3A_851, %add3A_845] : memref<256x128xf32, #tpu.memory_space<vmem>>[vector<16xi32>, vector<16xi32>], vector<16xf32>,
      tpu.vector_store_idx %arg12[%add3A_848, %add3A_838], %gather3A_852 : memref<32x512xf32, #tpu.memory_space<vmem>>[vector<16xi32>, vector<16xi32>], vector<16xf32>,
      %add3A_853 = arith.constant 16 : i32
      %add3A_854 = vector.broadcast %add3A_853 : i32 to vector<16xi32>
      %add3A_855 = arith.addi %add3A_854, %iota3A : vector<16xi32>
      %add3A_856 = arith.constant 128 : i32
      %add3A_857 = vector.broadcast %add3A_856 : i32 to vector<16xi32>
      %add3A_858 = arith.addi %add3A_857, %add3A_855 : vector<16xi32>
      %gather3A_859 = tpu.vector_load_idx %arg10[%add3A_858, %add3A_845] : memref<256x128xf32, #tpu.memory_space<vmem>>[vector<16xi32>, vector<16xi32>], vector<16xf32>,
      tpu.vector_store_idx %arg12[%add3A_855, %add3A_838], %gather3A_859 : memref<32x512xf32, #tpu.memory_space<vmem>>[vector<16xi32>, vector<16xi32>], vector<16xf32>,
      %and3A_860 = arith.constant 127 : i32
      %and3A_861 = arith.andi %squeeze3A_38, %and3A_860 : i32
      %mul3A_862 = arith.constant 0 : i32
      %mul3A_863 = vector.broadcast %mul3A_862 : i32 to vector<16xi32>
      %mul3A_864 = arith.muli %mul3A_863, %iota3A : vector<16xi32>
      %add3A_865 = vector.broadcast %and3A_861 : i32 to vector<16xi32>
      %add3A_866 = arith.addi %add3A_865, %mul3A_864 : vector<16xi32>
      %add3A_867 = arith.constant 0 : i32
      %add3A_868 = vector.broadcast %add3A_867 : i32 to vector<16xi32>
      %add3A_869 = arith.addi %add3A_868, %iota3A : vector<16xi32>
      %add3A_870 = arith.constant 128 : i32
      %add3A_871 = vector.broadcast %add3A_870 : i32 to vector<16xi32>
      %add3A_872 = arith.addi %add3A_871, %add3A_869 : vector<16xi32>
      %gather3A_873 = tpu.vector_load_idx %arg11[%add3A_872, %add3A_866] : memref<256x128xf32, #tpu.memory_space<vmem>>[vector<16xi32>, vector<16xi32>], vector<16xf32>,
      tpu.vector_store_idx %arg13[%add3A_869, %add3A_838], %gather3A_873 : memref<32x512xf32, #tpu.memory_space<vmem>>[vector<16xi32>, vector<16xi32>], vector<16xf32>,
      %add3A_874 = arith.constant 16 : i32
      %add3A_875 = vector.broadcast %add3A_874 : i32 to vector<16xi32>
      %add3A_876 = arith.addi %add3A_875, %iota3A : vector<16xi32>
      %add3A_877 = arith.constant 128 : i32
      %add3A_878 = vector.broadcast %add3A_877 : i32 to vector<16xi32>
      %add3A_879 = arith.addi %add3A_878, %add3A_876 : vector<16xi32>
      %gather3A_880 = tpu.vector_load_idx %arg11[%add3A_879, %add3A_866] : memref<256x128xf32, #tpu.memory_space<vmem>>[vector<16xi32>, vector<16xi32>], vector<16xf32>,
      tpu.vector_store_idx %arg13[%add3A_876, %add3A_838], %gather3A_880 : memref<32x512xf32, #tpu.memory_space<vmem>>[vector<16xi32>, vector<16xi32>], vector<16xf32>,
      %add3A_881 = arith.constant 1 : i32
      %add3A_882 = arith.addi %add3A_831, %add3A_881 : i32
      %mul3A_883 = arith.constant 0 : i32
      %mul3A_884 = vector.broadcast %mul3A_883 : i32 to vector<16xi32>
      %mul3A_885 = arith.muli %mul3A_884, %iota3A : vector<16xi32>
      %add3A_886 = vector.broadcast %add3A_882 : i32 to vector<16xi32>
      %add3A_887 = arith.addi %add3A_886, %mul3A_885 : vector<16xi32>
      %and3A_888 = arith.constant 127 : i32
      %and3A_889 = arith.andi %squeeze3A_40, %and3A_888 : i32
      %mul3A_890 = arith.constant 0 : i32
      %mul3A_891 = vector.broadcast %mul3A_890 : i32 to vector<16xi32>
      %mul3A_892 = arith.muli %mul3A_891, %iota3A : vector<16xi32>
      %add3A_893 = vector.broadcast %and3A_889 : i32 to vector<16xi32>
      %add3A_894 = arith.addi %add3A_893, %mul3A_892 : vector<16xi32>
      %add3A_895 = arith.constant 0 : i32
      %add3A_896 = vector.broadcast %add3A_895 : i32 to vector<16xi32>
      %add3A_897 = arith.addi %add3A_896, %iota3A : vector<16xi32>
      %add3A_898 = arith.constant 160 : i32
      %add3A_899 = vector.broadcast %add3A_898 : i32 to vector<16xi32>
      %add3A_900 = arith.addi %add3A_899, %add3A_897 : vector<16xi32>
      %gather3A_901 = tpu.vector_load_idx %arg10[%add3A_900, %add3A_894] : memref<256x128xf32, #tpu.memory_space<vmem>>[vector<16xi32>, vector<16xi32>], vector<16xf32>,
      tpu.vector_store_idx %arg12[%add3A_897, %add3A_887], %gather3A_901 : memref<32x512xf32, #tpu.memory_space<vmem>>[vector<16xi32>, vector<16xi32>], vector<16xf32>,
      %add3A_902 = arith.constant 16 : i32
      %add3A_903 = vector.broadcast %add3A_902 : i32 to vector<16xi32>
      %add3A_904 = arith.addi %add3A_903, %iota3A : vector<16xi32>
      %add3A_905 = arith.constant 160 : i32
      %add3A_906 = vector.broadcast %add3A_905 : i32 to vector<16xi32>
      %add3A_907 = arith.addi %add3A_906, %add3A_904 : vector<16xi32>
      %gather3A_908 = tpu.vector_load_idx %arg10[%add3A_907, %add3A_894] : memref<256x128xf32, #tpu.memory_space<vmem>>[vector<16xi32>, vector<16xi32>], vector<16xf32>,
      tpu.vector_store_idx %arg12[%add3A_904, %add3A_887], %gather3A_908 : memref<32x512xf32, #tpu.memory_space<vmem>>[vector<16xi32>, vector<16xi32>], vector<16xf32>,
      %and3A_909 = arith.constant 127 : i32
      %and3A_910 = arith.andi %squeeze3A_42, %and3A_909 : i32
      %mul3A_911 = arith.constant 0 : i32
      %mul3A_912 = vector.broadcast %mul3A_911 : i32 to vector<16xi32>
      %mul3A_913 = arith.muli %mul3A_912, %iota3A : vector<16xi32>
      %add3A_914 = vector.broadcast %and3A_910 : i32 to vector<16xi32>
      %add3A_915 = arith.addi %add3A_914, %mul3A_913 : vector<16xi32>
      %add3A_916 = arith.constant 0 : i32
      %add3A_917 = vector.broadcast %add3A_916 : i32 to vector<16xi32>
      %add3A_918 = arith.addi %add3A_917, %iota3A : vector<16xi32>
      %add3A_919 = arith.constant 160 : i32
      %add3A_920 = vector.broadcast %add3A_919 : i32 to vector<16xi32>
      %add3A_921 = arith.addi %add3A_920, %add3A_918 : vector<16xi32>
      %gather3A_922 = tpu.vector_load_idx %arg11[%add3A_921, %add3A_915] : memref<256x128xf32, #tpu.memory_space<vmem>>[vector<16xi32>, vector<16xi32>], vector<16xf32>,
      tpu.vector_store_idx %arg13[%add3A_918, %add3A_887], %gather3A_922 : memref<32x512xf32, #tpu.memory_space<vmem>>[vector<16xi32>, vector<16xi32>], vector<16xf32>,
      %add3A_923 = arith.constant 16 : i32
      %add3A_924 = vector.broadcast %add3A_923 : i32 to vector<16xi32>
      %add3A_925 = arith.addi %add3A_924, %iota3A : vector<16xi32>
      %add3A_926 = arith.constant 160 : i32
      %add3A_927 = vector.broadcast %add3A_926 : i32 to vector<16xi32>
      %add3A_928 = arith.addi %add3A_927, %add3A_925 : vector<16xi32>
      %gather3A_929 = tpu.vector_load_idx %arg11[%add3A_928, %add3A_915] : memref<256x128xf32, #tpu.memory_space<vmem>>[vector<16xi32>, vector<16xi32>], vector<16xf32>,
      tpu.vector_store_idx %arg13[%add3A_925, %add3A_887], %gather3A_929 : memref<32x512xf32, #tpu.memory_space<vmem>>[vector<16xi32>, vector<16xi32>], vector<16xf32>,
      %add3A_930 = arith.constant 2 : i32
      %add3A_931 = arith.addi %add3A_831, %add3A_930 : i32
      %mul3A_932 = arith.constant 0 : i32
      %mul3A_933 = vector.broadcast %mul3A_932 : i32 to vector<16xi32>
      %mul3A_934 = arith.muli %mul3A_933, %iota3A : vector<16xi32>
      %add3A_935 = vector.broadcast %add3A_931 : i32 to vector<16xi32>
      %add3A_936 = arith.addi %add3A_935, %mul3A_934 : vector<16xi32>
      %and3A_937 = arith.constant 127 : i32
      %and3A_938 = arith.andi %squeeze3A_44, %and3A_937 : i32
      %mul3A_939 = arith.constant 0 : i32
      %mul3A_940 = vector.broadcast %mul3A_939 : i32 to vector<16xi32>
      %mul3A_941 = arith.muli %mul3A_940, %iota3A : vector<16xi32>
      %add3A_942 = vector.broadcast %and3A_938 : i32 to vector<16xi32>
      %add3A_943 = arith.addi %add3A_942, %mul3A_941 : vector<16xi32>
      %add3A_944 = arith.constant 0 : i32
      %add3A_945 = vector.broadcast %add3A_944 : i32 to vector<16xi32>
      %add3A_946 = arith.addi %add3A_945, %iota3A : vector<16xi32>
      %add3A_947 = arith.constant 192 : i32
      %add3A_948 = vector.broadcast %add3A_947 : i32 to vector<16xi32>
      %add3A_949 = arith.addi %add3A_948, %add3A_946 : vector<16xi32>
      %gather3A_950 = tpu.vector_load_idx %arg10[%add3A_949, %add3A_943] : memref<256x128xf32, #tpu.memory_space<vmem>>[vector<16xi32>, vector<16xi32>], vector<16xf32>,
      tpu.vector_store_idx %arg12[%add3A_946, %add3A_936], %gather3A_950 : memref<32x512xf32, #tpu.memory_space<vmem>>[vector<16xi32>, vector<16xi32>], vector<16xf32>,
      %add3A_951 = arith.constant 16 : i32
      %add3A_952 = vector.broadcast %add3A_951 : i32 to vector<16xi32>
      %add3A_953 = arith.addi %add3A_952, %iota3A : vector<16xi32>
      %add3A_954 = arith.constant 192 : i32
      %add3A_955 = vector.broadcast %add3A_954 : i32 to vector<16xi32>
      %add3A_956 = arith.addi %add3A_955, %add3A_953 : vector<16xi32>
      %gather3A_957 = tpu.vector_load_idx %arg10[%add3A_956, %add3A_943] : memref<256x128xf32, #tpu.memory_space<vmem>>[vector<16xi32>, vector<16xi32>], vector<16xf32>,
      tpu.vector_store_idx %arg12[%add3A_953, %add3A_936], %gather3A_957 : memref<32x512xf32, #tpu.memory_space<vmem>>[vector<16xi32>, vector<16xi32>], vector<16xf32>,
      %and3A_958 = arith.constant 127 : i32
      %and3A_959 = arith.andi %squeeze3A_46, %and3A_958 : i32
      %mul3A_960 = arith.constant 0 : i32
      %mul3A_961 = vector.broadcast %mul3A_960 : i32 to vector<16xi32>
      %mul3A_962 = arith.muli %mul3A_961, %iota3A : vector<16xi32>
      %add3A_963 = vector.broadcast %and3A_959 : i32 to vector<16xi32>
      %add3A_964 = arith.addi %add3A_963, %mul3A_962 : vector<16xi32>
      %add3A_965 = arith.constant 0 : i32
      %add3A_966 = vector.broadcast %add3A_965 : i32 to vector<16xi32>
      %add3A_967 = arith.addi %add3A_966, %iota3A : vector<16xi32>
      %add3A_968 = arith.constant 192 : i32
      %add3A_969 = vector.broadcast %add3A_968 : i32 to vector<16xi32>
      %add3A_970 = arith.addi %add3A_969, %add3A_967 : vector<16xi32>
      %gather3A_971 = tpu.vector_load_idx %arg11[%add3A_970, %add3A_964] : memref<256x128xf32, #tpu.memory_space<vmem>>[vector<16xi32>, vector<16xi32>], vector<16xf32>,
      tpu.vector_store_idx %arg13[%add3A_967, %add3A_936], %gather3A_971 : memref<32x512xf32, #tpu.memory_space<vmem>>[vector<16xi32>, vector<16xi32>], vector<16xf32>,
      %add3A_972 = arith.constant 16 : i32
      %add3A_973 = vector.broadcast %add3A_972 : i32 to vector<16xi32>
      %add3A_974 = arith.addi %add3A_973, %iota3A : vector<16xi32>
      %add3A_975 = arith.constant 192 : i32
      %add3A_976 = vector.broadcast %add3A_975 : i32 to vector<16xi32>
      %add3A_977 = arith.addi %add3A_976, %add3A_974 : vector<16xi32>
      %gather3A_978 = tpu.vector_load_idx %arg11[%add3A_977, %add3A_964] : memref<256x128xf32, #tpu.memory_space<vmem>>[vector<16xi32>, vector<16xi32>], vector<16xf32>,
      tpu.vector_store_idx %arg13[%add3A_974, %add3A_936], %gather3A_978 : memref<32x512xf32, #tpu.memory_space<vmem>>[vector<16xi32>, vector<16xi32>], vector<16xf32>,
      %add3A_979 = arith.constant 3 : i32
      %add3A_980 = arith.addi %add3A_831, %add3A_979 : i32
      %mul3A_981 = arith.constant 0 : i32
      %mul3A_982 = vector.broadcast %mul3A_981 : i32 to vector<16xi32>
      %mul3A_983 = arith.muli %mul3A_982, %iota3A : vector<16xi32>
      %add3A_984 = vector.broadcast %add3A_980 : i32 to vector<16xi32>
      %add3A_985 = arith.addi %add3A_984, %mul3A_983 : vector<16xi32>
      %and3A_986 = arith.constant 127 : i32
      %and3A_987 = arith.andi %squeeze3A_48, %and3A_986 : i32
      %mul3A_988 = arith.constant 0 : i32
      %mul3A_989 = vector.broadcast %mul3A_988 : i32 to vector<16xi32>
      %mul3A_990 = arith.muli %mul3A_989, %iota3A : vector<16xi32>
      %add3A_991 = vector.broadcast %and3A_987 : i32 to vector<16xi32>
      %add3A_992 = arith.addi %add3A_991, %mul3A_990 : vector<16xi32>
      %add3A_993 = arith.constant 0 : i32
      %add3A_994 = vector.broadcast %add3A_993 : i32 to vector<16xi32>
      %add3A_995 = arith.addi %add3A_994, %iota3A : vector<16xi32>
      %add3A_996 = arith.constant 224 : i32
      %add3A_997 = vector.broadcast %add3A_996 : i32 to vector<16xi32>
      %add3A_998 = arith.addi %add3A_997, %add3A_995 : vector<16xi32>
      %gather3A_999 = tpu.vector_load_idx %arg10[%add3A_998, %add3A_992] : memref<256x128xf32, #tpu.memory_space<vmem>>[vector<16xi32>, vector<16xi32>], vector<16xf32>,
      tpu.vector_store_idx %arg12[%add3A_995, %add3A_985], %gather3A_999 : memref<32x512xf32, #tpu.memory_space<vmem>>[vector<16xi32>, vector<16xi32>], vector<16xf32>,
      %add3A_1000 = arith.constant 16 : i32
      %add3A_1001 = vector.broadcast %add3A_1000 : i32 to vector<16xi32>
      %add3A_1002 = arith.addi %add3A_1001, %iota3A : vector<16xi32>
      %add3A_1003 = arith.constant 224 : i32
      %add3A_1004 = vector.broadcast %add3A_1003 : i32 to vector<16xi32>
      %add3A_1005 = arith.addi %add3A_1004, %add3A_1002 : vector<16xi32>
      %gather3A_1006 = tpu.vector_load_idx %arg10[%add3A_1005, %add3A_992] : memref<256x128xf32, #tpu.memory_space<vmem>>[vector<16xi32>, vector<16xi32>], vector<16xf32>,
      tpu.vector_store_idx %arg12[%add3A_1002, %add3A_985], %gather3A_1006 : memref<32x512xf32, #tpu.memory_space<vmem>>[vector<16xi32>, vector<16xi32>], vector<16xf32>,
      %and3A_1007 = arith.constant 127 : i32
      %and3A_1008 = arith.andi %squeeze3A_50, %and3A_1007 : i32
      %mul3A_1009 = arith.constant 0 : i32
      %mul3A_1010 = vector.broadcast %mul3A_1009 : i32 to vector<16xi32>
      %mul3A_1011 = arith.muli %mul3A_1010, %iota3A : vector<16xi32>
      %add3A_1012 = vector.broadcast %and3A_1008 : i32 to vector<16xi32>
      %add3A_1013 = arith.addi %add3A_1012, %mul3A_1011 : vector<16xi32>
      %add3A_1014 = arith.constant 0 : i32
      %add3A_1015 = vector.broadcast %add3A_1014 : i32 to vector<16xi32>
      %add3A_1016 = arith.addi %add3A_1015, %iota3A : vector<16xi32>
      %add3A_1017 = arith.constant 224 : i32
      %add3A_1018 = vector.broadcast %add3A_1017 : i32 to vector<16xi32>
      %add3A_1019 = arith.addi %add3A_1018, %add3A_1016 : vector<16xi32>
      %gather3A_1020 = tpu.vector_load_idx %arg11[%add3A_1019, %add3A_1013] : memref<256x128xf32, #tpu.memory_space<vmem>>[vector<16xi32>, vector<16xi32>], vector<16xf32>,
      tpu.vector_store_idx %arg13[%add3A_1016, %add3A_985], %gather3A_1020 : memref<32x512xf32, #tpu.memory_space<vmem>>[vector<16xi32>, vector<16xi32>], vector<16xf32>,
      %add3A_1021 = arith.constant 16 : i32
      %add3A_1022 = vector.broadcast %add3A_1021 : i32 to vector<16xi32>
      %add3A_1023 = arith.addi %add3A_1022, %iota3A : vector<16xi32>
      %add3A_1024 = arith.constant 224 : i32
      %add3A_1025 = vector.broadcast %add3A_1024 : i32 to vector<16xi32>
      %add3A_1026 = arith.addi %add3A_1025, %add3A_1023 : vector<16xi32>
      %gather3A_1027 = tpu.vector_load_idx %arg11[%add3A_1026, %add3A_1013] : memref<256x128xf32, #tpu.memory_space<vmem>>[vector<16xi32>, vector<16xi32>], vector<16xf32>,
      tpu.vector_store_idx %arg13[%add3A_1023, %add3A_985], %gather3A_1027 : memref<32x512xf32, #tpu.memory_space<vmem>>[vector<16xi32>, vector<16xi32>], vector<16xf32>,
      %shift_right_arithmetic3A_1028 = arith.constant 7 : i32
      %shift_right_arithmetic3A_1029 = arith.shrsi %squeeze3A_68, %shift_right_arithmetic3A_1028 : i32
      %mul3A_1030 = arith.constant 128 : i32
      %mul3A_1031 = arith.muli %shift_right_arithmetic3A_1029, %mul3A_1030 : i32
      %multiple_of3A_1032 = tpu.assume_multiple %mul3A_1031, 128 : i32
      %shift_right_arithmetic3A_1033 = arith.constant 7 : i32
      %shift_right_arithmetic3A_1034 = arith.shrsi %squeeze3A_70, %shift_right_arithmetic3A_1033 : i32
      %mul3A_1035 = arith.constant 128 : i32
      %mul3A_1036 = arith.muli %shift_right_arithmetic3A_1034, %mul3A_1035 : i32
      %multiple_of3A_1037 = tpu.assume_multiple %mul3A_1036, 128 : i32
      %dma_start3A_1038 = arith.constant 128 : i32
      %dma_start3A_1039 = arith.constant 0 : i32
      %dma_start3A_1040 = tpu.memref_slice %arg10[%dma_start3A_1038, %dma_start3A_1039] : memref<256x128xf32, #tpu.memory_space<vmem>> -> memref<32x128xf32, #tpu.memory_space<vmem>>
      %dma_start3A_1041 = arith.constant 0 : i32
      %dma_start3A_1042 = tpu.memref_slice %arg2[%dma_start3A_1041, %multiple_of3A_1032] : memref<32x1000000xf32, #tpu.memory_space<hbm>> -> memref<32x128xf32, #tpu.memory_space<hbm>>
      %dma_start3A_1043 = arith.constant 128 : i32
      %dma_start3A_1044 = arith.constant 0 : i32
      %dma_start3A_1045 = tpu.memref_slice %arg10[%dma_start3A_1043, %dma_start3A_1044] : memref<256x128xf32, #tpu.memory_space<vmem>> -> memref<32x128xf32, #tpu.memory_space<vmem>>
      %dma_start3A_1046 = arith.constant 0 : i32
      %dma_start3A_1047 = tpu.memref_slice %arg2[%dma_start3A_1046, %multiple_of3A_1032] : memref<32x1000000xf32, #tpu.memory_space<hbm>> -> memref<32x128xf32, #tpu.memory_space<hbm>>
      tpu.enqueue_dma source(%dma_start3A_1047 : memref<32x128xf32, #tpu.memory_space<hbm>>) target(%dma_start3A_1045 : memref<32x128xf32, #tpu.memory_space<vmem>>) target_semaphore(%arg16 : memref<!tpu.dma_semaphore, #tpu.memory_space<semaphore_mem>>)
      %dma_start3A_1048 = arith.constant 128 : i32
      %dma_start3A_1049 = arith.constant 0 : i32
      %dma_start3A_1050 = tpu.memref_slice %arg11[%dma_start3A_1048, %dma_start3A_1049] : memref<256x128xf32, #tpu.memory_space<vmem>> -> memref<32x128xf32, #tpu.memory_space<vmem>>
      %dma_start3A_1051 = arith.constant 0 : i32
      %dma_start3A_1052 = tpu.memref_slice %arg3[%dma_start3A_1051, %multiple_of3A_1037] : memref<32x1000000xf32, #tpu.memory_space<hbm>> -> memref<32x128xf32, #tpu.memory_space<hbm>>
      %dma_start3A_1053 = arith.constant 128 : i32
      %dma_start3A_1054 = arith.constant 0 : i32
      %dma_start3A_1055 = tpu.memref_slice %arg11[%dma_start3A_1053, %dma_start3A_1054] : memref<256x128xf32, #tpu.memory_space<vmem>> -> memref<32x128xf32, #tpu.memory_space<vmem>>
      %dma_start3A_1056 = arith.constant 0 : i32
      %dma_start3A_1057 = tpu.memref_slice %arg3[%dma_start3A_1056, %multiple_of3A_1037] : memref<32x1000000xf32, #tpu.memory_space<hbm>> -> memref<32x128xf32, #tpu.memory_space<hbm>>
      tpu.enqueue_dma source(%dma_start3A_1057 : memref<32x128xf32, #tpu.memory_space<hbm>>) target(%dma_start3A_1055 : memref<32x128xf32, #tpu.memory_space<vmem>>) target_semaphore(%arg16 : memref<!tpu.dma_semaphore, #tpu.memory_space<semaphore_mem>>)
      %shift_right_arithmetic3A_1058 = arith.constant 7 : i32
      %shift_right_arithmetic3A_1059 = arith.shrsi %squeeze3A_72, %shift_right_arithmetic3A_1058 : i32
      %mul3A_1060 = arith.constant 128 : i32
      %mul3A_1061 = arith.muli %shift_right_arithmetic3A_1059, %mul3A_1060 : i32
      %multiple_of3A_1062 = tpu.assume_multiple %mul3A_1061, 128 : i32
      %shift_right_arithmetic3A_1063 = arith.constant 7 : i32
      %shift_right_arithmetic3A_1064 = arith.shrsi %squeeze3A_74, %shift_right_arithmetic3A_1063 : i32
      %mul3A_1065 = arith.constant 128 : i32
      %mul3A_1066 = arith.muli %shift_right_arithmetic3A_1064, %mul3A_1065 : i32
      %multiple_of3A_1067 = tpu.assume_multiple %mul3A_1066, 128 : i32
      %dma_start3A_1068 = arith.constant 160 : i32
      %dma_start3A_1069 = arith.constant 0 : i32
      %dma_start3A_1070 = tpu.memref_slice %arg10[%dma_start3A_1068, %dma_start3A_1069] : memref<256x128xf32, #tpu.memory_space<vmem>> -> memref<32x128xf32, #tpu.memory_space<vmem>>
      %dma_start3A_1071 = arith.constant 0 : i32
      %dma_start3A_1072 = tpu.memref_slice %arg2[%dma_start3A_1071, %multiple_of3A_1062] : memref<32x1000000xf32, #tpu.memory_space<hbm>> -> memref<32x128xf32, #tpu.memory_space<hbm>>
      %dma_start3A_1073 = arith.constant 160 : i32
      %dma_start3A_1074 = arith.constant 0 : i32
      %dma_start3A_1075 = tpu.memref_slice %arg10[%dma_start3A_1073, %dma_start3A_1074] : memref<256x128xf32, #tpu.memory_space<vmem>> -> memref<32x128xf32, #tpu.memory_space<vmem>>
      %dma_start3A_1076 = arith.constant 0 : i32
      %dma_start3A_1077 = tpu.memref_slice %arg2[%dma_start3A_1076, %multiple_of3A_1062] : memref<32x1000000xf32, #tpu.memory_space<hbm>> -> memref<32x128xf32, #tpu.memory_space<hbm>>
      tpu.enqueue_dma source(%dma_start3A_1077 : memref<32x128xf32, #tpu.memory_space<hbm>>) target(%dma_start3A_1075 : memref<32x128xf32, #tpu.memory_space<vmem>>) target_semaphore(%arg16 : memref<!tpu.dma_semaphore, #tpu.memory_space<semaphore_mem>>)
      %dma_start3A_1078 = arith.constant 160 : i32
      %dma_start3A_1079 = arith.constant 0 : i32
      %dma_start3A_1080 = tpu.memref_slice %arg11[%dma_start3A_1078, %dma_start3A_1079] : memref<256x128xf32, #tpu.memory_space<vmem>> -> memref<32x128xf32, #tpu.memory_space<vmem>>
      %dma_start3A_1081 = arith.constant 0 : i32
      %dma_start3A_1082 = tpu.memref_slice %arg3[%dma_start3A_1081, %multiple_of3A_1067] : memref<32x1000000xf32, #tpu.memory_space<hbm>> -> memref<32x128xf32, #tpu.memory_space<hbm>>
      %dma_start3A_1083 = arith.constant 160 : i32
      %dma_start3A_1084 = arith.constant 0 : i32
      %dma_start3A_1085 = tpu.memref_slice %arg11[%dma_start3A_1083, %dma_start3A_1084] : memref<256x128xf32, #tpu.memory_space<vmem>> -> memref<32x128xf32, #tpu.memory_space<vmem>>
      %dma_start3A_1086 = arith.constant 0 : i32
      %dma_start3A_1087 = tpu.memref_slice %arg3[%dma_start3A_1086, %multiple_of3A_1067] : memref<32x1000000xf32, #tpu.memory_space<hbm>> -> memref<32x128xf32, #tpu.memory_space<hbm>>
      tpu.enqueue_dma source(%dma_start3A_1087 : memref<32x128xf32, #tpu.memory_space<hbm>>) target(%dma_start3A_1085 : memref<32x128xf32, #tpu.memory_space<vmem>>) target_semaphore(%arg16 : memref<!tpu.dma_semaphore, #tpu.memory_space<semaphore_mem>>)
      %shift_right_arithmetic3A_1088 = arith.constant 7 : i32
      %shift_right_arithmetic3A_1089 = arith.shrsi %squeeze3A_76, %shift_right_arithmetic3A_1088 : i32
      %mul3A_1090 = arith.constant 128 : i32
      %mul3A_1091 = arith.muli %shift_right_arithmetic3A_1089, %mul3A_1090 : i32
      %multiple_of3A_1092 = tpu.assume_multiple %mul3A_1091, 128 : i32
      %shift_right_arithmetic3A_1093 = arith.constant 7 : i32
      %shift_right_arithmetic3A_1094 = arith.shrsi %squeeze3A_78, %shift_right_arithmetic3A_1093 : i32
      %mul3A_1095 = arith.constant 128 : i32
      %mul3A_1096 = arith.muli %shift_right_arithmetic3A_1094, %mul3A_1095 : i32
      %multiple_of3A_1097 = tpu.assume_multiple %mul3A_1096, 128 : i32
      %dma_start3A_1098 = arith.constant 192 : i32
      %dma_start3A_1099 = arith.constant 0 : i32
      %dma_start3A_1100 = tpu.memref_slice %arg10[%dma_start3A_1098, %dma_start3A_1099] : memref<256x128xf32, #tpu.memory_space<vmem>> -> memref<32x128xf32, #tpu.memory_space<vmem>>
      %dma_start3A_1101 = arith.constant 0 : i32
      %dma_start3A_1102 = tpu.memref_slice %arg2[%dma_start3A_1101, %multiple_of3A_1092] : memref<32x1000000xf32, #tpu.memory_space<hbm>> -> memref<32x128xf32, #tpu.memory_space<hbm>>
      %dma_start3A_1103 = arith.constant 192 : i32
      %dma_start3A_1104 = arith.constant 0 : i32
      %dma_start3A_1105 = tpu.memref_slice %arg10[%dma_start3A_1103, %dma_start3A_1104] : memref<256x128xf32, #tpu.memory_space<vmem>> -> memref<32x128xf32, #tpu.memory_space<vmem>>
      %dma_start3A_1106 = arith.constant 0 : i32
      %dma_start3A_1107 = tpu.memref_slice %arg2[%dma_start3A_1106, %multiple_of3A_1092] : memref<32x1000000xf32, #tpu.memory_space<hbm>> -> memref<32x128xf32, #tpu.memory_space<hbm>>
      tpu.enqueue_dma source(%dma_start3A_1107 : memref<32x128xf32, #tpu.memory_space<hbm>>) target(%dma_start3A_1105 : memref<32x128xf32, #tpu.memory_space<vmem>>) target_semaphore(%arg16 : memref<!tpu.dma_semaphore, #tpu.memory_space<semaphore_mem>>)
      %dma_start3A_1108 = arith.constant 192 : i32
      %dma_start3A_1109 = arith.constant 0 : i32
      %dma_start3A_1110 = tpu.memref_slice %arg11[%dma_start3A_1108, %dma_start3A_1109] : memref<256x128xf32, #tpu.memory_space<vmem>> -> memref<32x128xf32, #tpu.memory_space<vmem>>
      %dma_start3A_1111 = arith.constant 0 : i32
      %dma_start3A_1112 = tpu.memref_slice %arg3[%dma_start3A_1111, %multiple_of3A_1097] : memref<32x1000000xf32, #tpu.memory_space<hbm>> -> memref<32x128xf32, #tpu.memory_space<hbm>>
      %dma_start3A_1113 = arith.constant 192 : i32
      %dma_start3A_1114 = arith.constant 0 : i32
      %dma_start3A_1115 = tpu.memref_slice %arg11[%dma_start3A_1113, %dma_start3A_1114] : memref<256x128xf32, #tpu.memory_space<vmem>> -> memref<32x128xf32, #tpu.memory_space<vmem>>
      %dma_start3A_1116 = arith.constant 0 : i32
      %dma_start3A_1117 = tpu.memref_slice %arg3[%dma_start3A_1116, %multiple_of3A_1097] : memref<32x1000000xf32, #tpu.memory_space<hbm>> -> memref<32x128xf32, #tpu.memory_space<hbm>>
      tpu.enqueue_dma source(%dma_start3A_1117 : memref<32x128xf32, #tpu.memory_space<hbm>>) target(%dma_start3A_1115 : memref<32x128xf32, #tpu.memory_space<vmem>>) target_semaphore(%arg16 : memref<!tpu.dma_semaphore, #tpu.memory_space<semaphore_mem>>)
      %shift_right_arithmetic3A_1118 = arith.constant 7 : i32
      %shift_right_arithmetic3A_1119 = arith.shrsi %squeeze3A_80, %shift_right_arithmetic3A_1118 : i32
      %mul3A_1120 = arith.constant 128 : i32
      %mul3A_1121 = arith.muli %shift_right_arithmetic3A_1119, %mul3A_1120 : i32
      %multiple_of3A_1122 = tpu.assume_multiple %mul3A_1121, 128 : i32
      %shift_right_arithmetic3A_1123 = arith.constant 7 : i32
      %shift_right_arithmetic3A_1124 = arith.shrsi %squeeze3A_82, %shift_right_arithmetic3A_1123 : i32
      %mul3A_1125 = arith.constant 128 : i32
      %mul3A_1126 = arith.muli %shift_right_arithmetic3A_1124, %mul3A_1125 : i32
      %multiple_of3A_1127 = tpu.assume_multiple %mul3A_1126, 128 : i32
      %dma_start3A_1128 = arith.constant 224 : i32
      %dma_start3A_1129 = arith.constant 0 : i32
      %dma_start3A_1130 = tpu.memref_slice %arg10[%dma_start3A_1128, %dma_start3A_1129] : memref<256x128xf32, #tpu.memory_space<vmem>> -> memref<32x128xf32, #tpu.memory_space<vmem>>
      %dma_start3A_1131 = arith.constant 0 : i32
      %dma_start3A_1132 = tpu.memref_slice %arg2[%dma_start3A_1131, %multiple_of3A_1122] : memref<32x1000000xf32, #tpu.memory_space<hbm>> -> memref<32x128xf32, #tpu.memory_space<hbm>>
      %dma_start3A_1133 = arith.constant 224 : i32
      %dma_start3A_1134 = arith.constant 0 : i32
      %dma_start3A_1135 = tpu.memref_slice %arg10[%dma_start3A_1133, %dma_start3A_1134] : memref<256x128xf32, #tpu.memory_space<vmem>> -> memref<32x128xf32, #tpu.memory_space<vmem>>
      %dma_start3A_1136 = arith.constant 0 : i32
      %dma_start3A_1137 = tpu.memref_slice %arg2[%dma_start3A_1136, %multiple_of3A_1122] : memref<32x1000000xf32, #tpu.memory_space<hbm>> -> memref<32x128xf32, #tpu.memory_space<hbm>>
      tpu.enqueue_dma source(%dma_start3A_1137 : memref<32x128xf32, #tpu.memory_space<hbm>>) target(%dma_start3A_1135 : memref<32x128xf32, #tpu.memory_space<vmem>>) target_semaphore(%arg16 : memref<!tpu.dma_semaphore, #tpu.memory_space<semaphore_mem>>)
      %dma_start3A_1138 = arith.constant 224 : i32
      %dma_start3A_1139 = arith.constant 0 : i32
      %dma_start3A_1140 = tpu.memref_slice %arg11[%dma_start3A_1138, %dma_start3A_1139] : memref<256x128xf32, #tpu.memory_space<vmem>> -> memref<32x128xf32, #tpu.memory_space<vmem>>
      %dma_start3A_1141 = arith.constant 0 : i32
      %dma_start3A_1142 = tpu.memref_slice %arg3[%dma_start3A_1141, %multiple_of3A_1127] : memref<32x1000000xf32, #tpu.memory_space<hbm>> -> memref<32x128xf32, #tpu.memory_space<hbm>>
      %dma_start3A_1143 = arith.constant 224 : i32
      %dma_start3A_1144 = arith.constant 0 : i32
      %dma_start3A_1145 = tpu.memref_slice %arg11[%dma_start3A_1143, %dma_start3A_1144] : memref<256x128xf32, #tpu.memory_space<vmem>> -> memref<32x128xf32, #tpu.memory_space<vmem>>
      %dma_start3A_1146 = arith.constant 0 : i32
      %dma_start3A_1147 = tpu.memref_slice %arg3[%dma_start3A_1146, %multiple_of3A_1127] : memref<32x1000000xf32, #tpu.memory_space<hbm>> -> memref<32x128xf32, #tpu.memory_space<hbm>>
      tpu.enqueue_dma source(%dma_start3A_1147 : memref<32x128xf32, #tpu.memory_space<hbm>>) target(%dma_start3A_1145 : memref<32x128xf32, #tpu.memory_space<vmem>>) target_semaphore(%arg16 : memref<!tpu.dma_semaphore, #tpu.memory_space<semaphore_mem>>)
      %dma_wait3A_1148 = arith.constant 0 : i32
      %dma_wait3A_1149 = arith.constant 0 : i32
      %dma_wait3A_1150 = tpu.memref_slice %arg10[%dma_wait3A_1148, %dma_wait3A_1149] : memref<256x128xf32, #tpu.memory_space<vmem>> -> memref<32x128xf32, #tpu.memory_space<vmem>>
      %dma_wait3A_1151 = arith.constant 0 : i32
      %dma_wait3A_1152 = arith.constant 0 : i32
      %dma_wait3A_1153 = tpu.memref_slice %arg2[%dma_wait3A_1151, %dma_wait3A_1152] : memref<32x1000000xf32, #tpu.memory_space<hbm>> -> memref<32x128xf32, #tpu.memory_space<hbm>>
      %dma_wait3A_1154 = arith.constant 0 : i32
      %dma_wait3A_1155 = arith.constant 0 : i32
      %dma_wait3A_1156 = tpu.memref_slice %arg10[%dma_wait3A_1154, %dma_wait3A_1155] : memref<256x128xf32, #tpu.memory_space<vmem>> -> memref<32x128xf32, #tpu.memory_space<vmem>>
      %dma_wait3A_1157 = arith.constant 0 : i32
      %dma_wait3A_1158 = arith.constant 0 : i32
      %dma_wait3A_1159 = tpu.memref_slice %arg2[%dma_wait3A_1157, %dma_wait3A_1158] : memref<32x1000000xf32, #tpu.memory_space<hbm>> -> memref<32x128xf32, #tpu.memory_space<hbm>>
      tpu.wait_dma2 semaphore(%arg15 : memref<!tpu.dma_semaphore, #tpu.memory_space<semaphore_mem>>) src(%dma_wait3A_1159 : memref<32x128xf32, #tpu.memory_space<hbm>>) dst(%dma_wait3A_1156 : memref<32x128xf32, #tpu.memory_space<vmem>>)
      %dma_wait3A_1160 = arith.constant 0 : i32
      %dma_wait3A_1161 = arith.constant 0 : i32
      %dma_wait3A_1162 = tpu.memref_slice %arg10[%dma_wait3A_1160, %dma_wait3A_1161] : memref<256x128xf32, #tpu.memory_space<vmem>> -> memref<32x128xf32, #tpu.memory_space<vmem>>
      %dma_wait3A_1163 = arith.constant 0 : i32
      %dma_wait3A_1164 = arith.constant 0 : i32
      %dma_wait3A_1165 = tpu.memref_slice %arg2[%dma_wait3A_1163, %dma_wait3A_1164] : memref<32x1000000xf32, #tpu.memory_space<hbm>> -> memref<32x128xf32, #tpu.memory_space<hbm>>
      %dma_wait3A_1166 = arith.constant 0 : i32
      %dma_wait3A_1167 = arith.constant 0 : i32
      %dma_wait3A_1168 = tpu.memref_slice %arg10[%dma_wait3A_1166, %dma_wait3A_1167] : memref<256x128xf32, #tpu.memory_space<vmem>> -> memref<32x128xf32, #tpu.memory_space<vmem>>
      %dma_wait3A_1169 = arith.constant 0 : i32
      %dma_wait3A_1170 = arith.constant 0 : i32
      %dma_wait3A_1171 = tpu.memref_slice %arg2[%dma_wait3A_1169, %dma_wait3A_1170] : memref<32x1000000xf32, #tpu.memory_space<hbm>> -> memref<32x128xf32, #tpu.memory_space<hbm>>
      tpu.wait_dma2 semaphore(%arg15 : memref<!tpu.dma_semaphore, #tpu.memory_space<semaphore_mem>>) src(%dma_wait3A_1171 : memref<32x128xf32, #tpu.memory_space<hbm>>) dst(%dma_wait3A_1168 : memref<32x128xf32, #tpu.memory_space<vmem>>)
      %dma_wait3A_1172 = arith.constant 0 : i32
      %dma_wait3A_1173 = arith.constant 0 : i32
      %dma_wait3A_1174 = tpu.memref_slice %arg10[%dma_wait3A_1172, %dma_wait3A_1173] : memref<256x128xf32, #tpu.memory_space<vmem>> -> memref<32x128xf32, #tpu.memory_space<vmem>>
      %dma_wait3A_1175 = arith.constant 0 : i32
      %dma_wait3A_1176 = arith.constant 0 : i32
      %dma_wait3A_1177 = tpu.memref_slice %arg2[%dma_wait3A_1175, %dma_wait3A_1176] : memref<32x1000000xf32, #tpu.memory_space<hbm>> -> memref<32x128xf32, #tpu.memory_space<hbm>>
      %dma_wait3A_1178 = arith.constant 0 : i32
      %dma_wait3A_1179 = arith.constant 0 : i32
      %dma_wait3A_1180 = tpu.memref_slice %arg10[%dma_wait3A_1178, %dma_wait3A_1179] : memref<256x128xf32, #tpu.memory_space<vmem>> -> memref<32x128xf32, #tpu.memory_space<vmem>>
      %dma_wait3A_1181 = arith.constant 0 : i32
      %dma_wait3A_1182 = arith.constant 0 : i32
      %dma_wait3A_1183 = tpu.memref_slice %arg2[%dma_wait3A_1181, %dma_wait3A_1182] : memref<32x1000000xf32, #tpu.memory_space<hbm>> -> memref<32x128xf32, #tpu.memory_space<hbm>>
      tpu.wait_dma2 semaphore(%arg15 : memref<!tpu.dma_semaphore, #tpu.memory_space<semaphore_mem>>) src(%dma_wait3A_1183 : memref<32x128xf32, #tpu.memory_space<hbm>>) dst(%dma_wait3A_1180 : memref<32x128xf32, #tpu.memory_space<vmem>>)
      %dma_wait3A_1184 = arith.constant 0 : i32
      %dma_wait3A_1185 = arith.constant 0 : i32
      %dma_wait3A_1186 = tpu.memref_slice %arg10[%dma_wait3A_1184, %dma_wait3A_1185] : memref<256x128xf32, #tpu.memory_space<vmem>> -> memref<32x128xf32, #tpu.memory_space<vmem>>
      %dma_wait3A_1187 = arith.constant 0 : i32
      %dma_wait3A_1188 = arith.constant 0 : i32
      %dma_wait3A_1189 = tpu.memref_slice %arg2[%dma_wait3A_1187, %dma_wait3A_1188] : memref<32x1000000xf32, #tpu.memory_space<hbm>> -> memref<32x128xf32, #tpu.memory_space<hbm>>
      %dma_wait3A_1190 = arith.constant 0 : i32
      %dma_wait3A_1191 = arith.constant 0 : i32
      %dma_wait3A_1192 = tpu.memref_slice %arg10[%dma_wait3A_1190, %dma_wait3A_1191] : memref<256x128xf32, #tpu.memory_space<vmem>> -> memref<32x128xf32, #tpu.memory_space<vmem>>
      %dma_wait3A_1193 = arith.constant 0 : i32
      %dma_wait3A_1194 = arith.constant 0 : i32
      %dma_wait3A_1195 = tpu.memref_slice %arg2[%dma_wait3A_1193, %dma_wait3A_1194] : memref<32x1000000xf32, #tpu.memory_space<hbm>> -> memref<32x128xf32, #tpu.memory_space<hbm>>
      tpu.wait_dma2 semaphore(%arg15 : memref<!tpu.dma_semaphore, #tpu.memory_space<semaphore_mem>>) src(%dma_wait3A_1195 : memref<32x128xf32, #tpu.memory_space<hbm>>) dst(%dma_wait3A_1192 : memref<32x128xf32, #tpu.memory_space<vmem>>)
      %dma_wait3A_1196 = arith.constant 0 : i32
      %dma_wait3A_1197 = arith.constant 0 : i32
      %dma_wait3A_1198 = tpu.memref_slice %arg10[%dma_wait3A_1196, %dma_wait3A_1197] : memref<256x128xf32, #tpu.memory_space<vmem>> -> memref<32x128xf32, #tpu.memory_space<vmem>>
      %dma_wait3A_1199 = arith.constant 0 : i32
      %dma_wait3A_1200 = arith.constant 0 : i32
      %dma_wait3A_1201 = tpu.memref_slice %arg2[%dma_wait3A_1199, %dma_wait3A_1200] : memref<32x1000000xf32, #tpu.memory_space<hbm>> -> memref<32x128xf32, #tpu.memory_space<hbm>>
      %dma_wait3A_1202 = arith.constant 0 : i32
      %dma_wait3A_1203 = arith.constant 0 : i32
      %dma_wait3A_1204 = tpu.memref_slice %arg10[%dma_wait3A_1202, %dma_wait3A_1203] : memref<256x128xf32, #tpu.memory_space<vmem>> -> memref<32x128xf32, #tpu.memory_space<vmem>>
      %dma_wait3A_1205 = arith.constant 0 : i32
      %dma_wait3A_1206 = arith.constant 0 : i32
      %dma_wait3A_1207 = tpu.memref_slice %arg2[%dma_wait3A_1205, %dma_wait3A_1206] : memref<32x1000000xf32, #tpu.memory_space<hbm>> -> memref<32x128xf32, #tpu.memory_space<hbm>>
      tpu.wait_dma2 semaphore(%arg15 : memref<!tpu.dma_semaphore, #tpu.memory_space<semaphore_mem>>) src(%dma_wait3A_1207 : memref<32x128xf32, #tpu.memory_space<hbm>>) dst(%dma_wait3A_1204 : memref<32x128xf32, #tpu.memory_space<vmem>>)
      %dma_wait3A_1208 = arith.constant 0 : i32
      %dma_wait3A_1209 = arith.constant 0 : i32
      %dma_wait3A_1210 = tpu.memref_slice %arg10[%dma_wait3A_1208, %dma_wait3A_1209] : memref<256x128xf32, #tpu.memory_space<vmem>> -> memref<32x128xf32, #tpu.memory_space<vmem>>
      %dma_wait3A_1211 = arith.constant 0 : i32
      %dma_wait3A_1212 = arith.constant 0 : i32
      %dma_wait3A_1213 = tpu.memref_slice %arg2[%dma_wait3A_1211, %dma_wait3A_1212] : memref<32x1000000xf32, #tpu.memory_space<hbm>> -> memref<32x128xf32, #tpu.memory_space<hbm>>
      %dma_wait3A_1214 = arith.constant 0 : i32
      %dma_wait3A_1215 = arith.constant 0 : i32
      %dma_wait3A_1216 = tpu.memref_slice %arg10[%dma_wait3A_1214, %dma_wait3A_1215] : memref<256x128xf32, #tpu.memory_space<vmem>> -> memref<32x128xf32, #tpu.memory_space<vmem>>
      %dma_wait3A_1217 = arith.constant 0 : i32
      %dma_wait3A_1218 = arith.constant 0 : i32
      %dma_wait3A_1219 = tpu.memref_slice %arg2[%dma_wait3A_1217, %dma_wait3A_1218] : memref<32x1000000xf32, #tpu.memory_space<hbm>> -> memref<32x128xf32, #tpu.memory_space<hbm>>
      tpu.wait_dma2 semaphore(%arg15 : memref<!tpu.dma_semaphore, #tpu.memory_space<semaphore_mem>>) src(%dma_wait3A_1219 : memref<32x128xf32, #tpu.memory_space<hbm>>) dst(%dma_wait3A_1216 : memref<32x128xf32, #tpu.memory_space<vmem>>)
      %dma_wait3A_1220 = arith.constant 0 : i32
      %dma_wait3A_1221 = arith.constant 0 : i32
      %dma_wait3A_1222 = tpu.memref_slice %arg10[%dma_wait3A_1220, %dma_wait3A_1221] : memref<256x128xf32, #tpu.memory_space<vmem>> -> memref<32x128xf32, #tpu.memory_space<vmem>>
      %dma_wait3A_1223 = arith.constant 0 : i32
      %dma_wait3A_1224 = arith.constant 0 : i32
      %dma_wait3A_1225 = tpu.memref_slice %arg2[%dma_wait3A_1223, %dma_wait3A_1224] : memref<32x1000000xf32, #tpu.memory_space<hbm>> -> memref<32x128xf32, #tpu.memory_space<hbm>>
      %dma_wait3A_1226 = arith.constant 0 : i32
      %dma_wait3A_1227 = arith.constant 0 : i32
      %dma_wait3A_1228 = tpu.memref_slice %arg10[%dma_wait3A_1226, %dma_wait3A_1227] : memref<256x128xf32, #tpu.memory_space<vmem>> -> memref<32x128xf32, #tpu.memory_space<vmem>>
      %dma_wait3A_1229 = arith.constant 0 : i32
      %dma_wait3A_1230 = arith.constant 0 : i32
      %dma_wait3A_1231 = tpu.memref_slice %arg2[%dma_wait3A_1229, %dma_wait3A_1230] : memref<32x1000000xf32, #tpu.memory_space<hbm>> -> memref<32x128xf32, #tpu.memory_space<hbm>>
      tpu.wait_dma2 semaphore(%arg15 : memref<!tpu.dma_semaphore, #tpu.memory_space<semaphore_mem>>) src(%dma_wait3A_1231 : memref<32x128xf32, #tpu.memory_space<hbm>>) dst(%dma_wait3A_1228 : memref<32x128xf32, #tpu.memory_space<vmem>>)
      %dma_wait3A_1232 = arith.constant 0 : i32
      %dma_wait3A_1233 = arith.constant 0 : i32
      %dma_wait3A_1234 = tpu.memref_slice %arg10[%dma_wait3A_1232, %dma_wait3A_1233] : memref<256x128xf32, #tpu.memory_space<vmem>> -> memref<32x128xf32, #tpu.memory_space<vmem>>
      %dma_wait3A_1235 = arith.constant 0 : i32
      %dma_wait3A_1236 = arith.constant 0 : i32
      %dma_wait3A_1237 = tpu.memref_slice %arg2[%dma_wait3A_1235, %dma_wait3A_1236] : memref<32x1000000xf32, #tpu.memory_space<hbm>> -> memref<32x128xf32, #tpu.memory_space<hbm>>
      %dma_wait3A_1238 = arith.constant 0 : i32
      %dma_wait3A_1239 = arith.constant 0 : i32
      %dma_wait3A_1240 = tpu.memref_slice %arg10[%dma_wait3A_1238, %dma_wait3A_1239] : memref<256x128xf32, #tpu.memory_space<vmem>> -> memref<32x128xf32, #tpu.memory_space<vmem>>
      %dma_wait3A_1241 = arith.constant 0 : i32
      %dma_wait3A_1242 = arith.constant 0 : i32
      %dma_wait3A_1243 = tpu.memref_slice %arg2[%dma_wait3A_1241, %dma_wait3A_1242] : memref<32x1000000xf32, #tpu.memory_space<hbm>> -> memref<32x128xf32, #tpu.memory_space<hbm>>
      tpu.wait_dma2 semaphore(%arg15 : memref<!tpu.dma_semaphore, #tpu.memory_space<semaphore_mem>>) src(%dma_wait3A_1243 : memref<32x128xf32, #tpu.memory_space<hbm>>) dst(%dma_wait3A_1240 : memref<32x128xf32, #tpu.memory_space<vmem>>)
      %add3A_1244 = arith.constant 8 : i32
      %add3A_1245 = arith.addi %mul3A_84, %add3A_1244 : i32
      %add3A_1246 = arith.constant 0 : i32
      %add3A_1247 = arith.addi %add3A_1245, %add3A_1246 : i32
      %mul3A_1248 = arith.constant 0 : i32
      %mul3A_1249 = vector.broadcast %mul3A_1248 : i32 to vector<16xi32>
      %mul3A_1250 = arith.muli %mul3A_1249, %iota3A : vector<16xi32>
      %add3A_1251 = vector.broadcast %add3A_1247 : i32 to vector<16xi32>
      %add3A_1252 = arith.addi %add3A_1251, %mul3A_1250 : vector<16xi32>
      %and3A_1253 = arith.constant 127 : i32
      %and3A_1254 = arith.andi %squeeze3A_52, %and3A_1253 : i32
      %mul3A_1255 = arith.constant 0 : i32
      %mul3A_1256 = vector.broadcast %mul3A_1255 : i32 to vector<16xi32>
      %mul3A_1257 = arith.muli %mul3A_1256, %iota3A : vector<16xi32>
      %add3A_1258 = vector.broadcast %and3A_1254 : i32 to vector<16xi32>
      %add3A_1259 = arith.addi %add3A_1258, %mul3A_1257 : vector<16xi32>
      %add3A_1260 = arith.constant 0 : i32
      %add3A_1261 = vector.broadcast %add3A_1260 : i32 to vector<16xi32>
      %add3A_1262 = arith.addi %add3A_1261, %iota3A : vector<16xi32>
      %add3A_1263 = arith.constant 0 : i32
      %add3A_1264 = vector.broadcast %add3A_1263 : i32 to vector<16xi32>
      %add3A_1265 = arith.addi %add3A_1264, %add3A_1262 : vector<16xi32>
      %gather3A_1266 = tpu.vector_load_idx %arg10[%add3A_1265, %add3A_1259] : memref<256x128xf32, #tpu.memory_space<vmem>>[vector<16xi32>, vector<16xi32>], vector<16xf32>,
      tpu.vector_store_idx %arg12[%add3A_1262, %add3A_1252], %gather3A_1266 : memref<32x512xf32, #tpu.memory_space<vmem>>[vector<16xi32>, vector<16xi32>], vector<16xf32>,
      %add3A_1267 = arith.constant 16 : i32
      %add3A_1268 = vector.broadcast %add3A_1267 : i32 to vector<16xi32>
      %add3A_1269 = arith.addi %add3A_1268, %iota3A : vector<16xi32>
      %add3A_1270 = arith.constant 0 : i32
      %add3A_1271 = vector.broadcast %add3A_1270 : i32 to vector<16xi32>
      %add3A_1272 = arith.addi %add3A_1271, %add3A_1269 : vector<16xi32>
      %gather3A_1273 = tpu.vector_load_idx %arg10[%add3A_1272, %add3A_1259] : memref<256x128xf32, #tpu.memory_space<vmem>>[vector<16xi32>, vector<16xi32>], vector<16xf32>,
      tpu.vector_store_idx %arg12[%add3A_1269, %add3A_1252], %gather3A_1273 : memref<32x512xf32, #tpu.memory_space<vmem>>[vector<16xi32>, vector<16xi32>], vector<16xf32>,
      %and3A_1274 = arith.constant 127 : i32
      %and3A_1275 = arith.andi %squeeze3A_54, %and3A_1274 : i32
      %mul3A_1276 = arith.constant 0 : i32
      %mul3A_1277 = vector.broadcast %mul3A_1276 : i32 to vector<16xi32>
      %mul3A_1278 = arith.muli %mul3A_1277, %iota3A : vector<16xi32>
      %add3A_1279 = vector.broadcast %and3A_1275 : i32 to vector<16xi32>
      %add3A_1280 = arith.addi %add3A_1279, %mul3A_1278 : vector<16xi32>
      %add3A_1281 = arith.constant 0 : i32
      %add3A_1282 = vector.broadcast %add3A_1281 : i32 to vector<16xi32>
      %add3A_1283 = arith.addi %add3A_1282, %iota3A : vector<16xi32>
      %add3A_1284 = arith.constant 0 : i32
      %add3A_1285 = vector.broadcast %add3A_1284 : i32 to vector<16xi32>
      %add3A_1286 = arith.addi %add3A_1285, %add3A_1283 : vector<16xi32>
      %gather3A_1287 = tpu.vector_load_idx %arg11[%add3A_1286, %add3A_1280] : memref<256x128xf32, #tpu.memory_space<vmem>>[vector<16xi32>, vector<16xi32>], vector<16xf32>,
      tpu.vector_store_idx %arg13[%add3A_1283, %add3A_1252], %gather3A_1287 : memref<32x512xf32, #tpu.memory_space<vmem>>[vector<16xi32>, vector<16xi32>], vector<16xf32>,
      %add3A_1288 = arith.constant 16 : i32
      %add3A_1289 = vector.broadcast %add3A_1288 : i32 to vector<16xi32>
      %add3A_1290 = arith.addi %add3A_1289, %iota3A : vector<16xi32>
      %add3A_1291 = arith.constant 0 : i32
      %add3A_1292 = vector.broadcast %add3A_1291 : i32 to vector<16xi32>
      %add3A_1293 = arith.addi %add3A_1292, %add3A_1290 : vector<16xi32>
      %gather3A_1294 = tpu.vector_load_idx %arg11[%add3A_1293, %add3A_1280] : memref<256x128xf32, #tpu.memory_space<vmem>>[vector<16xi32>, vector<16xi32>], vector<16xf32>,
      tpu.vector_store_idx %arg13[%add3A_1290, %add3A_1252], %gather3A_1294 : memref<32x512xf32, #tpu.memory_space<vmem>>[vector<16xi32>, vector<16xi32>], vector<16xf32>,
      %add3A_1295 = arith.constant 1 : i32
      %add3A_1296 = arith.addi %add3A_1245, %add3A_1295 : i32
      %mul3A_1297 = arith.constant 0 : i32
      %mul3A_1298 = vector.broadcast %mul3A_1297 : i32 to vector<16xi32>
      %mul3A_1299 = arith.muli %mul3A_1298, %iota3A : vector<16xi32>
      %add3A_1300 = vector.broadcast %add3A_1296 : i32 to vector<16xi32>
      %add3A_1301 = arith.addi %add3A_1300, %mul3A_1299 : vector<16xi32>
      %and3A_1302 = arith.constant 127 : i32
      %and3A_1303 = arith.andi %squeeze3A_56, %and3A_1302 : i32
      %mul3A_1304 = arith.constant 0 : i32
      %mul3A_1305 = vector.broadcast %mul3A_1304 : i32 to vector<16xi32>
      %mul3A_1306 = arith.muli %mul3A_1305, %iota3A : vector<16xi32>
      %add3A_1307 = vector.broadcast %and3A_1303 : i32 to vector<16xi32>
      %add3A_1308 = arith.addi %add3A_1307, %mul3A_1306 : vector<16xi32>
      %add3A_1309 = arith.constant 0 : i32
      %add3A_1310 = vector.broadcast %add3A_1309 : i32 to vector<16xi32>
      %add3A_1311 = arith.addi %add3A_1310, %iota3A : vector<16xi32>
      %add3A_1312 = arith.constant 32 : i32
      %add3A_1313 = vector.broadcast %add3A_1312 : i32 to vector<16xi32>
      %add3A_1314 = arith.addi %add3A_1313, %add3A_1311 : vector<16xi32>
      %gather3A_1315 = tpu.vector_load_idx %arg10[%add3A_1314, %add3A_1308] : memref<256x128xf32, #tpu.memory_space<vmem>>[vector<16xi32>, vector<16xi32>], vector<16xf32>,
      tpu.vector_store_idx %arg12[%add3A_1311, %add3A_1301], %gather3A_1315 : memref<32x512xf32, #tpu.memory_space<vmem>>[vector<16xi32>, vector<16xi32>], vector<16xf32>,
      %add3A_1316 = arith.constant 16 : i32
      %add3A_1317 = vector.broadcast %add3A_1316 : i32 to vector<16xi32>
      %add3A_1318 = arith.addi %add3A_1317, %iota3A : vector<16xi32>
      %add3A_1319 = arith.constant 32 : i32
      %add3A_1320 = vector.broadcast %add3A_1319 : i32 to vector<16xi32>
      %add3A_1321 = arith.addi %add3A_1320, %add3A_1318 : vector<16xi32>
      %gather3A_1322 = tpu.vector_load_idx %arg10[%add3A_1321, %add3A_1308] : memref<256x128xf32, #tpu.memory_space<vmem>>[vector<16xi32>, vector<16xi32>], vector<16xf32>,
      tpu.vector_store_idx %arg12[%add3A_1318, %add3A_1301], %gather3A_1322 : memref<32x512xf32, #tpu.memory_space<vmem>>[vector<16xi32>, vector<16xi32>], vector<16xf32>,
      %and3A_1323 = arith.constant 127 : i32
      %and3A_1324 = arith.andi %squeeze3A_58, %and3A_1323 : i32
      %mul3A_1325 = arith.constant 0 : i32
      %mul3A_1326 = vector.broadcast %mul3A_1325 : i32 to vector<16xi32>
      %mul3A_1327 = arith.muli %mul3A_1326, %iota3A : vector<16xi32>
      %add3A_1328 = vector.broadcast %and3A_1324 : i32 to vector<16xi32>
      %add3A_1329 = arith.addi %add3A_1328, %mul3A_1327 : vector<16xi32>
      %add3A_1330 = arith.constant 0 : i32
      %add3A_1331 = vector.broadcast %add3A_1330 : i32 to vector<16xi32>
      %add3A_1332 = arith.addi %add3A_1331, %iota3A : vector<16xi32>
      %add3A_1333 = arith.constant 32 : i32
      %add3A_1334 = vector.broadcast %add3A_1333 : i32 to vector<16xi32>
      %add3A_1335 = arith.addi %add3A_1334, %add3A_1332 : vector<16xi32>
      %gather3A_1336 = tpu.vector_load_idx %arg11[%add3A_1335, %add3A_1329] : memref<256x128xf32, #tpu.memory_space<vmem>>[vector<16xi32>, vector<16xi32>], vector<16xf32>,
      tpu.vector_store_idx %arg13[%add3A_1332, %add3A_1301], %gather3A_1336 : memref<32x512xf32, #tpu.memory_space<vmem>>[vector<16xi32>, vector<16xi32>], vector<16xf32>,
      %add3A_1337 = arith.constant 16 : i32
      %add3A_1338 = vector.broadcast %add3A_1337 : i32 to vector<16xi32>
      %add3A_1339 = arith.addi %add3A_1338, %iota3A : vector<16xi32>
      %add3A_1340 = arith.constant 32 : i32
      %add3A_1341 = vector.broadcast %add3A_1340 : i32 to vector<16xi32>
      %add3A_1342 = arith.addi %add3A_1341, %add3A_1339 : vector<16xi32>
      %gather3A_1343 = tpu.vector_load_idx %arg11[%add3A_1342, %add3A_1329] : memref<256x128xf32, #tpu.memory_space<vmem>>[vector<16xi32>, vector<16xi32>], vector<16xf32>,
      tpu.vector_store_idx %arg13[%add3A_1339, %add3A_1301], %gather3A_1343 : memref<32x512xf32, #tpu.memory_space<vmem>>[vector<16xi32>, vector<16xi32>], vector<16xf32>,
      %add3A_1344 = arith.constant 2 : i32
      %add3A_1345 = arith.addi %add3A_1245, %add3A_1344 : i32
      %mul3A_1346 = arith.constant 0 : i32
      %mul3A_1347 = vector.broadcast %mul3A_1346 : i32 to vector<16xi32>
      %mul3A_1348 = arith.muli %mul3A_1347, %iota3A : vector<16xi32>
      %add3A_1349 = vector.broadcast %add3A_1345 : i32 to vector<16xi32>
      %add3A_1350 = arith.addi %add3A_1349, %mul3A_1348 : vector<16xi32>
      %and3A_1351 = arith.constant 127 : i32
      %and3A_1352 = arith.andi %squeeze3A_60, %and3A_1351 : i32
      %mul3A_1353 = arith.constant 0 : i32
      %mul3A_1354 = vector.broadcast %mul3A_1353 : i32 to vector<16xi32>
      %mul3A_1355 = arith.muli %mul3A_1354, %iota3A : vector<16xi32>
      %add3A_1356 = vector.broadcast %and3A_1352 : i32 to vector<16xi32>
      %add3A_1357 = arith.addi %add3A_1356, %mul3A_1355 : vector<16xi32>
      %add3A_1358 = arith.constant 0 : i32
      %add3A_1359 = vector.broadcast %add3A_1358 : i32 to vector<16xi32>
      %add3A_1360 = arith.addi %add3A_1359, %iota3A : vector<16xi32>
      %add3A_1361 = arith.constant 64 : i32
      %add3A_1362 = vector.broadcast %add3A_1361 : i32 to vector<16xi32>
      %add3A_1363 = arith.addi %add3A_1362, %add3A_1360 : vector<16xi32>
      %gather3A_1364 = tpu.vector_load_idx %arg10[%add3A_1363, %add3A_1357] : memref<256x128xf32, #tpu.memory_space<vmem>>[vector<16xi32>, vector<16xi32>], vector<16xf32>,
      tpu.vector_store_idx %arg12[%add3A_1360, %add3A_1350], %gather3A_1364 : memref<32x512xf32, #tpu.memory_space<vmem>>[vector<16xi32>, vector<16xi32>], vector<16xf32>,
      %add3A_1365 = arith.constant 16 : i32
      %add3A_1366 = vector.broadcast %add3A_1365 : i32 to vector<16xi32>
      %add3A_1367 = arith.addi %add3A_1366, %iota3A : vector<16xi32>
      %add3A_1368 = arith.constant 64 : i32
      %add3A_1369 = vector.broadcast %add3A_1368 : i32 to vector<16xi32>
      %add3A_1370 = arith.addi %add3A_1369, %add3A_1367 : vector<16xi32>
      %gather3A_1371 = tpu.vector_load_idx %arg10[%add3A_1370, %add3A_1357] : memref<256x128xf32, #tpu.memory_space<vmem>>[vector<16xi32>, vector<16xi32>], vector<16xf32>,
      tpu.vector_store_idx %arg12[%add3A_1367, %add3A_1350], %gather3A_1371 : memref<32x512xf32, #tpu.memory_space<vmem>>[vector<16xi32>, vector<16xi32>], vector<16xf32>,
      %and3A_1372 = arith.constant 127 : i32
      %and3A_1373 = arith.andi %squeeze3A_62, %and3A_1372 : i32
      %mul3A_1374 = arith.constant 0 : i32
      %mul3A_1375 = vector.broadcast %mul3A_1374 : i32 to vector<16xi32>
      %mul3A_1376 = arith.muli %mul3A_1375, %iota3A : vector<16xi32>
      %add3A_1377 = vector.broadcast %and3A_1373 : i32 to vector<16xi32>
      %add3A_1378 = arith.addi %add3A_1377, %mul3A_1376 : vector<16xi32>
      %add3A_1379 = arith.constant 0 : i32
      %add3A_1380 = vector.broadcast %add3A_1379 : i32 to vector<16xi32>
      %add3A_1381 = arith.addi %add3A_1380, %iota3A : vector<16xi32>
      %add3A_1382 = arith.constant 64 : i32
      %add3A_1383 = vector.broadcast %add3A_1382 : i32 to vector<16xi32>
      %add3A_1384 = arith.addi %add3A_1383, %add3A_1381 : vector<16xi32>
      %gather3A_1385 = tpu.vector_load_idx %arg11[%add3A_1384, %add3A_1378] : memref<256x128xf32, #tpu.memory_space<vmem>>[vector<16xi32>, vector<16xi32>], vector<16xf32>,
      tpu.vector_store_idx %arg13[%add3A_1381, %add3A_1350], %gather3A_1385 : memref<32x512xf32, #tpu.memory_space<vmem>>[vector<16xi32>, vector<16xi32>], vector<16xf32>,
      %add3A_1386 = arith.constant 16 : i32
      %add3A_1387 = vector.broadcast %add3A_1386 : i32 to vector<16xi32>
      %add3A_1388 = arith.addi %add3A_1387, %iota3A : vector<16xi32>
      %add3A_1389 = arith.constant 64 : i32
      %add3A_1390 = vector.broadcast %add3A_1389 : i32 to vector<16xi32>
      %add3A_1391 = arith.addi %add3A_1390, %add3A_1388 : vector<16xi32>
      %gather3A_1392 = tpu.vector_load_idx %arg11[%add3A_1391, %add3A_1378] : memref<256x128xf32, #tpu.memory_space<vmem>>[vector<16xi32>, vector<16xi32>], vector<16xf32>,
      tpu.vector_store_idx %arg13[%add3A_1388, %add3A_1350], %gather3A_1392 : memref<32x512xf32, #tpu.memory_space<vmem>>[vector<16xi32>, vector<16xi32>], vector<16xf32>,
      %add3A_1393 = arith.constant 3 : i32
      %add3A_1394 = arith.addi %add3A_1245, %add3A_1393 : i32
      %mul3A_1395 = arith.constant 0 : i32
      %mul3A_1396 = vector.broadcast %mul3A_1395 : i32 to vector<16xi32>
      %mul3A_1397 = arith.muli %mul3A_1396, %iota3A : vector<16xi32>
      %add3A_1398 = vector.broadcast %add3A_1394 : i32 to vector<16xi32>
      %add3A_1399 = arith.addi %add3A_1398, %mul3A_1397 : vector<16xi32>
      %and3A_1400 = arith.constant 127 : i32
      %and3A_1401 = arith.andi %squeeze3A_64, %and3A_1400 : i32
      %mul3A_1402 = arith.constant 0 : i32
      %mul3A_1403 = vector.broadcast %mul3A_1402 : i32 to vector<16xi32>
      %mul3A_1404 = arith.muli %mul3A_1403, %iota3A : vector<16xi32>
      %add3A_1405 = vector.broadcast %and3A_1401 : i32 to vector<16xi32>
      %add3A_1406 = arith.addi %add3A_1405, %mul3A_1404 : vector<16xi32>
      %add3A_1407 = arith.constant 0 : i32
      %add3A_1408 = vector.broadcast %add3A_1407 : i32 to vector<16xi32>
      %add3A_1409 = arith.addi %add3A_1408, %iota3A : vector<16xi32>
      %add3A_1410 = arith.constant 96 : i32
      %add3A_1411 = vector.broadcast %add3A_1410 : i32 to vector<16xi32>
      %add3A_1412 = arith.addi %add3A_1411, %add3A_1409 : vector<16xi32>
      %gather3A_1413 = tpu.vector_load_idx %arg10[%add3A_1412, %add3A_1406] : memref<256x128xf32, #tpu.memory_space<vmem>>[vector<16xi32>, vector<16xi32>], vector<16xf32>,
      tpu.vector_store_idx %arg12[%add3A_1409, %add3A_1399], %gather3A_1413 : memref<32x512xf32, #tpu.memory_space<vmem>>[vector<16xi32>, vector<16xi32>], vector<16xf32>,
      %add3A_1414 = arith.constant 16 : i32
      %add3A_1415 = vector.broadcast %add3A_1414 : i32 to vector<16xi32>
      %add3A_1416 = arith.addi %add3A_1415, %iota3A : vector<16xi32>
      %add3A_1417 = arith.constant 96 : i32
      %add3A_1418 = vector.broadcast %add3A_1417 : i32 to vector<16xi32>
      %add3A_1419 = arith.addi %add3A_1418, %add3A_1416 : vector<16xi32>
      %gather3A_1420 = tpu.vector_load_idx %arg10[%add3A_1419, %add3A_1406] : memref<256x128xf32, #tpu.memory_space<vmem>>[vector<16xi32>, vector<16xi32>], vector<16xf32>,
      tpu.vector_store_idx %arg12[%add3A_1416, %add3A_1399], %gather3A_1420 : memref<32x512xf32, #tpu.memory_space<vmem>>[vector<16xi32>, vector<16xi32>], vector<16xf32>,
      %and3A_1421 = arith.constant 127 : i32
      %and3A_1422 = arith.andi %squeeze3A_66, %and3A_1421 : i32
      %mul3A_1423 = arith.constant 0 : i32
      %mul3A_1424 = vector.broadcast %mul3A_1423 : i32 to vector<16xi32>
      %mul3A_1425 = arith.muli %mul3A_1424, %iota3A : vector<16xi32>
      %add3A_1426 = vector.broadcast %and3A_1422 : i32 to vector<16xi32>
      %add3A_1427 = arith.addi %add3A_1426, %mul3A_1425 : vector<16xi32>
      %add3A_1428 = arith.constant 0 : i32
      %add3A_1429 = vector.broadcast %add3A_1428 : i32 to vector<16xi32>
      %add3A_1430 = arith.addi %add3A_1429, %iota3A : vector<16xi32>
      %add3A_1431 = arith.constant 96 : i32
      %add3A_1432 = vector.broadcast %add3A_1431 : i32 to vector<16xi32>
      %add3A_1433 = arith.addi %add3A_1432, %add3A_1430 : vector<16xi32>
      %gather3A_1434 = tpu.vector_load_idx %arg11[%add3A_1433, %add3A_1427] : memref<256x128xf32, #tpu.memory_space<vmem>>[vector<16xi32>, vector<16xi32>], vector<16xf32>,
      tpu.vector_store_idx %arg13[%add3A_1430, %add3A_1399], %gather3A_1434 : memref<32x512xf32, #tpu.memory_space<vmem>>[vector<16xi32>, vector<16xi32>], vector<16xf32>,
      %add3A_1435 = arith.constant 16 : i32
      %add3A_1436 = vector.broadcast %add3A_1435 : i32 to vector<16xi32>
      %add3A_1437 = arith.addi %add3A_1436, %iota3A : vector<16xi32>
      %add3A_1438 = arith.constant 96 : i32
      %add3A_1439 = vector.broadcast %add3A_1438 : i32 to vector<16xi32>
      %add3A_1440 = arith.addi %add3A_1439, %add3A_1437 : vector<16xi32>
      %gather3A_1441 = tpu.vector_load_idx %arg11[%add3A_1440, %add3A_1427] : memref<256x128xf32, #tpu.memory_space<vmem>>[vector<16xi32>, vector<16xi32>], vector<16xf32>,
      tpu.vector_store_idx %arg13[%add3A_1437, %add3A_1399], %gather3A_1441 : memref<32x512xf32, #tpu.memory_space<vmem>>[vector<16xi32>, vector<16xi32>], vector<16xf32>,
      %dma_wait3A_1442 = arith.constant 0 : i32
      %dma_wait3A_1443 = arith.constant 0 : i32
      %dma_wait3A_1444 = tpu.memref_slice %arg10[%dma_wait3A_1442, %dma_wait3A_1443] : memref<256x128xf32, #tpu.memory_space<vmem>> -> memref<32x128xf32, #tpu.memory_space<vmem>>
      %dma_wait3A_1445 = arith.constant 0 : i32
      %dma_wait3A_1446 = arith.constant 0 : i32
      %dma_wait3A_1447 = tpu.memref_slice %arg2[%dma_wait3A_1445, %dma_wait3A_1446] : memref<32x1000000xf32, #tpu.memory_space<hbm>> -> memref<32x128xf32, #tpu.memory_space<hbm>>
      %dma_wait3A_1448 = arith.constant 0 : i32
      %dma_wait3A_1449 = arith.constant 0 : i32
      %dma_wait3A_1450 = tpu.memref_slice %arg10[%dma_wait3A_1448, %dma_wait3A_1449] : memref<256x128xf32, #tpu.memory_space<vmem>> -> memref<32x128xf32, #tpu.memory_space<vmem>>
      %dma_wait3A_1451 = arith.constant 0 : i32
      %dma_wait3A_1452 = arith.constant 0 : i32
      %dma_wait3A_1453 = tpu.memref_slice %arg2[%dma_wait3A_1451, %dma_wait3A_1452] : memref<32x1000000xf32, #tpu.memory_space<hbm>> -> memref<32x128xf32, #tpu.memory_space<hbm>>
      tpu.wait_dma2 semaphore(%arg16 : memref<!tpu.dma_semaphore, #tpu.memory_space<semaphore_mem>>) src(%dma_wait3A_1453 : memref<32x128xf32, #tpu.memory_space<hbm>>) dst(%dma_wait3A_1450 : memref<32x128xf32, #tpu.memory_space<vmem>>)
      %dma_wait3A_1454 = arith.constant 0 : i32
      %dma_wait3A_1455 = arith.constant 0 : i32
      %dma_wait3A_1456 = tpu.memref_slice %arg10[%dma_wait3A_1454, %dma_wait3A_1455] : memref<256x128xf32, #tpu.memory_space<vmem>> -> memref<32x128xf32, #tpu.memory_space<vmem>>
      %dma_wait3A_1457 = arith.constant 0 : i32
      %dma_wait3A_1458 = arith.constant 0 : i32
      %dma_wait3A_1459 = tpu.memref_slice %arg2[%dma_wait3A_1457, %dma_wait3A_1458] : memref<32x1000000xf32, #tpu.memory_space<hbm>> -> memref<32x128xf32, #tpu.memory_space<hbm>>
      %dma_wait3A_1460 = arith.constant 0 : i32
      %dma_wait3A_1461 = arith.constant 0 : i32
      %dma_wait3A_1462 = tpu.memref_slice %arg10[%dma_wait3A_1460, %dma_wait3A_1461] : memref<256x128xf32, #tpu.memory_space<vmem>> -> memref<32x128xf32, #tpu.memory_space<vmem>>
      %dma_wait3A_1463 = arith.constant 0 : i32
      %dma_wait3A_1464 = arith.constant 0 : i32
      %dma_wait3A_1465 = tpu.memref_slice %arg2[%dma_wait3A_1463, %dma_wait3A_1464] : memref<32x1000000xf32, #tpu.memory_space<hbm>> -> memref<32x128xf32, #tpu.memory_space<hbm>>
      tpu.wait_dma2 semaphore(%arg16 : memref<!tpu.dma_semaphore, #tpu.memory_space<semaphore_mem>>) src(%dma_wait3A_1465 : memref<32x128xf32, #tpu.memory_space<hbm>>) dst(%dma_wait3A_1462 : memref<32x128xf32, #tpu.memory_space<vmem>>)
      %dma_wait3A_1466 = arith.constant 0 : i32
      %dma_wait3A_1467 = arith.constant 0 : i32
      %dma_wait3A_1468 = tpu.memref_slice %arg10[%dma_wait3A_1466, %dma_wait3A_1467] : memref<256x128xf32, #tpu.memory_space<vmem>> -> memref<32x128xf32, #tpu.memory_space<vmem>>
      %dma_wait3A_1469 = arith.constant 0 : i32
      %dma_wait3A_1470 = arith.constant 0 : i32
      %dma_wait3A_1471 = tpu.memref_slice %arg2[%dma_wait3A_1469, %dma_wait3A_1470] : memref<32x1000000xf32, #tpu.memory_space<hbm>> -> memref<32x128xf32, #tpu.memory_space<hbm>>
      %dma_wait3A_1472 = arith.constant 0 : i32
      %dma_wait3A_1473 = arith.constant 0 : i32
      %dma_wait3A_1474 = tpu.memref_slice %arg10[%dma_wait3A_1472, %dma_wait3A_1473] : memref<256x128xf32, #tpu.memory_space<vmem>> -> memref<32x128xf32, #tpu.memory_space<vmem>>
      %dma_wait3A_1475 = arith.constant 0 : i32
      %dma_wait3A_1476 = arith.constant 0 : i32
      %dma_wait3A_1477 = tpu.memref_slice %arg2[%dma_wait3A_1475, %dma_wait3A_1476] : memref<32x1000000xf32, #tpu.memory_space<hbm>> -> memref<32x128xf32, #tpu.memory_space<hbm>>
      tpu.wait_dma2 semaphore(%arg16 : memref<!tpu.dma_semaphore, #tpu.memory_space<semaphore_mem>>) src(%dma_wait3A_1477 : memref<32x128xf32, #tpu.memory_space<hbm>>) dst(%dma_wait3A_1474 : memref<32x128xf32, #tpu.memory_space<vmem>>)
      %dma_wait3A_1478 = arith.constant 0 : i32
      %dma_wait3A_1479 = arith.constant 0 : i32
      %dma_wait3A_1480 = tpu.memref_slice %arg10[%dma_wait3A_1478, %dma_wait3A_1479] : memref<256x128xf32, #tpu.memory_space<vmem>> -> memref<32x128xf32, #tpu.memory_space<vmem>>
      %dma_wait3A_1481 = arith.constant 0 : i32
      %dma_wait3A_1482 = arith.constant 0 : i32
      %dma_wait3A_1483 = tpu.memref_slice %arg2[%dma_wait3A_1481, %dma_wait3A_1482] : memref<32x1000000xf32, #tpu.memory_space<hbm>> -> memref<32x128xf32, #tpu.memory_space<hbm>>
      %dma_wait3A_1484 = arith.constant 0 : i32
      %dma_wait3A_1485 = arith.constant 0 : i32
      %dma_wait3A_1486 = tpu.memref_slice %arg10[%dma_wait3A_1484, %dma_wait3A_1485] : memref<256x128xf32, #tpu.memory_space<vmem>> -> memref<32x128xf32, #tpu.memory_space<vmem>>
      %dma_wait3A_1487 = arith.constant 0 : i32
      %dma_wait3A_1488 = arith.constant 0 : i32
      %dma_wait3A_1489 = tpu.memref_slice %arg2[%dma_wait3A_1487, %dma_wait3A_1488] : memref<32x1000000xf32, #tpu.memory_space<hbm>> -> memref<32x128xf32, #tpu.memory_space<hbm>>
      tpu.wait_dma2 semaphore(%arg16 : memref<!tpu.dma_semaphore, #tpu.memory_space<semaphore_mem>>) src(%dma_wait3A_1489 : memref<32x128xf32, #tpu.memory_space<hbm>>) dst(%dma_wait3A_1486 : memref<32x128xf32, #tpu.memory_space<vmem>>)
      %dma_wait3A_1490 = arith.constant 0 : i32
      %dma_wait3A_1491 = arith.constant 0 : i32
      %dma_wait3A_1492 = tpu.memref_slice %arg10[%dma_wait3A_1490, %dma_wait3A_1491] : memref<256x128xf32, #tpu.memory_space<vmem>> -> memref<32x128xf32, #tpu.memory_space<vmem>>
      %dma_wait3A_1493 = arith.constant 0 : i32
      %dma_wait3A_1494 = arith.constant 0 : i32
      %dma_wait3A_1495 = tpu.memref_slice %arg2[%dma_wait3A_1493, %dma_wait3A_1494] : memref<32x1000000xf32, #tpu.memory_space<hbm>> -> memref<32x128xf32, #tpu.memory_space<hbm>>
      %dma_wait3A_1496 = arith.constant 0 : i32
      %dma_wait3A_1497 = arith.constant 0 : i32
      %dma_wait3A_1498 = tpu.memref_slice %arg10[%dma_wait3A_1496, %dma_wait3A_1497] : memref<256x128xf32, #tpu.memory_space<vmem>> -> memref<32x128xf32, #tpu.memory_space<vmem>>
      %dma_wait3A_1499 = arith.constant 0 : i32
      %dma_wait3A_1500 = arith.constant 0 : i32
      %dma_wait3A_1501 = tpu.memref_slice %arg2[%dma_wait3A_1499, %dma_wait3A_1500] : memref<32x1000000xf32, #tpu.memory_space<hbm>> -> memref<32x128xf32, #tpu.memory_space<hbm>>
      tpu.wait_dma2 semaphore(%arg16 : memref<!tpu.dma_semaphore, #tpu.memory_space<semaphore_mem>>) src(%dma_wait3A_1501 : memref<32x128xf32, #tpu.memory_space<hbm>>) dst(%dma_wait3A_1498 : memref<32x128xf32, #tpu.memory_space<vmem>>)
      %dma_wait3A_1502 = arith.constant 0 : i32
      %dma_wait3A_1503 = arith.constant 0 : i32
      %dma_wait3A_1504 = tpu.memref_slice %arg10[%dma_wait3A_1502, %dma_wait3A_1503] : memref<256x128xf32, #tpu.memory_space<vmem>> -> memref<32x128xf32, #tpu.memory_space<vmem>>
      %dma_wait3A_1505 = arith.constant 0 : i32
      %dma_wait3A_1506 = arith.constant 0 : i32
      %dma_wait3A_1507 = tpu.memref_slice %arg2[%dma_wait3A_1505, %dma_wait3A_1506] : memref<32x1000000xf32, #tpu.memory_space<hbm>> -> memref<32x128xf32, #tpu.memory_space<hbm>>
      %dma_wait3A_1508 = arith.constant 0 : i32
      %dma_wait3A_1509 = arith.constant 0 : i32
      %dma_wait3A_1510 = tpu.memref_slice %arg10[%dma_wait3A_1508, %dma_wait3A_1509] : memref<256x128xf32, #tpu.memory_space<vmem>> -> memref<32x128xf32, #tpu.memory_space<vmem>>
      %dma_wait3A_1511 = arith.constant 0 : i32
      %dma_wait3A_1512 = arith.constant 0 : i32
      %dma_wait3A_1513 = tpu.memref_slice %arg2[%dma_wait3A_1511, %dma_wait3A_1512] : memref<32x1000000xf32, #tpu.memory_space<hbm>> -> memref<32x128xf32, #tpu.memory_space<hbm>>
      tpu.wait_dma2 semaphore(%arg16 : memref<!tpu.dma_semaphore, #tpu.memory_space<semaphore_mem>>) src(%dma_wait3A_1513 : memref<32x128xf32, #tpu.memory_space<hbm>>) dst(%dma_wait3A_1510 : memref<32x128xf32, #tpu.memory_space<vmem>>)
      %dma_wait3A_1514 = arith.constant 0 : i32
      %dma_wait3A_1515 = arith.constant 0 : i32
      %dma_wait3A_1516 = tpu.memref_slice %arg10[%dma_wait3A_1514, %dma_wait3A_1515] : memref<256x128xf32, #tpu.memory_space<vmem>> -> memref<32x128xf32, #tpu.memory_space<vmem>>
      %dma_wait3A_1517 = arith.constant 0 : i32
      %dma_wait3A_1518 = arith.constant 0 : i32
      %dma_wait3A_1519 = tpu.memref_slice %arg2[%dma_wait3A_1517, %dma_wait3A_1518] : memref<32x1000000xf32, #tpu.memory_space<hbm>> -> memref<32x128xf32, #tpu.memory_space<hbm>>
      %dma_wait3A_1520 = arith.constant 0 : i32
      %dma_wait3A_1521 = arith.constant 0 : i32
      %dma_wait3A_1522 = tpu.memref_slice %arg10[%dma_wait3A_1520, %dma_wait3A_1521] : memref<256x128xf32, #tpu.memory_space<vmem>> -> memref<32x128xf32, #tpu.memory_space<vmem>>
      %dma_wait3A_1523 = arith.constant 0 : i32
      %dma_wait3A_1524 = arith.constant 0 : i32
      %dma_wait3A_1525 = tpu.memref_slice %arg2[%dma_wait3A_1523, %dma_wait3A_1524] : memref<32x1000000xf32, #tpu.memory_space<hbm>> -> memref<32x128xf32, #tpu.memory_space<hbm>>
      tpu.wait_dma2 semaphore(%arg16 : memref<!tpu.dma_semaphore, #tpu.memory_space<semaphore_mem>>) src(%dma_wait3A_1525 : memref<32x128xf32, #tpu.memory_space<hbm>>) dst(%dma_wait3A_1522 : memref<32x128xf32, #tpu.memory_space<vmem>>)
      %dma_wait3A_1526 = arith.constant 0 : i32
      %dma_wait3A_1527 = arith.constant 0 : i32
      %dma_wait3A_1528 = tpu.memref_slice %arg10[%dma_wait3A_1526, %dma_wait3A_1527] : memref<256x128xf32, #tpu.memory_space<vmem>> -> memref<32x128xf32, #tpu.memory_space<vmem>>
      %dma_wait3A_1529 = arith.constant 0 : i32
      %dma_wait3A_1530 = arith.constant 0 : i32
      %dma_wait3A_1531 = tpu.memref_slice %arg2[%dma_wait3A_1529, %dma_wait3A_1530] : memref<32x1000000xf32, #tpu.memory_space<hbm>> -> memref<32x128xf32, #tpu.memory_space<hbm>>
      %dma_wait3A_1532 = arith.constant 0 : i32
      %dma_wait3A_1533 = arith.constant 0 : i32
      %dma_wait3A_1534 = tpu.memref_slice %arg10[%dma_wait3A_1532, %dma_wait3A_1533] : memref<256x128xf32, #tpu.memory_space<vmem>> -> memref<32x128xf32, #tpu.memory_space<vmem>>
      %dma_wait3A_1535 = arith.constant 0 : i32
      %dma_wait3A_1536 = arith.constant 0 : i32
      %dma_wait3A_1537 = tpu.memref_slice %arg2[%dma_wait3A_1535, %dma_wait3A_1536] : memref<32x1000000xf32, #tpu.memory_space<hbm>> -> memref<32x128xf32, #tpu.memory_space<hbm>>
      tpu.wait_dma2 semaphore(%arg16 : memref<!tpu.dma_semaphore, #tpu.memory_space<semaphore_mem>>) src(%dma_wait3A_1537 : memref<32x128xf32, #tpu.memory_space<hbm>>) dst(%dma_wait3A_1534 : memref<32x128xf32, #tpu.memory_space<vmem>>)
      %add3A_1538 = arith.constant 12 : i32
      %add3A_1539 = arith.addi %mul3A_84, %add3A_1538 : i32
      %add3A_1540 = arith.constant 0 : i32
      %add3A_1541 = arith.addi %add3A_1539, %add3A_1540 : i32
      %mul3A_1542 = arith.constant 0 : i32
      %mul3A_1543 = vector.broadcast %mul3A_1542 : i32 to vector<16xi32>
      %mul3A_1544 = arith.muli %mul3A_1543, %iota3A : vector<16xi32>
      %add3A_1545 = vector.broadcast %add3A_1541 : i32 to vector<16xi32>
      %add3A_1546 = arith.addi %add3A_1545, %mul3A_1544 : vector<16xi32>
      %and3A_1547 = arith.constant 127 : i32
      %and3A_1548 = arith.andi %squeeze3A_68, %and3A_1547 : i32
      %mul3A_1549 = arith.constant 0 : i32
      %mul3A_1550 = vector.broadcast %mul3A_1549 : i32 to vector<16xi32>
      %mul3A_1551 = arith.muli %mul3A_1550, %iota3A : vector<16xi32>
      %add3A_1552 = vector.broadcast %and3A_1548 : i32 to vector<16xi32>
      %add3A_1553 = arith.addi %add3A_1552, %mul3A_1551 : vector<16xi32>
      %add3A_1554 = arith.constant 0 : i32
      %add3A_1555 = vector.broadcast %add3A_1554 : i32 to vector<16xi32>
      %add3A_1556 = arith.addi %add3A_1555, %iota3A : vector<16xi32>
      %add3A_1557 = arith.constant 128 : i32
      %add3A_1558 = vector.broadcast %add3A_1557 : i32 to vector<16xi32>
      %add3A_1559 = arith.addi %add3A_1558, %add3A_1556 : vector<16xi32>
      %gather3A_1560 = tpu.vector_load_idx %arg10[%add3A_1559, %add3A_1553] : memref<256x128xf32, #tpu.memory_space<vmem>>[vector<16xi32>, vector<16xi32>], vector<16xf32>,
      tpu.vector_store_idx %arg12[%add3A_1556, %add3A_1546], %gather3A_1560 : memref<32x512xf32, #tpu.memory_space<vmem>>[vector<16xi32>, vector<16xi32>], vector<16xf32>,
      %add3A_1561 = arith.constant 16 : i32
      %add3A_1562 = vector.broadcast %add3A_1561 : i32 to vector<16xi32>
      %add3A_1563 = arith.addi %add3A_1562, %iota3A : vector<16xi32>
      %add3A_1564 = arith.constant 128 : i32
      %add3A_1565 = vector.broadcast %add3A_1564 : i32 to vector<16xi32>
      %add3A_1566 = arith.addi %add3A_1565, %add3A_1563 : vector<16xi32>
      %gather3A_1567 = tpu.vector_load_idx %arg10[%add3A_1566, %add3A_1553] : memref<256x128xf32, #tpu.memory_space<vmem>>[vector<16xi32>, vector<16xi32>], vector<16xf32>,
      tpu.vector_store_idx %arg12[%add3A_1563, %add3A_1546], %gather3A_1567 : memref<32x512xf32, #tpu.memory_space<vmem>>[vector<16xi32>, vector<16xi32>], vector<16xf32>,
      %and3A_1568 = arith.constant 127 : i32
      %and3A_1569 = arith.andi %squeeze3A_70, %and3A_1568 : i32
      %mul3A_1570 = arith.constant 0 : i32
      %mul3A_1571 = vector.broadcast %mul3A_1570 : i32 to vector<16xi32>
      %mul3A_1572 = arith.muli %mul3A_1571, %iota3A : vector<16xi32>
      %add3A_1573 = vector.broadcast %and3A_1569 : i32 to vector<16xi32>
      %add3A_1574 = arith.addi %add3A_1573, %mul3A_1572 : vector<16xi32>
      %add3A_1575 = arith.constant 0 : i32
      %add3A_1576 = vector.broadcast %add3A_1575 : i32 to vector<16xi32>
      %add3A_1577 = arith.addi %add3A_1576, %iota3A : vector<16xi32>
      %add3A_1578 = arith.constant 128 : i32
      %add3A_1579 = vector.broadcast %add3A_1578 : i32 to vector<16xi32>
      %add3A_1580 = arith.addi %add3A_1579, %add3A_1577 : vector<16xi32>
      %gather3A_1581 = tpu.vector_load_idx %arg11[%add3A_1580, %add3A_1574] : memref<256x128xf32, #tpu.memory_space<vmem>>[vector<16xi32>, vector<16xi32>], vector<16xf32>,
      tpu.vector_store_idx %arg13[%add3A_1577, %add3A_1546], %gather3A_1581 : memref<32x512xf32, #tpu.memory_space<vmem>>[vector<16xi32>, vector<16xi32>], vector<16xf32>,
      %add3A_1582 = arith.constant 16 : i32
      %add3A_1583 = vector.broadcast %add3A_1582 : i32 to vector<16xi32>
      %add3A_1584 = arith.addi %add3A_1583, %iota3A : vector<16xi32>
      %add3A_1585 = arith.constant 128 : i32
      %add3A_1586 = vector.broadcast %add3A_1585 : i32 to vector<16xi32>
      %add3A_1587 = arith.addi %add3A_1586, %add3A_1584 : vector<16xi32>
      %gather3A_1588 = tpu.vector_load_idx %arg11[%add3A_1587, %add3A_1574] : memref<256x128xf32, #tpu.memory_space<vmem>>[vector<16xi32>, vector<16xi32>], vector<16xf32>,
      tpu.vector_store_idx %arg13[%add3A_1584, %add3A_1546], %gather3A_1588 : memref<32x512xf32, #tpu.memory_space<vmem>>[vector<16xi32>, vector<16xi32>], vector<16xf32>,
      %add3A_1589 = arith.constant 1 : i32
      %add3A_1590 = arith.addi %add3A_1539, %add3A_1589 : i32
      %mul3A_1591 = arith.constant 0 : i32
      %mul3A_1592 = vector.broadcast %mul3A_1591 : i32 to vector<16xi32>
      %mul3A_1593 = arith.muli %mul3A_1592, %iota3A : vector<16xi32>
      %add3A_1594 = vector.broadcast %add3A_1590 : i32 to vector<16xi32>
      %add3A_1595 = arith.addi %add3A_1594, %mul3A_1593 : vector<16xi32>
      %and3A_1596 = arith.constant 127 : i32
      %and3A_1597 = arith.andi %squeeze3A_72, %and3A_1596 : i32
      %mul3A_1598 = arith.constant 0 : i32
      %mul3A_1599 = vector.broadcast %mul3A_1598 : i32 to vector<16xi32>
      %mul3A_1600 = arith.muli %mul3A_1599, %iota3A : vector<16xi32>
      %add3A_1601 = vector.broadcast %and3A_1597 : i32 to vector<16xi32>
      %add3A_1602 = arith.addi %add3A_1601, %mul3A_1600 : vector<16xi32>
      %add3A_1603 = arith.constant 0 : i32
      %add3A_1604 = vector.broadcast %add3A_1603 : i32 to vector<16xi32>
      %add3A_1605 = arith.addi %add3A_1604, %iota3A : vector<16xi32>
      %add3A_1606 = arith.constant 160 : i32
      %add3A_1607 = vector.broadcast %add3A_1606 : i32 to vector<16xi32>
      %add3A_1608 = arith.addi %add3A_1607, %add3A_1605 : vector<16xi32>
      %gather3A_1609 = tpu.vector_load_idx %arg10[%add3A_1608, %add3A_1602] : memref<256x128xf32, #tpu.memory_space<vmem>>[vector<16xi32>, vector<16xi32>], vector<16xf32>,
      tpu.vector_store_idx %arg12[%add3A_1605, %add3A_1595], %gather3A_1609 : memref<32x512xf32, #tpu.memory_space<vmem>>[vector<16xi32>, vector<16xi32>], vector<16xf32>,
      %add3A_1610 = arith.constant 16 : i32
      %add3A_1611 = vector.broadcast %add3A_1610 : i32 to vector<16xi32>
      %add3A_1612 = arith.addi %add3A_1611, %iota3A : vector<16xi32>
      %add3A_1613 = arith.constant 160 : i32
      %add3A_1614 = vector.broadcast %add3A_1613 : i32 to vector<16xi32>
      %add3A_1615 = arith.addi %add3A_1614, %add3A_1612 : vector<16xi32>
      %gather3A_1616 = tpu.vector_load_idx %arg10[%add3A_1615, %add3A_1602] : memref<256x128xf32, #tpu.memory_space<vmem>>[vector<16xi32>, vector<16xi32>], vector<16xf32>,
      tpu.vector_store_idx %arg12[%add3A_1612, %add3A_1595], %gather3A_1616 : memref<32x512xf32, #tpu.memory_space<vmem>>[vector<16xi32>, vector<16xi32>], vector<16xf32>,
      %and3A_1617 = arith.constant 127 : i32
      %and3A_1618 = arith.andi %squeeze3A_74, %and3A_1617 : i32
      %mul3A_1619 = arith.constant 0 : i32
      %mul3A_1620 = vector.broadcast %mul3A_1619 : i32 to vector<16xi32>
      %mul3A_1621 = arith.muli %mul3A_1620, %iota3A : vector<16xi32>
      %add3A_1622 = vector.broadcast %and3A_1618 : i32 to vector<16xi32>
      %add3A_1623 = arith.addi %add3A_1622, %mul3A_1621 : vector<16xi32>
      %add3A_1624 = arith.constant 0 : i32
      %add3A_1625 = vector.broadcast %add3A_1624 : i32 to vector<16xi32>
      %add3A_1626 = arith.addi %add3A_1625, %iota3A : vector<16xi32>
      %add3A_1627 = arith.constant 160 : i32
      %add3A_1628 = vector.broadcast %add3A_1627 : i32 to vector<16xi32>
      %add3A_1629 = arith.addi %add3A_1628, %add3A_1626 : vector<16xi32>
      %gather3A_1630 = tpu.vector_load_idx %arg11[%add3A_1629, %add3A_1623] : memref<256x128xf32, #tpu.memory_space<vmem>>[vector<16xi32>, vector<16xi32>], vector<16xf32>,
      tpu.vector_store_idx %arg13[%add3A_1626, %add3A_1595], %gather3A_1630 : memref<32x512xf32, #tpu.memory_space<vmem>>[vector<16xi32>, vector<16xi32>], vector<16xf32>,
      %add3A_1631 = arith.constant 16 : i32
      %add3A_1632 = vector.broadcast %add3A_1631 : i32 to vector<16xi32>
      %add3A_1633 = arith.addi %add3A_1632, %iota3A : vector<16xi32>
      %add3A_1634 = arith.constant 160 : i32
      %add3A_1635 = vector.broadcast %add3A_1634 : i32 to vector<16xi32>
      %add3A_1636 = arith.addi %add3A_1635, %add3A_1633 : vector<16xi32>
      %gather3A_1637 = tpu.vector_load_idx %arg11[%add3A_1636, %add3A_1623] : memref<256x128xf32, #tpu.memory_space<vmem>>[vector<16xi32>, vector<16xi32>], vector<16xf32>,
      tpu.vector_store_idx %arg13[%add3A_1633, %add3A_1595], %gather3A_1637 : memref<32x512xf32, #tpu.memory_space<vmem>>[vector<16xi32>, vector<16xi32>], vector<16xf32>,
      %add3A_1638 = arith.constant 2 : i32
      %add3A_1639 = arith.addi %add3A_1539, %add3A_1638 : i32
      %mul3A_1640 = arith.constant 0 : i32
      %mul3A_1641 = vector.broadcast %mul3A_1640 : i32 to vector<16xi32>
      %mul3A_1642 = arith.muli %mul3A_1641, %iota3A : vector<16xi32>
      %add3A_1643 = vector.broadcast %add3A_1639 : i32 to vector<16xi32>
      %add3A_1644 = arith.addi %add3A_1643, %mul3A_1642 : vector<16xi32>
      %and3A_1645 = arith.constant 127 : i32
      %and3A_1646 = arith.andi %squeeze3A_76, %and3A_1645 : i32
      %mul3A_1647 = arith.constant 0 : i32
      %mul3A_1648 = vector.broadcast %mul3A_1647 : i32 to vector<16xi32>
      %mul3A_1649 = arith.muli %mul3A_1648, %iota3A : vector<16xi32>
      %add3A_1650 = vector.broadcast %and3A_1646 : i32 to vector<16xi32>
      %add3A_1651 = arith.addi %add3A_1650, %mul3A_1649 : vector<16xi32>
      %add3A_1652 = arith.constant 0 : i32
      %add3A_1653 = vector.broadcast %add3A_1652 : i32 to vector<16xi32>
      %add3A_1654 = arith.addi %add3A_1653, %iota3A : vector<16xi32>
      %add3A_1655 = arith.constant 192 : i32
      %add3A_1656 = vector.broadcast %add3A_1655 : i32 to vector<16xi32>
      %add3A_1657 = arith.addi %add3A_1656, %add3A_1654 : vector<16xi32>
      %gather3A_1658 = tpu.vector_load_idx %arg10[%add3A_1657, %add3A_1651] : memref<256x128xf32, #tpu.memory_space<vmem>>[vector<16xi32>, vector<16xi32>], vector<16xf32>,
      tpu.vector_store_idx %arg12[%add3A_1654, %add3A_1644], %gather3A_1658 : memref<32x512xf32, #tpu.memory_space<vmem>>[vector<16xi32>, vector<16xi32>], vector<16xf32>,
      %add3A_1659 = arith.constant 16 : i32
      %add3A_1660 = vector.broadcast %add3A_1659 : i32 to vector<16xi32>
      %add3A_1661 = arith.addi %add3A_1660, %iota3A : vector<16xi32>
      %add3A_1662 = arith.constant 192 : i32
      %add3A_1663 = vector.broadcast %add3A_1662 : i32 to vector<16xi32>
      %add3A_1664 = arith.addi %add3A_1663, %add3A_1661 : vector<16xi32>
      %gather3A_1665 = tpu.vector_load_idx %arg10[%add3A_1664, %add3A_1651] : memref<256x128xf32, #tpu.memory_space<vmem>>[vector<16xi32>, vector<16xi32>], vector<16xf32>,
      tpu.vector_store_idx %arg12[%add3A_1661, %add3A_1644], %gather3A_1665 : memref<32x512xf32, #tpu.memory_space<vmem>>[vector<16xi32>, vector<16xi32>], vector<16xf32>,
      %and3A_1666 = arith.constant 127 : i32
      %and3A_1667 = arith.andi %squeeze3A_78, %and3A_1666 : i32
      %mul3A_1668 = arith.constant 0 : i32
      %mul3A_1669 = vector.broadcast %mul3A_1668 : i32 to vector<16xi32>
      %mul3A_1670 = arith.muli %mul3A_1669, %iota3A : vector<16xi32>
      %add3A_1671 = vector.broadcast %and3A_1667 : i32 to vector<16xi32>
      %add3A_1672 = arith.addi %add3A_1671, %mul3A_1670 : vector<16xi32>
      %add3A_1673 = arith.constant 0 : i32
      %add3A_1674 = vector.broadcast %add3A_1673 : i32 to vector<16xi32>
      %add3A_1675 = arith.addi %add3A_1674, %iota3A : vector<16xi32>
      %add3A_1676 = arith.constant 192 : i32
      %add3A_1677 = vector.broadcast %add3A_1676 : i32 to vector<16xi32>
      %add3A_1678 = arith.addi %add3A_1677, %add3A_1675 : vector<16xi32>
      %gather3A_1679 = tpu.vector_load_idx %arg11[%add3A_1678, %add3A_1672] : memref<256x128xf32, #tpu.memory_space<vmem>>[vector<16xi32>, vector<16xi32>], vector<16xf32>,
      tpu.vector_store_idx %arg13[%add3A_1675, %add3A_1644], %gather3A_1679 : memref<32x512xf32, #tpu.memory_space<vmem>>[vector<16xi32>, vector<16xi32>], vector<16xf32>,
      %add3A_1680 = arith.constant 16 : i32
      %add3A_1681 = vector.broadcast %add3A_1680 : i32 to vector<16xi32>
      %add3A_1682 = arith.addi %add3A_1681, %iota3A : vector<16xi32>
      %add3A_1683 = arith.constant 192 : i32
      %add3A_1684 = vector.broadcast %add3A_1683 : i32 to vector<16xi32>
      %add3A_1685 = arith.addi %add3A_1684, %add3A_1682 : vector<16xi32>
      %gather3A_1686 = tpu.vector_load_idx %arg11[%add3A_1685, %add3A_1672] : memref<256x128xf32, #tpu.memory_space<vmem>>[vector<16xi32>, vector<16xi32>], vector<16xf32>,
      tpu.vector_store_idx %arg13[%add3A_1682, %add3A_1644], %gather3A_1686 : memref<32x512xf32, #tpu.memory_space<vmem>>[vector<16xi32>, vector<16xi32>], vector<16xf32>,
      %add3A_1687 = arith.constant 3 : i32
      %add3A_1688 = arith.addi %add3A_1539, %add3A_1687 : i32
      %mul3A_1689 = arith.constant 0 : i32
      %mul3A_1690 = vector.broadcast %mul3A_1689 : i32 to vector<16xi32>
      %mul3A_1691 = arith.muli %mul3A_1690, %iota3A : vector<16xi32>
      %add3A_1692 = vector.broadcast %add3A_1688 : i32 to vector<16xi32>
      %add3A_1693 = arith.addi %add3A_1692, %mul3A_1691 : vector<16xi32>
      %and3A_1694 = arith.constant 127 : i32
      %and3A_1695 = arith.andi %squeeze3A_80, %and3A_1694 : i32
      %mul3A_1696 = arith.constant 0 : i32
      %mul3A_1697 = vector.broadcast %mul3A_1696 : i32 to vector<16xi32>
      %mul3A_1698 = arith.muli %mul3A_1697, %iota3A : vector<16xi32>
      %add3A_1699 = vector.broadcast %and3A_1695 : i32 to vector<16xi32>
      %add3A_1700 = arith.addi %add3A_1699, %mul3A_1698 : vector<16xi32>
      %add3A_1701 = arith.constant 0 : i32
      %add3A_1702 = vector.broadcast %add3A_1701 : i32 to vector<16xi32>
      %add3A_1703 = arith.addi %add3A_1702, %iota3A : vector<16xi32>
      %add3A_1704 = arith.constant 224 : i32
      %add3A_1705 = vector.broadcast %add3A_1704 : i32 to vector<16xi32>
      %add3A_1706 = arith.addi %add3A_1705, %add3A_1703 : vector<16xi32>
      %gather3A_1707 = tpu.vector_load_idx %arg10[%add3A_1706, %add3A_1700] : memref<256x128xf32, #tpu.memory_space<vmem>>[vector<16xi32>, vector<16xi32>], vector<16xf32>,
      tpu.vector_store_idx %arg12[%add3A_1703, %add3A_1693], %gather3A_1707 : memref<32x512xf32, #tpu.memory_space<vmem>>[vector<16xi32>, vector<16xi32>], vector<16xf32>,
      %add3A_1708 = arith.constant 16 : i32
      %add3A_1709 = vector.broadcast %add3A_1708 : i32 to vector<16xi32>
      %add3A_1710 = arith.addi %add3A_1709, %iota3A : vector<16xi32>
      %add3A_1711 = arith.constant 224 : i32
      %add3A_1712 = vector.broadcast %add3A_1711 : i32 to vector<16xi32>
      %add3A_1713 = arith.addi %add3A_1712, %add3A_1710 : vector<16xi32>
      %gather3A_1714 = tpu.vector_load_idx %arg10[%add3A_1713, %add3A_1700] : memref<256x128xf32, #tpu.memory_space<vmem>>[vector<16xi32>, vector<16xi32>], vector<16xf32>,
      tpu.vector_store_idx %arg12[%add3A_1710, %add3A_1693], %gather3A_1714 : memref<32x512xf32, #tpu.memory_space<vmem>>[vector<16xi32>, vector<16xi32>], vector<16xf32>,
      %and3A_1715 = arith.constant 127 : i32
      %and3A_1716 = arith.andi %squeeze3A_82, %and3A_1715 : i32
      %mul3A_1717 = arith.constant 0 : i32
      %mul3A_1718 = vector.broadcast %mul3A_1717 : i32 to vector<16xi32>
      %mul3A_1719 = arith.muli %mul3A_1718, %iota3A : vector<16xi32>
      %add3A_1720 = vector.broadcast %and3A_1716 : i32 to vector<16xi32>
      %add3A_1721 = arith.addi %add3A_1720, %mul3A_1719 : vector<16xi32>
      %add3A_1722 = arith.constant 0 : i32
      %add3A_1723 = vector.broadcast %add3A_1722 : i32 to vector<16xi32>
      %add3A_1724 = arith.addi %add3A_1723, %iota3A : vector<16xi32>
      %add3A_1725 = arith.constant 224 : i32
      %add3A_1726 = vector.broadcast %add3A_1725 : i32 to vector<16xi32>
      %add3A_1727 = arith.addi %add3A_1726, %add3A_1724 : vector<16xi32>
      %gather3A_1728 = tpu.vector_load_idx %arg11[%add3A_1727, %add3A_1721] : memref<256x128xf32, #tpu.memory_space<vmem>>[vector<16xi32>, vector<16xi32>], vector<16xf32>,
      tpu.vector_store_idx %arg13[%add3A_1724, %add3A_1693], %gather3A_1728 : memref<32x512xf32, #tpu.memory_space<vmem>>[vector<16xi32>, vector<16xi32>], vector<16xf32>,
      %add3A_1729 = arith.constant 16 : i32
      %add3A_1730 = vector.broadcast %add3A_1729 : i32 to vector<16xi32>
      %add3A_1731 = arith.addi %add3A_1730, %iota3A : vector<16xi32>
      %add3A_1732 = arith.constant 224 : i32
      %add3A_1733 = vector.broadcast %add3A_1732 : i32 to vector<16xi32>
      %add3A_1734 = arith.addi %add3A_1733, %add3A_1731 : vector<16xi32>
      %gather3A_1735 = tpu.vector_load_idx %arg11[%add3A_1734, %add3A_1721] : memref<256x128xf32, #tpu.memory_space<vmem>>[vector<16xi32>, vector<16xi32>], vector<16xf32>,
      tpu.vector_store_idx %arg13[%add3A_1731, %add3A_1693], %gather3A_1735 : memref<32x512xf32, #tpu.memory_space<vmem>>[vector<16xi32>, vector<16xi32>], vector<16xf32>,
    }
    %scan3A_13 = arith.constant 32 : i32
    %multiple_of3A = tpu.assume_multiple %mul3A_2, 128 : i32
    "tpu.region"() ({
      %run_scoped3A = tpu.sem_alloc : memref<!tpu.dma_semaphore, #tpu.memory_space<semaphore_mem>>
      %dma_start3A_14 = arith.constant 0 : i32
      %dma_start3A_15 = tpu.memref_slice %arg6[%dma_start3A_14, %multiple_of3A] : memref<32x16384xf32, #tpu.memory_space<hbm>> -> memref<32x512xf32, #tpu.memory_space<hbm>>
      %dma_start3A_16 = arith.constant 0 : i32
      %dma_start3A_17 = tpu.memref_slice %arg6[%dma_start3A_16, %multiple_of3A] : memref<32x16384xf32, #tpu.memory_space<hbm>> -> memref<32x512xf32, #tpu.memory_space<hbm>>
      tpu.enqueue_dma source(%arg12 : memref<32x512xf32, #tpu.memory_space<vmem>>) target(%dma_start3A_17 : memref<32x512xf32, #tpu.memory_space<hbm>>) target_semaphore(%run_scoped3A : memref<!tpu.dma_semaphore, #tpu.memory_space<semaphore_mem>>)
      %dma_wait3A_18 = arith.constant 0 : i32
      %dma_wait3A_19 = tpu.memref_slice %arg6[%dma_wait3A_18, %multiple_of3A] : memref<32x16384xf32, #tpu.memory_space<hbm>> -> memref<32x512xf32, #tpu.memory_space<hbm>>
      %dma_wait3A_20 = arith.constant 0 : i32
      %dma_wait3A_21 = tpu.memref_slice %arg6[%dma_wait3A_20, %multiple_of3A] : memref<32x16384xf32, #tpu.memory_space<hbm>> -> memref<32x512xf32, #tpu.memory_space<hbm>>
      tpu.wait_dma2 semaphore(%run_scoped3A : memref<!tpu.dma_semaphore, #tpu.memory_space<semaphore_mem>>) src(%arg12 : memref<32x512xf32, #tpu.memory_space<vmem>>) dst(%dma_wait3A_21 : memref<32x512xf32, #tpu.memory_space<hbm>>)
      tpu.yield
    }) : () -> ()
    "tpu.region"() ({
      %run_scoped3A = tpu.sem_alloc : memref<!tpu.dma_semaphore, #tpu.memory_space<semaphore_mem>>
      %dma_start3A_14 = arith.constant 0 : i32
      %dma_start3A_15 = tpu.memref_slice %arg7[%dma_start3A_14, %multiple_of3A] : memref<32x16384xf32, #tpu.memory_space<hbm>> -> memref<32x512xf32, #tpu.memory_space<hbm>>
      %dma_start3A_16 = arith.constant 0 : i32
      %dma_start3A_17 = tpu.memref_slice %arg7[%dma_start3A_16, %multiple_of3A] : memref<32x16384xf32, #tpu.memory_space<hbm>> -> memref<32x512xf32, #tpu.memory_space<hbm>>
      tpu.enqueue_dma source(%arg13 : memref<32x512xf32, #tpu.memory_space<vmem>>) target(%dma_start3A_17 : memref<32x512xf32, #tpu.memory_space<hbm>>) target_semaphore(%run_scoped3A : memref<!tpu.dma_semaphore, #tpu.memory_space<semaphore_mem>>)
      %dma_wait3A_18 = arith.constant 0 : i32
      %dma_wait3A_19 = tpu.memref_slice %arg7[%dma_wait3A_18, %multiple_of3A] : memref<32x16384xf32, #tpu.memory_space<hbm>> -> memref<32x512xf32, #tpu.memory_space<hbm>>
      %dma_wait3A_20 = arith.constant 0 : i32
      %dma_wait3A_21 = tpu.memref_slice %arg7[%dma_wait3A_20, %multiple_of3A] : memref<32x16384xf32, #tpu.memory_space<hbm>> -> memref<32x512xf32, #tpu.memory_space<hbm>>
      tpu.wait_dma2 semaphore(%run_scoped3A : memref<!tpu.dma_semaphore, #tpu.memory_space<semaphore_mem>>) src(%arg13 : memref<32x512xf32, #tpu.memory_space<vmem>>) dst(%dma_wait3A_21 : memref<32x512xf32, #tpu.memory_space<hbm>>)
      tpu.yield
    }) : () -> ()
    return
  }
}

module attributes {stable_mosaic.version = 14 : i64} {
  func.func @_mlp_body(%arg0: i32, %arg1: memref<32x2048xf32, #tpu.memory_space<vmem>>, %arg2: memref<32x2048xf32, #tpu.memory_space<vmem>>, %arg3: memref<128x64xf32, #tpu.memory_space<vmem>>, %arg4: memref<128x1xf32, #tpu.memory_space<vmem>>, %arg5: memref<128x1xf32, #tpu.memory_space<vmem>>, %arg6: memref<128x1xf32, #tpu.memory_space<vmem>>, %arg7: memref<64x128xf32, #tpu.memory_space<vmem>>, %arg8: memref<64x1xf32, #tpu.memory_space<vmem>>, %arg9: memref<64x1xf32, #tpu.memory_space<vmem>>, %arg10: memref<64x1xf32, #tpu.memory_space<vmem>>, %arg11: memref<64x1xf32, #tpu.memory_space<vmem>>, %arg12: memref<1xf32, #tpu.memory_space<smem>>, %arg13: memref<2048xf32, #tpu.memory_space<vmem>>) attributes {dimension_semantics = [#tpu.dimension_semantics<arbitrary>], iteration_bounds = array<i64: 8>, scalar_prefetch = 0 : i64, scratch_operands = 0 : i64, tpu.core_type = #tpu.core_type<tc>, window_params = [{transform_indices = @transform_0, window_bounds = array<i64: 32, 2048>}, {transform_indices = @transform_1, window_bounds = array<i64: 32, 2048>}, {pipeline_mode = #tpu.pipeline_mode<synchronous>, transform_indices = @transform_2, window_bounds = array<i64: 128, 64>}, {pipeline_mode = #tpu.pipeline_mode<synchronous>, transform_indices = @transform_3, window_bounds = array<i64: 128, 1>}, {pipeline_mode = #tpu.pipeline_mode<synchronous>, transform_indices = @transform_4, window_bounds = array<i64: 128, 1>}, {pipeline_mode = #tpu.pipeline_mode<synchronous>, transform_indices = @transform_5, window_bounds = array<i64: 128, 1>}, {pipeline_mode = #tpu.pipeline_mode<synchronous>, transform_indices = @transform_6, window_bounds = array<i64: 64, 128>}, {pipeline_mode = #tpu.pipeline_mode<synchronous>, transform_indices = @transform_7, window_bounds = array<i64: 64, 1>}, {pipeline_mode = #tpu.pipeline_mode<synchronous>, transform_indices = @transform_8, window_bounds = array<i64: 64, 1>}, {pipeline_mode = #tpu.pipeline_mode<synchronous>, transform_indices = @transform_9, window_bounds = array<i64: 64, 1>}, {pipeline_mode = #tpu.pipeline_mode<synchronous>, transform_indices = @transform_10, window_bounds = array<i64: 64, 1>}, {transform_indices = @transform_11, window_bounds = array<i64: 1>}, {transform_indices = @transform_12, window_bounds = array<i64: 2048>}]} {
    %get3A = arith.constant 0 : index
    %get3A_0 = arith.constant 0 : index
    %get3A_1 = vector.load %arg1[%get3A, %get3A_0] : memref<32x2048xf32, #tpu.memory_space<vmem>>, vector<32x2048xf32>
    %mul3A = arith.mulf %get3A_1, %get3A_1 : vector<32x2048xf32>
    %reduce_sum3A = arith.constant dense<0.000000e+00> : vector<2048xf32>
    %reduce_sum3A_2 = vector.multi_reduction <add>, %mul3A, %reduce_sum3A [0] : vector<32x2048xf32> to vector<2048xf32>
    %broadcast_in_dim3A = vector.shape_cast %reduce_sum3A_2 : vector<2048xf32> to vector<1x2048xf32>
    %sqrt3A = math.sqrt %broadcast_in_dim3A : vector<1x2048xf32>
    %max3A = arith.constant 9.99999996E-13 : f32
    %max3A_3 = vector.broadcast %max3A : f32 to vector<1x2048xf32>
    %max3A_4 = arith.maximumf %sqrt3A, %max3A_3 : vector<1x2048xf32>
    %div3A = vector.broadcast %max3A_4 : vector<1x2048xf32> to vector<32x2048xf32>
    %div3A_5 = arith.divf %get3A_1, %div3A : vector<32x2048xf32>
    %get3A_6 = arith.constant 0 : index
    %get3A_7 = arith.constant 0 : index
    %get3A_8 = vector.load %arg2[%get3A_6, %get3A_7] : memref<32x2048xf32, #tpu.memory_space<vmem>>, vector<32x2048xf32>
    %mul3A_9 = arith.mulf %get3A_8, %get3A_8 : vector<32x2048xf32>
    %reduce_sum3A_10 = arith.constant dense<0.000000e+00> : vector<2048xf32>
    %reduce_sum3A_11 = vector.multi_reduction <add>, %mul3A_9, %reduce_sum3A_10 [0] : vector<32x2048xf32> to vector<2048xf32>
    %broadcast_in_dim3A_12 = vector.shape_cast %reduce_sum3A_11 : vector<2048xf32> to vector<1x2048xf32>
    %sqrt3A_13 = math.sqrt %broadcast_in_dim3A_12 : vector<1x2048xf32>
    %max3A_14 = arith.constant 9.99999996E-13 : f32
    %max3A_15 = vector.broadcast %max3A_14 : f32 to vector<1x2048xf32>
    %max3A_16 = arith.maximumf %sqrt3A_13, %max3A_15 : vector<1x2048xf32>
    %div3A_17 = vector.broadcast %max3A_16 : vector<1x2048xf32> to vector<32x2048xf32>
    %div3A_18 = arith.divf %get3A_8, %div3A_17 : vector<32x2048xf32>
    %concatenate3A = tpu.concatenate %div3A_5, %div3A_18 in 0 : vector<32x2048xf32>, vector<32x2048xf32> -> vector<64x2048xf32>
    %get3A_19 = arith.constant 0 : index
    %get3A_20 = arith.constant 0 : index
    %get3A_21 = vector.load %arg3[%get3A_19, %get3A_20] : memref<128x64xf32, #tpu.memory_space<vmem>>, vector<128x64xf32>
    %dot_general3A = arith.constant dense<0.000000e+00> : vector<128x2048xf32>
    %dot_general3A_22 = tpu.matmul %get3A_21, %concatenate3A, %dot_general3A {dimension_numbers = #tpu.dot_dimension_numbers<[1], [0], [0], [1], [0, 0, 1, 1], [], []>, transpose_lhs_hint = false} : vector<128x64xf32>, vector<64x2048xf32>, vector<128x2048xf32> -> vector<128x2048xf32>
    %get3A_23 = arith.constant 0 : index
    %get3A_24 = arith.constant 0 : index
    %get3A_25 = vector.load %arg4[%get3A_23, %get3A_24] : memref<128x1xf32, #tpu.memory_space<vmem>>, vector<128x1xf32>
    %add3A = vector.broadcast %get3A_25 : vector<128x1xf32> to vector<128x2048xf32>
    %add3A_26 = arith.addf %dot_general3A_22, %add3A : vector<128x2048xf32>
    %get3A_27 = arith.constant 0 : index
    %get3A_28 = arith.constant 0 : index
    %get3A_29 = vector.load %arg5[%get3A_27, %get3A_28] : memref<128x1xf32, #tpu.memory_space<vmem>>, vector<128x1xf32>
    %get3A_30 = arith.constant 0 : index
    %get3A_31 = arith.constant 0 : index
    %get3A_32 = vector.load %arg6[%get3A_30, %get3A_31] : memref<128x1xf32, #tpu.memory_space<vmem>>, vector<128x1xf32>
    %reduce_sum3A_33 = arith.constant dense<0.000000e+00> : vector<2048xf32>
    %reduce_sum3A_34 = vector.multi_reduction <add>, %add3A_26, %reduce_sum3A_33 [0] : vector<128x2048xf32> to vector<2048xf32>
    %broadcast_in_dim3A_35 = vector.shape_cast %reduce_sum3A_34 : vector<2048xf32> to vector<1x2048xf32>
    %div3A_36 = arith.constant 1.280000e+02 : f32
    %div3A_37 = vector.broadcast %div3A_36 : f32 to vector<1x2048xf32>
    %div3A_38 = arith.divf %broadcast_in_dim3A_35, %div3A_37 : vector<1x2048xf32>
    %sub3A = vector.broadcast %div3A_38 : vector<1x2048xf32> to vector<128x2048xf32>
    %sub3A_39 = arith.subf %add3A_26, %sub3A : vector<128x2048xf32>
    %mul3A_40 = arith.mulf %sub3A_39, %sub3A_39 : vector<128x2048xf32>
    %reduce_sum3A_41 = arith.constant dense<0.000000e+00> : vector<2048xf32>
    %reduce_sum3A_42 = vector.multi_reduction <add>, %mul3A_40, %reduce_sum3A_41 [0] : vector<128x2048xf32> to vector<2048xf32>
    %broadcast_in_dim3A_43 = vector.shape_cast %reduce_sum3A_42 : vector<2048xf32> to vector<1x2048xf32>
    %div3A_44 = arith.constant 1.280000e+02 : f32
    %div3A_45 = vector.broadcast %div3A_44 : f32 to vector<1x2048xf32>
    %div3A_46 = arith.divf %broadcast_in_dim3A_43, %div3A_45 : vector<1x2048xf32>
    %add3A_47 = arith.constant 9.99999974E-6 : f32
    %add3A_48 = vector.broadcast %add3A_47 : f32 to vector<1x2048xf32>
    %add3A_49 = arith.addf %div3A_46, %add3A_48 : vector<1x2048xf32>
    %rsqrt3A = math.rsqrt %add3A_49 : vector<1x2048xf32>
    %mul3A_50 = vector.broadcast %rsqrt3A : vector<1x2048xf32> to vector<128x2048xf32>
    %mul3A_51 = arith.mulf %sub3A_39, %mul3A_50 : vector<128x2048xf32>
    %mul3A_52 = vector.broadcast %get3A_29 : vector<128x1xf32> to vector<128x2048xf32>
    %mul3A_53 = arith.mulf %mul3A_51, %mul3A_52 : vector<128x2048xf32>
    %add3A_54 = vector.broadcast %get3A_32 : vector<128x1xf32> to vector<128x2048xf32>
    %add3A_55 = arith.addf %mul3A_53, %add3A_54 : vector<128x2048xf32>
    %max3A_56 = arith.constant 0.000000e+00 : f32
    %max3A_57 = vector.broadcast %max3A_56 : f32 to vector<128x2048xf32>
    %max3A_58 = arith.maximumf %add3A_55, %max3A_57 : vector<128x2048xf32>
    %get3A_59 = arith.constant 0 : index
    %get3A_60 = arith.constant 0 : index
    %get3A_61 = vector.load %arg7[%get3A_59, %get3A_60] : memref<64x128xf32, #tpu.memory_space<vmem>>, vector<64x128xf32>
    %dot_general3A_62 = arith.constant dense<0.000000e+00> : vector<64x2048xf32>
    %dot_general3A_63 = tpu.matmul %get3A_61, %max3A_58, %dot_general3A_62 {dimension_numbers = #tpu.dot_dimension_numbers<[1], [0], [0], [1], [0, 0, 1, 1], [], []>, transpose_lhs_hint = false} : vector<64x128xf32>, vector<128x2048xf32>, vector<64x2048xf32> -> vector<64x2048xf32>
    %get3A_64 = arith.constant 0 : index
    %get3A_65 = arith.constant 0 : index
    %get3A_66 = vector.load %arg8[%get3A_64, %get3A_65] : memref<64x1xf32, #tpu.memory_space<vmem>>, vector<64x1xf32>
    %add3A_67 = vector.broadcast %get3A_66 : vector<64x1xf32> to vector<64x2048xf32>
    %add3A_68 = arith.addf %dot_general3A_63, %add3A_67 : vector<64x2048xf32>
    %get3A_69 = arith.constant 0 : index
    %get3A_70 = arith.constant 0 : index
    %get3A_71 = vector.load %arg9[%get3A_69, %get3A_70] : memref<64x1xf32, #tpu.memory_space<vmem>>, vector<64x1xf32>
    %get3A_72 = arith.constant 0 : index
    %get3A_73 = arith.constant 0 : index
    %get3A_74 = vector.load %arg10[%get3A_72, %get3A_73] : memref<64x1xf32, #tpu.memory_space<vmem>>, vector<64x1xf32>
    %reduce_sum3A_75 = arith.constant dense<0.000000e+00> : vector<2048xf32>
    %reduce_sum3A_76 = vector.multi_reduction <add>, %add3A_68, %reduce_sum3A_75 [0] : vector<64x2048xf32> to vector<2048xf32>
    %broadcast_in_dim3A_77 = vector.shape_cast %reduce_sum3A_76 : vector<2048xf32> to vector<1x2048xf32>
    %div3A_78 = arith.constant 6.400000e+01 : f32
    %div3A_79 = vector.broadcast %div3A_78 : f32 to vector<1x2048xf32>
    %div3A_80 = arith.divf %broadcast_in_dim3A_77, %div3A_79 : vector<1x2048xf32>
    %sub3A_81 = vector.broadcast %div3A_80 : vector<1x2048xf32> to vector<64x2048xf32>
    %sub3A_82 = arith.subf %add3A_68, %sub3A_81 : vector<64x2048xf32>
    %mul3A_83 = arith.mulf %sub3A_82, %sub3A_82 : vector<64x2048xf32>
    %reduce_sum3A_84 = arith.constant dense<0.000000e+00> : vector<2048xf32>
    %reduce_sum3A_85 = vector.multi_reduction <add>, %mul3A_83, %reduce_sum3A_84 [0] : vector<64x2048xf32> to vector<2048xf32>
    %broadcast_in_dim3A_86 = vector.shape_cast %reduce_sum3A_85 : vector<2048xf32> to vector<1x2048xf32>
    %div3A_87 = arith.constant 6.400000e+01 : f32
    %div3A_88 = vector.broadcast %div3A_87 : f32 to vector<1x2048xf32>
    %div3A_89 = arith.divf %broadcast_in_dim3A_86, %div3A_88 : vector<1x2048xf32>
    %add3A_90 = arith.constant 9.99999974E-6 : f32
    %add3A_91 = vector.broadcast %add3A_90 : f32 to vector<1x2048xf32>
    %add3A_92 = arith.addf %div3A_89, %add3A_91 : vector<1x2048xf32>
    %rsqrt3A_93 = math.rsqrt %add3A_92 : vector<1x2048xf32>
    %mul3A_94 = vector.broadcast %rsqrt3A_93 : vector<1x2048xf32> to vector<64x2048xf32>
    %mul3A_95 = arith.mulf %sub3A_82, %mul3A_94 : vector<64x2048xf32>
    %mul3A_96 = vector.broadcast %get3A_71 : vector<64x1xf32> to vector<64x2048xf32>
    %mul3A_97 = arith.mulf %mul3A_95, %mul3A_96 : vector<64x2048xf32>
    %add3A_98 = vector.broadcast %get3A_74 : vector<64x1xf32> to vector<64x2048xf32>
    %add3A_99 = arith.addf %mul3A_97, %add3A_98 : vector<64x2048xf32>
    %max3A_100 = arith.constant 0.000000e+00 : f32
    %max3A_101 = vector.broadcast %max3A_100 : f32 to vector<64x2048xf32>
    %max3A_102 = arith.maximumf %add3A_99, %max3A_101 : vector<64x2048xf32>
    %get3A_103 = arith.constant 0 : index
    %get3A_104 = arith.constant 0 : index
    %get3A_105 = vector.load %arg11[%get3A_103, %get3A_104] : memref<64x1xf32, #tpu.memory_space<vmem>>, vector<64x1xf32>
    %mul3A_106 = vector.broadcast %get3A_105 : vector<64x1xf32> to vector<64x2048xf32>
    %mul3A_107 = arith.mulf %max3A_102, %mul3A_106 : vector<64x2048xf32>
    %reduce_sum3A_108 = arith.constant dense<0.000000e+00> : vector<2048xf32>
    %reduce_sum3A_109 = vector.multi_reduction <add>, %mul3A_107, %reduce_sum3A_108 [0] : vector<64x2048xf32> to vector<2048xf32>
    %get3A_110 = arith.constant 0 : index
    %get3A_111 = memref.load %arg12[%get3A_110] : memref<1xf32, #tpu.memory_space<smem>>
    %add3A_112 = vector.broadcast %get3A_111 : f32 to vector<2048xf32>
    %add3A_113 = arith.addf %reduce_sum3A_109, %add3A_112 : vector<2048xf32>
    %swap3A = arith.constant 0 : index
    %swap3A_114 = vector.load %arg13[%swap3A] : memref<2048xf32, #tpu.memory_space<vmem>>, vector<2048xf32>
    tpu.vector_store %arg13[%swap3A], %add3A_113 {strides = array<i32>} : memref<2048xf32, #tpu.memory_space<vmem>>, vector<2048xf32>,
    return
  }
  func.func @transform_0(%arg0: i32) -> (i32, i32) {
    %c0_i32 = arith.constant 0 : i32
    %c0_i32_0 = arith.constant 0 : i32
    return %c0_i32, %arg0 : i32, i32
  }
  func.func @transform_1(%arg0: i32) -> (i32, i32) {
    %c0_i32 = arith.constant 0 : i32
    %c0_i32_0 = arith.constant 0 : i32
    return %c0_i32, %arg0 : i32, i32
  }
  func.func @transform_2(%arg0: i32) -> (i32, i32) {
    %c0_i32 = arith.constant 0 : i32
    %c0_i32_0 = arith.constant 0 : i32
    %c0_i32_1 = arith.constant 0 : i32
    return %c0_i32, %c0_i32_0 : i32, i32
  }
  func.func @transform_3(%arg0: i32) -> (i32, i32) {
    %c0_i32 = arith.constant 0 : i32
    %c0_i32_0 = arith.constant 0 : i32
    %c0_i32_1 = arith.constant 0 : i32
    return %c0_i32, %c0_i32_0 : i32, i32
  }
  func.func @transform_4(%arg0: i32) -> (i32, i32) {
    %c0_i32 = arith.constant 0 : i32
    %c0_i32_0 = arith.constant 0 : i32
    %c0_i32_1 = arith.constant 0 : i32
    return %c0_i32, %c0_i32_0 : i32, i32
  }
  func.func @transform_5(%arg0: i32) -> (i32, i32) {
    %c0_i32 = arith.constant 0 : i32
    %c0_i32_0 = arith.constant 0 : i32
    %c0_i32_1 = arith.constant 0 : i32
    return %c0_i32, %c0_i32_0 : i32, i32
  }
  func.func @transform_6(%arg0: i32) -> (i32, i32) {
    %c0_i32 = arith.constant 0 : i32
    %c0_i32_0 = arith.constant 0 : i32
    %c0_i32_1 = arith.constant 0 : i32
    return %c0_i32, %c0_i32_0 : i32, i32
  }
  func.func @transform_7(%arg0: i32) -> (i32, i32) {
    %c0_i32 = arith.constant 0 : i32
    %c0_i32_0 = arith.constant 0 : i32
    %c0_i32_1 = arith.constant 0 : i32
    return %c0_i32, %c0_i32_0 : i32, i32
  }
  func.func @transform_8(%arg0: i32) -> (i32, i32) {
    %c0_i32 = arith.constant 0 : i32
    %c0_i32_0 = arith.constant 0 : i32
    %c0_i32_1 = arith.constant 0 : i32
    return %c0_i32, %c0_i32_0 : i32, i32
  }
  func.func @transform_9(%arg0: i32) -> (i32, i32) {
    %c0_i32 = arith.constant 0 : i32
    %c0_i32_0 = arith.constant 0 : i32
    %c0_i32_1 = arith.constant 0 : i32
    return %c0_i32, %c0_i32_0 : i32, i32
  }
  func.func @transform_10(%arg0: i32) -> (i32, i32) {
    %c0_i32 = arith.constant 0 : i32
    %c0_i32_0 = arith.constant 0 : i32
    %c0_i32_1 = arith.constant 0 : i32
    return %c0_i32, %c0_i32_0 : i32, i32
  }
  func.func @transform_11(%arg0: i32) -> i32 {
    %c0_i32 = arith.constant 0 : i32
    %c0_i32_0 = arith.constant 0 : i32
    return %c0_i32 : i32
  }
  func.func @transform_12(%arg0: i32) -> i32 {
    %c0_i32 = arith.constant 0 : i32
    return %arg0 : i32
  }
}

</mosaic_0001>

<sc_bundles>
// kernel: kernel.4.cloned.1.call-start
scs
__scs_entry_jumppad:
0x0: {  	(pc) =	sbr.rel $0x88, $3  }
0x1: {  	(tag) =	ssettag $0x0;
	lr =	simm.s32 $0x1  }
0x2: {  	[smem:$0x3F93] =	sst lr;
	_ =	strace $0xD0000000  }
0x3: {  	_ = 	snop  }
0x4: {  	_ = 	snop  }
0x5: {  	_ = 	snop  }
0x6: {  	_ = 	snop  }
0x7: {  	_ = 	snop  }
__scs_overlays_trampoline_lowered:
0x8: {  	[smem:$0x3FA2] =	sst s0  }
0x9: {  	[smem:$0x3FA3] =	sst s1  }
0xa: {  	[smem:$0x3FA4] =	sst s2  }
0xb: {  	[smem:$0x3FA5] =	sst s3  }
0xc: {  	[smem:$0x3FA6] =	sst s4  }
0xd: {  	[smem:$0x3FA7] =	sst s5  }
0xe: {  	[smem:$0x3FA8] =	sst s6  }
0xf: {  	[smem:$0x3FA9] =	sst s7  }
0x10: {  	[smem:$0x3FAA] =	sst s8  }
0x11: {  	[smem:$0x3FAB] =	sst s9;
	s0 =	simm.s32 @!p0 $0x0  }
0x12: {  	s1 =	sld [smem:$0x3F91];
	s0 =	simm.s32 @p0 $0x1  }
0x13: {  	[smem:$0x3FAC] =	sst s0;
	s0 =	simm.s32 @!p1 $0x0  }
0x14: {  	s2 =	sld [smem:$0x3F90];
	s0 =	simm.s32 @p1 $0x1  }
0x15: {  	[smem:$0x3FAD] =	sst s0;
	s0 =	simm.s32 @!p2 $0x0  }
0x16: {  	s3 =	sld [smem:$0x3FDB];
	s0 =	simm.s32 @p2 $0x1  }
0x17: {  	s4 =	simm.s32 $0x1BF5;
	[smem:$0x3FAF] =	sst s0  }
0x18: {  	s0 =	sld [smem:$0x3F92];
	_ =	swait.ge [sflag:s4], $0x0  }
0x19: {  	s7 =	sld [smem:$0x3F93]  }
0x1a: {  	s8 =	sadd.s32 $0xFFFFE003, lr  }
0x1b: {  	s9 =	sadd.s32 $0xFFFFFEF7, lr;
	s5 =	simm.s32 $0xFFFFFFFF;
	p2 =	slt.u32 s8, $0xFFFFF086  }
0x1c: {  	p1 =	slt.u32 s9, $0xF7A;
	s5 =	simm.s32 @!p2 $0x0  }
0x1d: {  	s5 =	simm.s32 @p1 $0x1;
	p0 =	seq.s32 s7, s2  }
0x1e: {  	s7 =	smul.u32 @!p0 $0xF7A, s2;
	p2 =	seq.s32 @!p0 s5, $0x0  }
0x1f: {  	s9 =	smul.u32 $0xF7A, s1;
	s8 =	simm.s32 @!p0 $0x1BF5;
	p2 =	por !p2, p0  }
0x20: {  	[sflag:s8] =	ssyncset.s32 @!p0 $0xFFFFF086;
	s6 =	sadd.s32 @!p0 s3, s7;
	s7 =	simm.s32 @!p0 $0x108  }
0x21: {  	s3 =	sadd.s32 s3, s9;
	s6 =	sadd.s32 @!p0 $0x88, s6;
	s7 =	simm.s32 @p2 $0x1082  }
0x22: {  	[simem:s7], [sflag:s8] =	dma.local @!p0 [hbm:s6], $0xF7A  }
0x23: {  	s9 =	sor.u32 $0xD0000000, s2;
	s6 =	simm.s32 $0x108;
	_ =	swait.ge @!p0 [sflag:s8], $0x0  }
0x24: {  	s3 =	sadd.s32 $0x88, s3;
	s6 =	simm.s32 @!p1 $0x1082;
	[sflag:s4] =	ssyncset.s32 $0xFFFFF086  }
0x25: {  	[simem:s6], [sflag:s4] =	dma.local [hbm:s3], $0xF7A  }
0x26: {  	[smem:$0x3F93] =	sst s1;
	(tag) =	ssettag s2;
	_ =	strace s9  }
0x27: {  	s1 =	sld [smem:$0x3FA3]  }
0x28: {  	s2 =	sld [smem:$0x3FA4]  }
0x29: {  	s4 =	sld [smem:$0x3FA6]  }
0x2a: {  	p0 =	seq.s32 s5, $0x0;
	s5 =	sld [smem:$0x3FA7]  }
0x2b: {  	s6 =	sld [smem:$0x3FA8]  }
0x2c: {  	s7 =	sld [smem:$0x3FA9]  }
0x2d: {  	s3 =	simm.s32 $0x108;
	s8 =	sld [smem:$0x3FAA]  }
0x2e: {  	s3 =	simm.s32 @!p0 $0x1082;
	s9 =	sld [smem:$0x3FAB]  }
0x2f: {  	lr =	sadd.s32 s0, s3;
	s0 =	sld [smem:$0x3FA2]  }
0x30: {  	s3 =	sld [smem:$0x3FA5]  }
0x31: {  	[smem:$0x3FAE] =	sst s10  }
0x32: {  	s10 =	sld [smem:$0x3FAC];
	_ =	sdelay $0x3  }
0x33: {  	p0 =	seq.s32 s10, $0x1;
	s10 =	sld [smem:$0x3FAE];
	_ =	sdelay $0x3  }
0x34: {  	[smem:$0x3FAE] =	sst s10  }
0x35: {  	s10 =	sld [smem:$0x3FAD];
	_ =	sdelay $0x3  }
0x36: {  	p1 =	seq.s32 s10, $0x1;
	s10 =	sld [smem:$0x3FAE];
	_ =	sdelay $0x3  }
0x37: {  	[smem:$0x3FAE] =	sst s10  }
0x38: {  	s10 =	sld [smem:$0x3FAF]  }
0x39: {  	_ = 	snop;
	(pc) =	sbr.ind lr, $3  }
0x3a: {  	_ = 	snop  }
0x3b: {  	_ = 	snop  }
0x3c: {  	p2 =	seq.s32 s10, $0x1;
	s10 =	sld [smem:$0x3FAE]  }
0x3d: {  	_ =	shalt  }
0x3e: {  	_ =	shalt  }
0x3f: {  	_ =	shalt  }
0x40: {  	_ =	shalt  }
0x41: {  	_ =	shalt  }
0x42: {  	_ =	shalt  }
0x43: {  	_ =	shalt  }
0x44: {  	_ =	shalt  }
0x45: {  	_ =	shalt  }
0x46: {  	_ =	shalt  }
0x47: {  	_ =	shalt  }
0x48: {  	_ =	shalt  }
0x49: {  	_ =	shalt  }
0x4a: {  	_ =	shalt  }
0x4b: {  	_ =	shalt  }
0x4c: {  	_ =	shalt  }
0x4d: {  	_ =	shalt  }
0x4e: {  	_ =	shalt  }
0x4f: {  	_ =	shalt  }
0x50: {  	_ =	shalt  }
0x51: {  	_ =	shalt  }
0x52: {  	_ =	shalt  }
0x53: {  	_ =	shalt  }
0x54: {  	_ =	shalt  }
0x55: {  	_ =	shalt  }
0x56: {  	_ =	shalt  }
0x57: {  	_ =	shalt  }
0x58: {  	_ =	shalt  }
0x59: {  	_ =	shalt  }
0x5a: {  	_ =	shalt  }
0x5b: {  	_ =	shalt  }
0x5c: {  	_ =	shalt  }
0x5d: {  	_ =	shalt  }
0x5e: {  	_ =	shalt  }
0x5f: {  	_ =	shalt  }
0x60: {  	_ =	shalt  }
0x61: {  	_ =	shalt  }
0x62: {  	_ =	shalt  }
0x63: {  	_ =	shalt  }
0x64: {  	_ =	shalt  }
0x65: {  	_ =	shalt  }
0x66: {  	_ =	shalt  }
0x67: {  	_ =	shalt  }
0x68: {  	_ =	shalt  }
0x69: {  	_ =	shalt  }
0x6a: {  	_ =	shalt  }
0x6b: {  	_ =	shalt  }
0x6c: {  	_ =	shalt  }
0x6d: {  	_ =	shalt  }
0x6e: {  	_ =	shalt  }
0x6f: {  	_ =	shalt  }
0x70: {  	_ =	shalt  }
0x71: {  	_ =	shalt  }
0x72: {  	_ =	shalt  }
0x73: {  	_ =	shalt  }
0x74: {  	_ =	shalt  }
0x75: {  	_ =	shalt  }
0x76: {  	_ =	shalt  }
0x77: {  	_ =	shalt  }
0x78: {  	_ =	shalt  }
0x79: {  	_ =	shalt  }
0x7a: {  	_ =	shalt  }
0x7b: {  	_ =	shalt  }
0x7c: {  	_ =	shalt  }
0x7d: {  	_ =	shalt  }
0x7e: {  	_ =	shalt  }
0x7f: {  	_ =	shalt  }
0x80: {  	_ =	shalt  }
0x81: {  	_ =	shalt  }
0x82: {  	_ =	shalt  }
0x83: {  	_ =	shalt  }
0x84: {  	_ =	shalt  }
0x85: {  	_ =	shalt  }
0x86: {  	_ =	shalt  }
0x87: {  	_ =	shalt  }
.Lfunc_end0:
.L_simem_size_0:
called_computation_lowered:
.L_overlay_start_0:
0x88: {  	s2 =	sld [smem:$0x3FD9]  }
0x89: {  	s3 =	sld [smem:$0x3FFE];
	_ =	sdelay $0x1  }
0x8a: {  	s1 =	srdreg.scid  }
0x8b: {  	s0 =	sand.u32 $0x1, s1  }
0x8c: {  	s17 =	sshll.u32 s0, $0xA;
	s2 =	sadd.s32 s3, s2  }
0x8d: {  	s2 =	sadd.s32 s2, s17  }
0x8e: {  	[smem:$0x3FBA] =	sst s2  }
0x8f: {  	_ = 	snop  }
0x90: {  	s2 =	sld [smem:$0x3FC9]  }
0x91: {  	s18 =	sld [smem:$0x3FC8]  }
0x92: {  	s4 =	sld [smem:$0x3FC7]  }
0x93: {  	s5 =	sld [smem:$0x3FC6];
	(tm) =	ssettm $0x1  }
0x94: {  	s6 =	sld [smem:$0x3FFB];
	_ =	sdelay $0x3  }
0x95: {  	_ =	strace s6  }
0x96: {  	s6 =	sld [smem:$0x3FFC];
	_ =	sdelay $0x3  }
0x97: {  	_ =	strace s6  }
0x98: {  	s6 =	sld [smem:$0x3FFD];
	_ =	sdelay $0x3  }
0x99: {  	_ =	strace s6  }
0x9a: {  	_ =	strace $0x8FFFFFFF  }
0x9b: {  	s19 =	sld [smem:$0x3FDB];
	_ =	sdelay $0x1  }
0x9c: {  	s7 =	simm.s32 $_scs_section_size  }
0x9d: {  	s8 =	simm.s32 $_size__tile_overlayer_lowered;
	s9 =	simm.s32 $_tile_overlayer_lowered  }
0x9e: {  	s22 =	simm.s32 $0x1BFF;
	s21 =	sshll.u32 s9, $0x1;
	s6 =	sadd.s32 s7, s19  }
0x9f: {  	s10 =	simm.s32 $0x0;
	s20 =	sshll.u32 s8, $0x1;
	s8 =	sadd.s32 s21, s6  }
0xa0: {  	[timem:s10], [sflag:s22] =	dma.local [hbm:s8], s20  }
0xa1: {  	_ =	swait.ge [sflag:s22], s20  }
0xa2: {  	s7 =	ssub.s32 $0x0, s20;
	[sflag:s22] =	ssyncset.done $0x0  }
0xa3: {  	[sflag:s22] =	ssyncadd.s32 s7;
	_ =	sdelay $0x1  }
0xa4: {  	s23 =	simm.s32 $0x1B8B  }
0xa5: {  	_ =	swait.ge [sflag:s23], $0x1  }
0xa6: {  	[sflag:s23] =	ssyncset.done $0x0  }
0xa7: {  	s25 =	simm.s32 $0x1B8E;
	s24 =	sld [smem:$0x3FFE];
	[sflag:s23] =	ssyncadd.s32 $0xFFFFFFFF  }
0xa8: {  	s26 =	simm.s32 $execute0_lowered;
	[smem:$0x3FD2] =	sst s25  }
0xa9: {  	s8 =	sshll.u32 s26, $0x1;
	_ =	strace $0x80000046;
	[dreg:$0x1] =	wrdreg $0xFFFFFFFF  }
0xaa: {  	s28 =	simm.s32 $_size_execute0_lowered;
	s6 =	sadd.s32 s6, s8;
	[dreg:$0x0] =	wrdreg $0x0  }
0xab: {  	s8 =	sshll.u32 s28, $0x1;
	[dreg:$0x2] =	wrdreg s6  }
0xac: {  	[dreg:$0x3] =	wrdreg s8  }
0xad: {  	[dreg:$0x4] =	wrdreg $0xC0  }
0xae: {  	_ =	task [dreg:s10], $0x5FFFF  }
0xaf: {  	[dreg:$0x1] =	wrdreg $0xFFFFFFFF  }
0xb0: {  	[dreg:$0x0] =	wrdreg $0x60  }
0xb1: {  	[dreg:$0x2] =	wrdreg s4  }
0xb2: {  	[dreg:$0x3] =	wrdreg s5  }
0xb3: {  	[dreg:$0x4] =	wrdreg s2  }
0xb4: {  	[dreg:$0x5] =	wrdreg s18  }
0xb5: {  	[dreg:$0x6] =	wrdreg s24  }
0xb6: {  	[dreg:$0x7] =	wrdreg $0x9  }
0xb7: {  	_ =	task.clear_ibuf [dreg:s10], $0x8FFFF;
	_ =	strace $0x90000046  }
0xb8: {  	s29 =	simm.s32 $0x9;
	_ =	strace $0x80000048  }
0xb9: {  	_ =	swait.ge [sflag:s29], $0x1  }
0xba: {  	[sflag:s29] =	ssyncadd.s32 $0xFFFFFFFF  }
0xbb: {  	_ =	strace $0x90000048  }
0xbc: {  	_ =	sfence  }
0xbd: {  	s30 =	sld [smem:$0x0];
	_ =	sdelay $0x2  }
0xbe: {  	s31 =	sshll.u32 s1, $0xD;
	s1 =	sshrl.u32 s1, $0x2  }
0xbf: {  	s3 =	sand.u32 $0x4000, s31;
	s1 =	sadd.s32 s1, s30  }
0xc0: {  	s0 =	sor.u32 s3, s0;
	s1 =	sshll.u32 s1, $0x11  }
0xc1: {  	s0 =	sor.u32 s1, s0  }
0xc2: {  	s0 =	sadd.s32 $0x8F2B, s0  }
0xc3: {  	[sflag:s0] =	ssyncadd.remote.s32 $0x1  }
0xc4: {  	_ =	sfence.sel $0xFFFF  }
0xc5: {  	[dreg:$0x0] =	wrdreg $0xFFFFFFFF;
	(pc) =	sbr.abs _section_cstart, $3  }
0xc6: {  	[dreg:$0x1] =	wrdreg $0xFFFFFFFF  }
0xc7: {  	_ =	task.clear_ibuf [dreg:s10], $0x2FFFF;
	_ =	strace $0x9FFFFFFF  }
0xc8: {  	(tm) =	ssettm $0x7FFFFFFF  }
0xc9: {  	_ =	shalt  }
tec
execute0_lowered:
.L_overlay_start_1:
0x0: {  	(tag) =	ssettag $0x1  }
0x1: {  	v0 =	vlaneseq.u32  }
0x2: {  	v1 =	vimm.s32 $0x1380;
	vm0 =	vcmask $0x300;
	vm1 =	vcmask $0x704  }
0x3: {  	v2 =	vimm.s32 $0x3380;
	vm2 =	vcmask $0xB08;
	vm4 =	vcmask $0xF0C  }
0x4: {  	vm5 =	vcmask $0x1310;
	vm6 =	vcmask $0x1714;
	vm7 =	vcmask $0x1B18  }
0x5: {  	s16 =	rddreg [dreg:$0x0];
	vm8 =	vcmask $0x1F1C;
	vm9 =	vcmask $0x2320;
	vm10 =	vcmask $0x2724  }
0x6: {  	s1 =	rddreg [dreg:$0x1];
	vm11 =	vcmask $0x2B28;
	vm12 =	vcmask $0x2F2C;
	vm13 =	vcmask $0x3330  }
0x7: {  	s0 =	rddreg [dreg:$0x2];
	vm14 =	vcmask $0x3734;
	v1 =	vsel vm0, $0x0, v1;
	v2 =	vsel vm0, $0x2000, v2  }
0x8: {  	s2 =	rddreg [dreg:$0x3];
	v0 =	vmul.u32 $0x80, v0;
	v1 =	vsel vm1, $0x80, v1;
	v2 =	vsel vm1, $0x2080, v2  }
0x9: {  	s3 =	rddreg [dreg:$0x4];
	vm15 =	vcmask $0x3B38;
	v1 =	vsel vm2, $0x100, v1;
	v2 =	vsel vm2, $0x2100, v2  }
0xa: {  	s4 =	srdreg.scid;
	s5 =	stileid.u32;
	s7 =	simm.s32 $0x0;
	v4 =	vor.u32 $0x1000, v0;
	v5 =	vor.u32 $0x1800, v0;
	v6 =	vor.u32 $0x2000, v0  }
0xb: {  	s12 =	simm.s32 $0x400;
	s13 =	simm.s32 $0x8400;
	s14 =	simm.s32 $0x1400;
	v7 =	vor.u32 $0x2800, v0;
	v1 =	vsel vm4, $0x180, v1;
	v2 =	vsel vm4, $0x2180, v2  }
0xc: {  	s21 =	simm.s32 $0x9400;
	s9 =	simm.s32 $0xB400;
	s10 =	simm.s32 $0xC400;
	v8 =	vor.u32 $0x3000, v0;
	v1 =	vsel vm5, $0x200, v1;
	v2 =	vsel vm5, $0x2200, v2  }
0xd: {  	s29 =	simm.s32 $0x2;
	s30 =	simm.s32 $0x10400;
	s4 =	sand.u32 $0x1, s4;
	v9 =	vor.u32 $0x3800, v0;
	v1 =	vsel vm6, $0x280, v1;
	v2 =	vsel vm6, $0x2280, v2  }
0xe: {  	s31 =	simm.s32 $0x14400;
	s5 =	sshll.u32 s5, $0xA;
	s6 =	sshll.u32 s4, $0x9;
	v10 =	vor.u32 $0x4000, v0;
	v1 =	vsel vm7, $0x300, v1;
	v2 =	vsel vm7, $0x2300, v2  }
0xf: {  	[smem:$0x7FF] =	sst s7;
	s4 =	ssub.s32 $0x2, s4;
	s5 =	sor.u32 s6, s5;
	v11 =	vor.u32 $0x4800, v0;
	v1 =	vsel vm8, $0x380, v1;
	v2 =	vsel vm8, $0x2380, v2  }
0x10: {  	_ =	strace $0x80000047;
	s22 =	sshrl.u32 s4, $0x1;
	v12 =	vor.u32 $0x5000, v0;
	s23 =	sshrl.u32 s5, $0x3;
	v1 =	vsel vm9, $0x1000, v1;
	v2 =	vsel vm9, $0x3000, v2  }
0x11: {  	v13 =	vor.u32 $0x5800, v0;
	s3 =	sadd.s32 s5, s3;
	s4 =	ssub.s32 s4, s22;
	s0 =	sadd.s32 s0, s23;
	v1 =	vsel vm10, $0x1080, v1;
	v2 =	vsel vm10, $0x3080, v2  }
0x12: {  	v14 =	vor.u32 $0x6000, v0;
	s5 =	simm.s32 $0x3400;
	s24 =	sadd.s32 s2, s23;
	[dreg:$0x6] =	wrdreg s0;
	v1 =	vsel vm11, $0x1100, v1;
	v2 =	vsel vm11, $0x3100, v2  }
0x13: {  	v15 =	vor.u32 $0x6800, v0;
	s25 =	sadd.s32 $0x1E00, s3;
	s26 =	sadd.s32 $0x11E00, s3;
	[dreg:$0x7] =	wrdreg s24;
	v1 =	vsel vm12, $0x1180, v1;
	v2 =	vsel vm12, $0x3180, v2  }
0x14: {  	v16 =	vor.u32 $0x7000, v0;
	s28 =	smax.u32 s4, $0x1;
	s4 =	simm.s32 $0xA400;
	[dreg:$0x8] =	wrdreg s25;
	v1 =	vsel vm13, $0x1200, v1;
	v3 =	vsel vm13, $0x3200, v2  }
0x15: {  	v17 =	vor.u32 $0x7800, v0;
	s2 =	simm.s32 $0x3;
	s3 =	simm.s32 $0x0;
	[dreg:$0x9] =	wrdreg s26;
	v1 =	vsel vm14, $0x1280, v1;
	v3 =	vsel vm14, $0x3280, v3  }
0x16: {  	[dreg:$0xa] =	wrdreg s28;
	s26 =	simm.s32 $0x7A1400;
	s25 =	simm.s32 $0x4400;
	v2 =	vor.u32 $0x800, v0;
	v1 =	vsel vm15, $0x1300, v1;
	v3 =	vsel vm15, $0x3300, v3  }
.LBB2_1:
0x17: {  	[dreg:$0xb] =	wrdreg s3  }
0x18: {  	s0 =	simm.s32 $0x0;
	s23 =	rddreg [dreg:$0x6]  }
0x19: {  	[tilespmem:s0], [sflag:$0x1] =	stream.linear.gather [hbm4b:s23+s0], $0x200, $0x38;
	[tilespmem:$0x18400] =	vst v63  }
0x1a: {  	s6 =	simm.s32 $0x200;
	s24 =	rddreg [dreg:$0x7];
	s28 =	simm.s32 $0x1  }
0x1b: {  	[tilespmem:s6], [sflag:$0x1] =	stream.linear.gather [hbm4b:s24+s0], $0x200, $0x38;
	[tilespmem:$0x18400] =	vst v63  }
0x1c: {  	_ =	swait.ge [sflag:s28], $0x200  }
0x1d: {  	[sflag:s28] =	ssyncset.done $0x0  }
0x1e: {  	[sflag:s28] =	ssyncadd.s32 $0xFFFFFE00  }
0x1f: {  	_ =	swait.ge [sflag:s28], $0x200  }
0x20: {  	[sflag:s28] =	ssyncset.done $0x0  }
0x21: {  	s8 =	simm.s32 $0xF;
	s0 =	simm.s32 $0x0;
	[sflag:s28] =	ssyncadd.s32 $0xFFFFFE00  }
.LBB2_2:
0x22: {  	v18 =	vld [tilespmem:s0+$0x0]  }
0x23: {  	v19 =	vld [tilespmem:s6+$0x0];
	_ =	sdelay $0x3  }
0x24: {  	(v2sf) =	vpush v18, $0x0  }
0x25: {  	(v2sf) =	vpush v19, $0x0  }
0x26: {  	(v2sf) =	vpush v18, $0x1;
	_ =	sdelay $0x1  }
0x27: {  	(v2sf) =	vpush v19, $0x1;
	_ =	sdelay $0x1  }
0x28: {  	(v2sf) =	vpush v18, $0x2  }
0x29: {  	(v2sf) =	vpush v19, $0x2;
	_ =	sdelay $0x3  }
0x2a: {  	(v2sf) =	vpush v18, $0x3;
	_ =	sdelay $0x1  }
0x2b: {  	(v2sf) =	vpush v19, $0x3;
	_ =	sdelay $0x1  }
0x2c: {  	(v2sf) =	vpush v18, $0x4;
	s20 =	spop (v2sf)  }
0x2d: {  	[dreg:$0xd] =	wrdreg s0;
	s22 =	sand.u32 $0xFFFFF80, s20;
	s19 =	spop (v2sf)  }
0x2e: {  	s0 =	sadd.s32 s16, s22;
	s23 =	sand.u32 $0xFFFFF80, s19;
	s18 =	spop (v2sf)  }
0x2f: {  	[tilespmem:s12], [sflag:$0x2] =	stream.strided.gather [hbm4b:s0+s12], $0x1000, s26, s12, $0x38;
	[tilespmem:$0x18400] =	vst v63  }
0x30: {  	s0 =	sadd.s32 s1, s23;
	s24 =	sand.u32 $0xFFFFF80, s18;
	s17 =	spop (v2sf);
	(v2sf) =	vpush v19, $0x4  }
0x31: {  	[tilespmem:s13], [sflag:$0x2] =	stream.strided.gather [hbm4b:s0+s12], $0x1000, s26, s12, $0x38;
	[tilespmem:$0x18400] =	vst v63  }
0x32: {  	s7 =	smov.u32 s16;
	s0 =	sadd.s32 s16, s24;
	s16 =	spop (v2sf);
	(v2sf) =	vpush v18, $0x5  }
0x33: {  	[dreg:$0xc] =	wrdreg s6;
	s28 =	sand.u32 $0xFFFFF80, s17;
	(v2sf) =	vpush v19, $0x5;
	s15 =	spop (v2sf)  }
0x34: {  	[tilespmem:s14], [sflag:$0x2] =	stream.strided.gather [hbm4b:s0+s12], $0x1000, s26, s12, $0x38;
	[tilespmem:$0x18400] =	vst v63  }
0x35: {  	s3 =	sand.u32 $0xFFFFF80, s16;
	s0 =	sadd.s32 s1, s28;
	(v2sf) =	vpush v18, $0x6;
	s6 =	sand.u32 $0xFFFFF80, s15  }
0x36: {  	(v2sf) =	vpush v19, $0x6;
	[tilespmem:s21], [sflag:$0x2] =	stream.strided.gather [hbm4b:s0+s12], $0x1000, s26, s12, $0x38;
	[tilespmem:$0x18400] =	vst v63  }
0x37: {  	s14 =	spop (v2sf);
	s0 =	sadd.s32 s7, s3;
	s3 =	simm.s32 $0x2400  }
0x38: {  	(v2sf) =	vpush v18, $0x7;
	[tilespmem:s3], [sflag:$0x2] =	stream.strided.gather [hbm4b:s0+s12], $0x1000, s26, s12, $0x38;
	[tilespmem:$0x18400] =	vst v63  }
0x39: {  	s11 =	sand.u32 $0xFFFFF80, s14;
	(v2sf) =	vpush v19, $0x7;
	s0 =	sadd.s32 s1, s6;
	s6 =	spop (v2sf)  }
0x3a: {  	[tilespmem:s4], [sflag:$0x2] =	stream.strided.gather [hbm4b:s0+s12], $0x1000, s26, s12, $0x38;
	[tilespmem:$0x18400] =	vst v63  }
0x3b: {  	(v2sf) =	vpush v18, $0x8;
	s22 =	sand.u32 $0xFFFFF80, s6;
	s28 =	spop (v2sf);
	s0 =	sadd.s32 s7, s11  }
0x3c: {  	(v2sf) =	vpush v19, $0x8;
	[tilespmem:s5], [sflag:$0x2] =	stream.strided.gather [hbm4b:s0+s12], $0x1000, s26, s12, $0x38;
	[tilespmem:$0x18400] =	vst v63  }
0x3d: {  	s24 =	sand.u32 $0xFFFFF80, s28;
	s0 =	sadd.s32 s1, s22  }
0x3e: {  	(v2sf) =	vpush v18, $0x9;
	[tilespmem:s9], [sflag:$0x2] =	stream.strided.gather [hbm4b:s0+s12], $0x1000, s26, s12, $0x38;
	[tilespmem:$0x18400] =	vst v63  }
0x3f: {  	s0 =	sadd.s32 s7, s24;
	s23 =	spop (v2sf)  }
0x40: {  	(v2sf) =	vpush v19, $0x9;
	[tilespmem:s25], [sflag:$0x3] =	stream.strided.gather [hbm4b:s0+s12], $0x1000, s26, s12, $0x38;
	[tilespmem:$0x18400] =	vst v63  }
0x41: {  	s21 =	simm.s32 $0x5400;
	s22 =	sand.u32 $0xFFFFF80, s23;
	s11 =	spop (v2sf)  }
0x42: {  	s3 =	simm.s32 $0xD400;
	s22 =	sadd.s32 s1, s22;
	s25 =	spop (v2sf)  }
0x43: {  	(v2sf) =	vpush v18, $0xA;
	[tilespmem:s10], [sflag:$0x3] =	stream.strided.gather [hbm4b:s22+s12], $0x1000, s26, s12, $0x38;
	[tilespmem:$0x18400] =	vst v63  }
0x44: {  	s4 =	simm.s32 $0xE400;
	(v2sf) =	vpush v19, $0xA;
	s10 =	sand.u32 $0xFFFFF80, s11;
	s0 =	spop (v2sf)  }
0x45: {  	[dreg:$0x1d] =	wrdreg s23;
	(v2sf) =	vpush v18, $0xB;
	s22 =	sadd.s32 s7, s10;
	s9 =	spop (v2sf)  }
0x46: {  	(v2sf) =	vpush v19, $0xB;
	[tilespmem:s21], [sflag:$0x3] =	stream.strided.gather [hbm4b:s22+s12], $0x1000, s26, s12, $0x38;
	[tilespmem:$0x18400] =	vst v63  }
0x47: {  	[dreg:$0x1c] =	wrdreg s11;
	s21 =	sand.u32 $0xFFFFF80, s25;
	s11 =	spop (v2sf);
	(v2sf) =	vpush v18, $0xC  }
0x48: {  	[dreg:$0x18] =	wrdreg s9;
	s22 =	sadd.s32 s1, s21;
	s24 =	spop (v2sf);
	(v2sf) =	vpush v19, $0xC  }
0x49: {  	[tilespmem:s3], [sflag:$0x3] =	stream.strided.gather [hbm4b:s22+s12], $0x1000, s26, s12, $0x38;
	[tilespmem:$0x18400] =	vst v63  }
0x4a: {  	s9 =	sand.u32 $0xFFFFF80, s9;
	s3 =	sand.u32 $0xFFFFF80, s0;
	s23 =	spop (v2sf);
	(v2sf) =	vpush v18, $0xD  }
0x4b: {  	s22 =	simm.s32 $0x6400;
	s21 =	sadd.s32 s7, s3;
	(v2sf) =	vpush v19, $0xD;
	s10 =	spop (v2sf)  }
0x4c: {  	[tilespmem:s22], [sflag:$0x3] =	stream.strided.gather [hbm4b:s21+s12], $0x1000, s26, s12, $0x38;
	(v2sf) =	vpush v18, $0xE;
	[tilespmem:$0x18400] =	vst v63  }
0x4d: {  	[dreg:$0x19] =	wrdreg s0;
	s21 =	sadd.s32 s1, s9;
	s5 =	spop (v2sf);
	(v2sf) =	vpush v19, $0xE  }
0x4e: {  	[tilespmem:s4], [sflag:$0x3] =	stream.strided.gather [hbm4b:s21+s12], $0x1000, s26, s12, $0x38;
	(v2sf) =	vpush v18, $0xF;
	[tilespmem:$0x18400] =	vst v63  }
0x4f: {  	[dreg:$0x17] =	wrdreg s11;
	s11 =	sand.u32 $0xFFFFF80, s11;
	s0 =	spop (v2sf);
	(v2sf) =	vpush v19, $0xF  }
0x50: {  	[dreg:$0x15] =	wrdreg s24;
	s4 =	simm.s32 $0x7400;
	s21 =	sadd.s32 s7, s11  }
0x51: {  	[tilespmem:s4], [sflag:$0x3] =	stream.strided.gather [hbm4b:s21+s12], $0x1000, s26, s12, $0x38;
	[tilespmem:$0x18400] =	vst v63  }
0x52: {  	[smem:$0x7FD] =	sst s10;
	s22 =	spop (v2sf)  }
0x53: {  	[dreg:$0x1f] =	wrdreg s5;
	s9 =	spop (v2sf)  }
0x54: {  	[dreg:$0x1e] =	wrdreg s0;
	s3 =	spop (v2sf)  }
0x55: {  	s21 =	sand.u32 $0xFFFFF80, s24;
	[dreg:$0x1b] =	wrdreg s9;
	s4 =	spop (v2sf)  }
0x56: {  	s21 =	sadd.s32 s1, s21;
	[dreg:$0x1a] =	wrdreg s3;
	s24 =	spop (v2sf)  }
0x57: {  	[dreg:$0x14] =	wrdreg s24;
	s24 =	simm.s32 $0xF400;
	s11 =	spop (v2sf)  }
0x58: {  	[tilespmem:s24], [sflag:$0x3] =	stream.strided.gather [hbm4b:s21+s12], $0x1000, s26, s12, $0x38;
	[tilespmem:$0x18400] =	vst v63  }
0x59: {  	[dreg:$0x16] =	wrdreg s4;
	s24 =	spop (v2sf)  }
0x5a: {  	[dreg:$0x13] =	wrdreg s24;
	s24 =	spop (v2sf)  }
0x5b: {  	[dreg:$0x12] =	wrdreg s24;
	s24 =	spop (v2sf)  }
0x5c: {  	[dreg:$0x11] =	wrdreg s24;
	s24 =	spop (v2sf)  }
0x5d: {  	[dreg:$0x10] =	wrdreg s24;
	s24 =	spop (v2sf)  }
0x5e: {  	[dreg:$0xf] =	wrdreg s24;
	s24 =	spop (v2sf)  }
0x5f: {  	[dreg:$0xe] =	wrdreg s24  }
0x60: {  	_ =	swait.ge [sflag:s29], $0x1000  }
0x61: {  	[sflag:s29] =	ssyncset.done $0x0  }
0x62: {  	[sflag:s29] =	ssyncadd.s32 $0xFFFFF000  }
0x63: {  	_ =	swait.ge [sflag:s29], $0x1000  }
0x64: {  	[sflag:s29] =	ssyncset.done $0x0  }
0x65: {  	[sflag:s29] =	ssyncadd.s32 $0xFFFFF000  }
0x66: {  	_ =	swait.ge [sflag:s29], $0x1000  }
0x67: {  	[sflag:s29] =	ssyncset.done $0x0  }
0x68: {  	[sflag:s29] =	ssyncadd.s32 $0xFFFFF000  }
0x69: {  	_ =	swait.ge [sflag:s29], $0x1000  }
0x6a: {  	[sflag:s29] =	ssyncset.done $0x0  }
0x6b: {  	[sflag:s29] =	ssyncadd.s32 $0xFFFFF000  }
0x6c: {  	_ =	swait.ge [sflag:s29], $0x1000  }
0x6d: {  	[sflag:s29] =	ssyncset.done $0x0  }
0x6e: {  	[sflag:s29] =	ssyncadd.s32 $0xFFFFF000  }
0x6f: {  	_ =	swait.ge [sflag:s29], $0x1000  }
0x70: {  	[sflag:s29] =	ssyncset.done $0x0  }
0x71: {  	[sflag:s29] =	ssyncadd.s32 $0xFFFFF000  }
0x72: {  	s20 =	sand.u32 $0x7F, s20;
	_ =	swait.ge [sflag:s29], $0x1000  }
0x73: {  	v18 =	vor.u32 s20, v0;
	s24 =	sadd.s32 $0xFFFFFFF1, s8;
	[sflag:s29] =	ssyncset.done $0x0  }
0x74: {  	v19 =	vmov s24;
	[sflag:s29] =	ssyncadd.s32 $0xFFFFF000  }
0x75: {  	v20 =	vshll.u32 v19, $0x3;
	_ =	swait.ge [sflag:s29], $0x1000  }
0x76: {  	v19 =	vand.u32 $0x70, v19;
	v20 =	vand.u32 $0xC00, v20;
	[sflag:s29] =	ssyncset.done $0x0  }
0x77: {  	v19 =	vor.u32 v19, v20;
	[sflag:s29] =	ssyncadd.s32 $0xFFFFF000  }
0x78: {  	v20 =	vor.u32 v1, v19;
	v18 =	vld.idx.msk [tilespmem:v18+s12+$0x0], $0xffff  }
0x79: {  	v21 =	vor.u32 s20, v2;
	_ =	sdelay $0x3  }
0x7a: {  	[tilespmem:v20+s30+$0x0] =	vst.idx.msk $0xffff, v18  }
0x7b: {  	s19 =	sand.u32 $0x7F, s19;
	v19 =	vor.u32 v3, v19;
	v18 =	vld.idx.msk [tilespmem:v21+s12+$0x0], $0xffff  }
0x7c: {  	v47 =	vor.u32 s19, v0;
	_ =	sdelay $0x3  }
0x7d: {  	[tilespmem:v19+s30+$0x0] =	vst.idx.msk $0xffff, v18  }
0x7e: {  	v18 =	vld.idx.msk [tilespmem:v47+s13+$0x0], $0xffff  }
0x7f: {  	v48 =	vor.u32 s19, v2;
	_ =	sdelay $0x3  }
0x80: {  	[tilespmem:v20+s31+$0x0] =	vst.idx.msk $0xffff, v18  }
0x81: {  	s18 =	sand.u32 $0x7F, s18;
	v18 =	vld.idx.msk [tilespmem:v48+s13+$0x0], $0xffff  }
0x82: {  	v49 =	vor.u32 s18, v4;
	s20 =	sadd.s32 $0xFFFFFFF2, s8  }
0x83: {  	v50 =	vmov s20  }
0x84: {  	v22 =	vshll.u32 v50, $0x3  }
0x85: {  	v22 =	vand.u32 $0xC00, v22;
	v21 =	vand.u32 $0x71, v50  }
0x86: {  	[tilespmem:v19+s31+$0x0] =	vst.idx.msk $0xffff, v18;
	v18 =	vor.u32 v21, v22  }
0x87: {  	v19 =	vld.idx.msk [tilespmem:v49+s12+$0x0], $0xffff;
	v51 =	vor.u32 v1, v18  }
0x88: {  	v52 =	vor.u32 s18, v5;
	_ =	sdelay $0x3  }
0x89: {  	[tilespmem:v51+s30+$0x0] =	vst.idx.msk $0xffff, v19  }
0x8a: {  	s17 =	sand.u32 $0x7F, s17;
	v18 =	vor.u32 v3, v18;
	v19 =	vld.idx.msk [tilespmem:v52+s12+$0x0], $0xffff  }
0x8b: {  	v53 =	vor.u32 s17, v4;
	_ =	sdelay $0x3  }
0x8c: {  	[tilespmem:v18+s30+$0x0] =	vst.idx.msk $0xffff, v19  }
0x8d: {  	v19 =	vld.idx.msk [tilespmem:v53+s13+$0x0], $0xffff  }
0x8e: {  	v54 =	vor.u32 s17, v5;
	_ =	sdelay $0x3  }
0x8f: {  	[tilespmem:v51+s31+$0x0] =	vst.idx.msk $0xffff, v19  }
0x90: {  	s16 =	sand.u32 $0x7F, s16;
	v19 =	vld.idx.msk [tilespmem:v54+s13+$0x0], $0xffff  }
0x91: {  	v55 =	vor.u32 s16, v6;
	s21 =	sadd.s32 $0xFFFFFFF3, s8  }
0x92: {  	v56 =	vmov s21  }
0x93: {  	v57 =	vshll.u32 v56, $0x3  }
0x94: {  	v21 =	vand.u32 $0x72, v56;
	v22 =	vand.u32 $0xC00, v57  }
0x95: {  	[tilespmem:v18+s31+$0x0] =	vst.idx.msk $0xffff, v19;
	v18 =	vor.u32 v21, v22  }
0x96: {  	v19 =	vld.idx.msk [tilespmem:v55+s12+$0x0], $0xffff;
	v58 =	vor.u32 v1, v18  }
0x97: {  	v59 =	vor.u32 s16, v7;
	_ =	sdelay $0x3  }
0x98: {  	[tilespmem:v58+s30+$0x0] =	vst.idx.msk $0xffff, v19  }
0x99: {  	s15 =	sand.u32 $0x7F, s15;
	v18 =	vor.u32 v3, v18;
	v19 =	vld.idx.msk [tilespmem:v59+s12+$0x0], $0xffff  }
0x9a: {  	v60 =	vor.u32 s15, v6;
	_ =	sdelay $0x3  }
0x9b: {  	[tilespmem:v18+s30+$0x0] =	vst.idx.msk $0xffff, v19  }
0x9c: {  	v19 =	vld.idx.msk [tilespmem:v60+s13+$0x0], $0xffff  }
0x9d: {  	v61 =	vor.u32 s15, v7;
	_ =	sdelay $0x3  }
0x9e: {  	[tilespmem:v58+s31+$0x0] =	vst.idx.msk $0xffff, v19  }
0x9f: {  	s14 =	sand.u32 $0x7F, s14;
	v19 =	vld.idx.msk [tilespmem:v61+s13+$0x0], $0xffff  }
0xa0: {  	s16 =	sadd.s32 $0xFFFFFFF4, s8;
	v62 =	vor.u32 s14, v8  }
0xa1: {  	v63 =	vmov s16  }
0xa2: {  	v24 =	vshll.u32 v63, $0x3  }
0xa3: {  	v21 =	vand.u32 $0x73, v63;
	v22 =	vand.u32 $0xC00, v24  }
0xa4: {  	[tilespmem:v18+s31+$0x0] =	vst.idx.msk $0xffff, v19;
	v18 =	vor.u32 v21, v22  }
0xa5: {  	v19 =	vld.idx.msk [tilespmem:v62+s12+$0x0], $0xffff;
	v25 =	vor.u32 v1, v18  }
0xa6: {  	v26 =	vor.u32 s14, v9;
	_ =	sdelay $0x3  }
0xa7: {  	[tilespmem:v25+s30+$0x0] =	vst.idx.msk $0xffff, v19  }
0xa8: {  	s6 =	sand.u32 $0x7F, s6;
	v18 =	vor.u32 v3, v18;
	v19 =	vld.idx.msk [tilespmem:v26+s12+$0x0], $0xffff  }
0xa9: {  	v27 =	vor.u32 s6, v8;
	_ =	sdelay $0x3  }
0xaa: {  	[tilespmem:v18+s30+$0x0] =	vst.idx.msk $0xffff, v19  }
0xab: {  	v19 =	vld.idx.msk [tilespmem:v27+s13+$0x0], $0xffff  }
0xac: {  	v28 =	vor.u32 s6, v9;
	_ =	sdelay $0x3  }
0xad: {  	[tilespmem:v25+s31+$0x0] =	vst.idx.msk $0xffff, v19  }
0xae: {  	v19 =	vld.idx.msk [tilespmem:v28+s13+$0x0], $0xffff;
	_ =	sdelay $0x3  }
0xaf: {  	s17 =	sand.u32 $0xFFFFF80, s23  }
0xb0: {  	s6 =	sadd.s32 s7, s17;
	s18 =	sand.u32 $0xFFFFF80, s10;
	[tilespmem:v18+s31+$0x0] =	vst.idx.msk $0xffff, v19  }
0xb1: {  	[tilespmem:s12], [sflag:$0x2] =	stream.strided.gather [hbm4b:s6+s12], $0x1000, s26, s12, $0x38;
	[tilespmem:$0x18400] =	vst v63  }
0xb2: {  	s14 =	simm.s32 $0x1400;
	s19 =	sand.u32 $0xFFFFF80, s5;
	s6 =	sadd.s32 s1, s18  }
0xb3: {  	[tilespmem:s13], [sflag:$0x2] =	stream.strided.gather [hbm4b:s6+s12], $0x1000, s26, s12, $0x38;
	[tilespmem:$0x18400] =	vst v63  }
0xb4: {  	s15 =	smov.u32 s23;
	s20 =	sand.u32 $0xFFFFF80, s0;
	s6 =	sadd.s32 s7, s19  }
0xb5: {  	[tilespmem:s14], [sflag:$0x2] =	stream.strided.gather [hbm4b:s6+s12], $0x1000, s26, s12, $0x38;
	[tilespmem:$0x18400] =	vst v63  }
0xb6: {  	s23 =	sand.u32 $0xFFFFF80, s22;
	s21 =	simm.s32 $0x9400;
	s6 =	sadd.s32 s1, s20  }
0xb7: {  	[tilespmem:s21], [sflag:$0x2] =	stream.strided.gather [hbm4b:s6+s12], $0x1000, s26, s12, $0x38;
	[tilespmem:$0x18400] =	vst v63  }
0xb8: {  	s24 =	simm.s32 $0x2400;
	s6 =	sadd.s32 s7, s23  }
0xb9: {  	[tilespmem:s24], [sflag:$0x2] =	stream.strided.gather [hbm4b:s6+s12], $0x1000, s26, s12, $0x38;
	[tilespmem:$0x18400] =	vst v63  }
0xba: {  	s24 =	sand.u32 $0xFFFFF80, s9  }
0xbb: {  	s0 =	simm.s32 $0xA400;
	s3 =	sand.u32 $0xFFFFF80, s3;
	s6 =	sadd.s32 s1, s24  }
0xbc: {  	[tilespmem:s0], [sflag:$0x2] =	stream.strided.gather [hbm4b:s6+s12], $0x1000, s26, s12, $0x38;
	[tilespmem:$0x18400] =	vst v63  }
0xbd: {  	s5 =	simm.s32 $0x3400;
	s9 =	sand.u32 $0xFFFFF80, s4;
	s6 =	sadd.s32 s7, s3  }
0xbe: {  	[tilespmem:s5], [sflag:$0x2] =	stream.strided.gather [hbm4b:s6+s12], $0x1000, s26, s12, $0x38;
	[tilespmem:$0x18400] =	vst v63  }
0xbf: {  	s10 =	simm.s32 $0xB400;
	s6 =	sadd.s32 s1, s9  }
0xc0: {  	[tilespmem:s10], [sflag:$0x2] =	stream.strided.gather [hbm4b:s6+s12], $0x1000, s26, s12, $0x38;
	[tilespmem:$0x18400] =	vst v63  }
0xc1: {  	_ =	swait.ge [sflag:s2], $0x1000  }
0xc2: {  	[sflag:s2] =	ssyncset.done $0x0  }
0xc3: {  	[sflag:s2] =	ssyncadd.s32 $0xFFFFF000  }
0xc4: {  	_ =	swait.ge [sflag:s2], $0x1000  }
0xc5: {  	[sflag:s2] =	ssyncset.done $0x0  }
0xc6: {  	[sflag:s2] =	ssyncadd.s32 $0xFFFFF000  }
0xc7: {  	_ =	swait.ge [sflag:s2], $0x1000  }
0xc8: {  	[sflag:s2] =	ssyncset.done $0x0  }
0xc9: {  	[sflag:s2] =	ssyncadd.s32 $0xFFFFF000  }
0xca: {  	_ =	swait.ge [sflag:s2], $0x1000  }
0xcb: {  	[sflag:s2] =	ssyncset.done $0x0  }
0xcc: {  	[sflag:s2] =	ssyncadd.s32 $0xFFFFF000  }
0xcd: {  	_ =	swait.ge [sflag:s2], $0x1000  }
0xce: {  	[sflag:s2] =	ssyncset.done $0x0  }
0xcf: {  	[sflag:s2] =	ssyncadd.s32 $0xFFFFF000  }
0xd0: {  	_ =	swait.ge [sflag:s2], $0x1000  }
0xd1: {  	[sflag:s2] =	ssyncset.done $0x0  }
0xd2: {  	[sflag:s2] =	ssyncadd.s32 $0xFFFFF000  }
0xd3: {  	s17 =	sand.u32 $0x7F, s28;
	_ =	swait.ge [sflag:s2], $0x1000  }
0xd4: {  	v18 =	vor.u32 s17, v10;
	s18 =	sadd.s32 $0xFFFFFFF5, s8;
	[sflag:s2] =	ssyncset.done $0x0  }
0xd5: {  	v19 =	vmov s18;
	[sflag:s2] =	ssyncadd.s32 $0xFFFFF000  }
0xd6: {  	v29 =	vshll.u32 v19, $0x3;
	_ =	swait.ge [sflag:s2], $0x1000  }
0xd7: {  	v19 =	vand.u32 $0x74, v19;
	v20 =	vand.u32 $0xC00, v29;
	[sflag:s2] =	ssyncset.done $0x0  }
0xd8: {  	v19 =	vor.u32 v19, v20;
	[sflag:s2] =	ssyncadd.s32 $0xFFFFF000  }
0xd9: {  	v20 =	vor.u32 v1, v19;
	v18 =	vld.idx.msk [tilespmem:v18+s12+$0x0], $0xffff  }
0xda: {  	v30 =	vor.u32 s17, v11;
	_ =	sdelay $0x3  }
0xdb: {  	s19 =	rddreg [dreg:$0x1d];
	[tilespmem:v20+s30+$0x0] =	vst.idx.msk $0xffff, v18  }
0xdc: {  	v19 =	vor.u32 v3, v19;
	s20 =	sand.u32 $0x7F, s19;
	v18 =	vld.idx.msk [tilespmem:v30+s12+$0x0], $0xffff  }
0xdd: {  	v31 =	vor.u32 s20, v10;
	_ =	sdelay $0x3  }
0xde: {  	[tilespmem:v19+s30+$0x0] =	vst.idx.msk $0xffff, v18  }
0xdf: {  	v18 =	vld.idx.msk [tilespmem:v31+s13+$0x0], $0xffff  }
0xe0: {  	v32 =	vor.u32 s20, v11;
	_ =	sdelay $0x3  }
0xe1: {  	s23 =	rddreg [dreg:$0x1c];
	[tilespmem:v20+s31+$0x0] =	vst.idx.msk $0xffff, v18  }
0xe2: {  	s24 =	sand.u32 $0x7F, s23;
	v18 =	vld.idx.msk [tilespmem:v32+s13+$0x0], $0xffff  }
0xe3: {  	s28 =	sadd.s32 $0xFFFFFFF6, s8;
	v33 =	vor.u32 s24, v12  }
0xe4: {  	v34 =	vmov s28  }
0xe5: {  	v35 =	vshll.u32 v34, $0x3  }
0xe6: {  	v21 =	vand.u32 $0x75, v34;
	v22 =	vand.u32 $0xC00, v35  }
0xe7: {  	[tilespmem:v19+s31+$0x0] =	vst.idx.msk $0xffff, v18;
	v18 =	vor.u32 v21, v22  }
0xe8: {  	v19 =	vld.idx.msk [tilespmem:v33+s12+$0x0], $0xffff;
	v36 =	vor.u32 v1, v18  }
0xe9: {  	v37 =	vor.u32 s24, v13;
	_ =	sdelay $0x3  }
0xea: {  	[tilespmem:v36+s30+$0x0] =	vst.idx.msk $0xffff, v19  }
0xeb: {  	s0 =	sand.u32 $0x7F, s25;
	v18 =	vor.u32 v3, v18;
	v19 =	vld.idx.msk [tilespmem:v37+s12+$0x0], $0xffff  }
0xec: {  	v38 =	vor.u32 s0, v12;
	_ =	sdelay $0x3  }
0xed: {  	[tilespmem:v18+s30+$0x0] =	vst.idx.msk $0xffff, v19  }
0xee: {  	v19 =	vld.idx.msk [tilespmem:v38+s13+$0x0], $0xffff  }
0xef: {  	v39 =	vor.u32 s0, v13;
	_ =	sdelay $0x3  }
0xf0: {  	s10 =	rddreg [dreg:$0x19];
	[tilespmem:v36+s31+$0x0] =	vst.idx.msk $0xffff, v19  }
0xf1: {  	s0 =	sand.u32 $0x7F, s10;
	v19 =	vld.idx.msk [tilespmem:v39+s13+$0x0], $0xffff  }
0xf2: {  	s17 =	sadd.s32 $0xFFFFFFF7, s8;
	v40 =	vor.u32 s0, v14  }
0xf3: {  	v41 =	vmov s17  }
0xf4: {  	v42 =	vshll.u32 v41, $0x3  }
0xf5: {  	v21 =	vand.u32 $0x76, v41;
	v22 =	vand.u32 $0xC00, v42  }
0xf6: {  	[tilespmem:v18+s31+$0x0] =	vst.idx.msk $0xffff, v19;
	v18 =	vor.u32 v21, v22  }
0xf7: {  	v19 =	vld.idx.msk [tilespmem:v40+s12+$0x0], $0xffff;
	v43 =	vor.u32 v1, v18  }
0xf8: {  	v44 =	vor.u32 s0, v15;
	_ =	sdelay $0x3  }
0xf9: {  	s18 =	rddreg [dreg:$0x18];
	[tilespmem:v43+s30+$0x0] =	vst.idx.msk $0xffff, v19  }
0xfa: {  	s0 =	sand.u32 $0x7F, s18;
	v18 =	vor.u32 v3, v18;
	v19 =	vld.idx.msk [tilespmem:v44+s12+$0x0], $0xffff  }
0xfb: {  	v45 =	vor.u32 s0, v14;
	_ =	sdelay $0x3  }
0xfc: {  	[tilespmem:v18+s30+$0x0] =	vst.idx.msk $0xffff, v19  }
0xfd: {  	v19 =	vld.idx.msk [tilespmem:v45+s13+$0x0], $0xffff  }
0xfe: {  	v46 =	vor.u32 s0, v15;
	_ =	sdelay $0x3  }
0xff: {  	s19 =	rddreg [dreg:$0x17];
	[tilespmem:v43+s31+$0x0] =	vst.idx.msk $0xffff, v19  }
0x100: {  	s0 =	sand.u32 $0x7F, s19;
	v19 =	vld.idx.msk [tilespmem:v46+s13+$0x0], $0xffff  }
0x101: {  	s20 =	sadd.s32 $0xFFFFFFF8, s8;
	v47 =	vor.u32 s0, v16  }
0x102: {  	v48 =	vmov s20  }
0x103: {  	v49 =	vshll.u32 v48, $0x3  }
0x104: {  	v21 =	vand.u32 $0x77, v48;
	v22 =	vand.u32 $0xC00, v49  }
0x105: {  	[tilespmem:v18+s31+$0x0] =	vst.idx.msk $0xffff, v19;
	v18 =	vor.u32 v21, v22  }
0x106: {  	v19 =	vld.idx.msk [tilespmem:v47+s12+$0x0], $0xffff;
	v50 =	vor.u32 v1, v18  }
0x107: {  	v51 =	vor.u32 s0, v17;
	_ =	sdelay $0x3  }
0x108: {  	s23 =	rddreg [dreg:$0x15];
	[tilespmem:v50+s30+$0x0] =	vst.idx.msk $0xffff, v19  }
0x109: {  	s0 =	sand.u32 $0x7F, s23;
	v18 =	vor.u32 v3, v18;
	v19 =	vld.idx.msk [tilespmem:v51+s12+$0x0], $0xffff  }
0x10a: {  	v52 =	vor.u32 s0, v16;
	_ =	sdelay $0x3  }
0x10b: {  	[tilespmem:v18+s30+$0x0] =	vst.idx.msk $0xffff, v19  }
0x10c: {  	v19 =	vld.idx.msk [tilespmem:v52+s13+$0x0], $0xffff  }
0x10d: {  	v53 =	vor.u32 s0, v17;
	_ =	sdelay $0x3  }
0x10e: {  	[tilespmem:v50+s31+$0x0] =	vst.idx.msk $0xffff, v19  }
0x10f: {  	v19 =	vld.idx.msk [tilespmem:v53+s13+$0x0], $0xffff;
	_ =	sdelay $0x2  }
0x110: {  	s23 =	rddreg [dreg:$0x14]  }
0x111: {  	s28 =	sand.u32 $0xFFFFF80, s11;
	s25 =	simm.s32 $0x4400;
	s24 =	sand.u32 $0xFFFFF80, s23  }
0x112: {  	s10 =	simm.s32 $0xC400;
	s20 =	rddreg [dreg:$0x13];
	s0 =	sadd.s32 s7, s24;
	[tilespmem:v18+s31+$0x0] =	vst.idx.msk $0xffff, v19  }
0x113: {  	[tilespmem:s25], [sflag:$0x3] =	stream.strided.gather [hbm4b:s0+s12], $0x1000, s26, s12, $0x38;
	[tilespmem:$0x18400] =	vst v63  }
0x114: {  	s19 =	rddreg [dreg:$0x12];
	s3 =	sand.u32 $0xFFFFF80, s20;
	s0 =	sadd.s32 s1, s28  }
0x115: {  	[tilespmem:s10], [sflag:$0x3] =	stream.strided.gather [hbm4b:s0+s12], $0x1000, s26, s12, $0x38;
	[tilespmem:$0x18400] =	vst v63  }
0x116: {  	s6 =	simm.s32 $0x5400;
	s18 =	sand.u32 $0xFFFFF80, s19;
	s0 =	sadd.s32 s7, s3  }
0x117: {  	[tilespmem:s6], [sflag:$0x3] =	stream.strided.gather [hbm4b:s0+s12], $0x1000, s26, s12, $0x38;
	[tilespmem:$0x18400] =	vst v63  }
0x118: {  	s17 =	simm.s32 $0xD400;
	s0 =	sadd.s32 s1, s18  }
0x119: {  	[tilespmem:s17], [sflag:$0x3] =	stream.strided.gather [hbm4b:s0+s12], $0x1000, s26, s12, $0x38;
	[tilespmem:$0x18400] =	vst v63  }
0x11a: {  	s17 =	rddreg [dreg:$0x11]  }
0x11b: {  	s16 =	smov.u32 s7;
	s24 =	sand.u32 $0xFFFFF80, s17  }
0x11c: {  	s28 =	simm.s32 $0x6400;
	s0 =	sadd.s32 s7, s24;
	s7 =	rddreg [dreg:$0x10]  }
0x11d: {  	[tilespmem:s28], [sflag:$0x3] =	stream.strided.gather [hbm4b:s0+s12], $0x1000, s26, s12, $0x38;
	[tilespmem:$0x18400] =	vst v63  }
0x11e: {  	s3 =	sand.u32 $0xFFFFF80, s7;
	s28 =	rddreg [dreg:$0xf]  }
0x11f: {  	s6 =	simm.s32 $0xE400;
	s0 =	sadd.s32 s1, s3;
	s18 =	sand.u32 $0xFFFFF80, s28  }
0x120: {  	[tilespmem:s6], [sflag:$0x3] =	stream.strided.gather [hbm4b:s0+s12], $0x1000, s26, s12, $0x38;
	[tilespmem:$0x18400] =	vst v63  }
0x121: {  	s24 =	simm.s32 $0x7400;
	s0 =	sadd.s32 s16, s18;
	s18 =	rddreg [dreg:$0xe]  }
0x122: {  	[tilespmem:s24], [sflag:$0x3] =	stream.strided.gather [hbm4b:s0+s12], $0x1000, s26, s12, $0x38;
	[tilespmem:$0x18400] =	vst v63  }
0x123: {  	s24 =	sand.u32 $0xFFFFF80, s18  }
0x124: {  	s3 =	simm.s32 $0xF400;
	s0 =	sadd.s32 s1, s24  }
0x125: {  	[tilespmem:s3], [sflag:$0x3] =	stream.strided.gather [hbm4b:s0+s12], $0x1000, s26, s12, $0x38;
	[tilespmem:$0x18400] =	vst v63  }
0x126: {  	s6 =	rddreg [dreg:$0xc];
	_ =	swait.ge [sflag:s29], $0x1000  }
0x127: {  	[sflag:s29] =	ssyncset.done $0x0  }
0x128: {  	[sflag:s29] =	ssyncadd.s32 $0xFFFFF000  }
0x129: {  	_ =	swait.ge [sflag:s29], $0x1000  }
0x12a: {  	[sflag:s29] =	ssyncset.done $0x0  }
0x12b: {  	[sflag:s29] =	ssyncadd.s32 $0xFFFFF000  }
0x12c: {  	_ =	swait.ge [sflag:s29], $0x1000  }
0x12d: {  	[sflag:s29] =	ssyncset.done $0x0  }
0x12e: {  	[sflag:s29] =	ssyncadd.s32 $0xFFFFF000  }
0x12f: {  	_ =	swait.ge [sflag:s29], $0x1000  }
0x130: {  	[sflag:s29] =	ssyncset.done $0x0  }
0x131: {  	[sflag:s29] =	ssyncadd.s32 $0xFFFFF000  }
0x132: {  	_ =	swait.ge [sflag:s29], $0x1000  }
0x133: {  	[sflag:s29] =	ssyncset.done $0x0  }
0x134: {  	[sflag:s29] =	ssyncadd.s32 $0xFFFFF000  }
0x135: {  	_ =	swait.ge [sflag:s29], $0x1000  }
0x136: {  	[sflag:s29] =	ssyncset.done $0x0  }
0x137: {  	[sflag:s29] =	ssyncadd.s32 $0xFFFFF000  }
0x138: {  	s15 =	sand.u32 $0x7F, s15;
	_ =	swait.ge [sflag:s29], $0x1000  }
0x139: {  	v18 =	vor.u32 s15, v0;
	s24 =	sadd.s32 $0xFFFFFFF9, s8;
	[sflag:s29] =	ssyncset.done $0x0  }
0x13a: {  	v19 =	vmov s24;
	[sflag:s29] =	ssyncadd.s32 $0xFFFFF000  }
0x13b: {  	v54 =	vshll.u32 v19, $0x3;
	_ =	swait.ge [sflag:s29], $0x1000  }
0x13c: {  	v19 =	vand.u32 $0x78, v19;
	v20 =	vand.u32 $0xC00, v54;
	[sflag:s29] =	ssyncset.done $0x0  }
0x13d: {  	v19 =	vor.u32 v19, v20;
	[sflag:s29] =	ssyncadd.s32 $0xFFFFF000  }
0x13e: {  	v20 =	vor.u32 v1, v19;
	v18 =	vld.idx.msk [tilespmem:v18+s12+$0x0], $0xffff  }
0x13f: {  	v55 =	vor.u32 s15, v2;
	_ =	sdelay $0x1  }
0x140: {  	s3 =	sld [smem:$0x7FD];
	_ =	sdelay $0x1  }
0x141: {  	[tilespmem:v20+s30+$0x0] =	vst.idx.msk $0xffff, v18  }
0x142: {  	v19 =	vor.u32 v3, v19;
	s0 =	sand.u32 $0x7F, s3;
	v18 =	vld.idx.msk [tilespmem:v55+s12+$0x0], $0xffff  }
0x143: {  	v56 =	vor.u32 s0, v0;
	_ =	sdelay $0x3  }
0x144: {  	[tilespmem:v19+s30+$0x0] =	vst.idx.msk $0xffff, v18  }
0x145: {  	v18 =	vld.idx.msk [tilespmem:v56+s13+$0x0], $0xffff  }
0x146: {  	v57 =	vor.u32 s0, v2;
	_ =	sdelay $0x3  }
0x147: {  	s15 =	rddreg [dreg:$0x1f];
	[tilespmem:v20+s31+$0x0] =	vst.idx.msk $0xffff, v18  }
0x148: {  	s0 =	sand.u32 $0x7F, s15;
	v18 =	vld.idx.msk [tilespmem:v57+s13+$0x0], $0xffff  }
0x149: {  	s24 =	sadd.s32 $0xFFFFFFFA, s8;
	v58 =	vor.u32 s0, v4  }
0x14a: {  	v59 =	vmov s24  }
0x14b: {  	v60 =	vshll.u32 v59, $0x3  }
0x14c: {  	v21 =	vand.u32 $0x79, v59;
	v22 =	vand.u32 $0xC00, v60  }
0x14d: {  	[tilespmem:v19+s31+$0x0] =	vst.idx.msk $0xffff, v18;
	v18 =	vor.u32 v21, v22  }
0x14e: {  	v19 =	vld.idx.msk [tilespmem:v58+s12+$0x0], $0xffff;
	v61 =	vor.u32 v1, v18  }
0x14f: {  	v62 =	vor.u32 s0, v5;
	_ =	sdelay $0x3  }
0x150: {  	s15 =	rddreg [dreg:$0x1e];
	[tilespmem:v61+s30+$0x0] =	vst.idx.msk $0xffff, v19  }
0x151: {  	s0 =	sand.u32 $0x7F, s15;
	v18 =	vor.u32 v3, v18;
	v19 =	vld.idx.msk [tilespmem:v62+s12+$0x0], $0xffff  }
0x152: {  	v63 =	vor.u32 s0, v4;
	_ =	sdelay $0x3  }
0x153: {  	[tilespmem:v18+s30+$0x0] =	vst.idx.msk $0xffff, v19  }
0x154: {  	v19 =	vld.idx.msk [tilespmem:v63+s13+$0x0], $0xffff  }
0x155: {  	v24 =	vor.u32 s0, v5;
	_ =	sdelay $0x3  }
0x156: {  	[tilespmem:v61+s31+$0x0] =	vst.idx.msk $0xffff, v19  }
0x157: {  	s22 =	sand.u32 $0x7F, s22;
	v19 =	vld.idx.msk [tilespmem:v24+s13+$0x0], $0xffff  }
0x158: {  	v25 =	vor.u32 s22, v6;
	s24 =	sadd.s32 $0xFFFFFFFB, s8  }
0x159: {  	v26 =	vmov s24  }
0x15a: {  	v27 =	vshll.u32 v26, $0x3  }
0x15b: {  	v21 =	vand.u32 $0x7A, v26;
	v22 =	vand.u32 $0xC00, v27  }
0x15c: {  	[tilespmem:v18+s31+$0x0] =	vst.idx.msk $0xffff, v19;
	v18 =	vor.u32 v21, v22  }
0x15d: {  	v19 =	vld.idx.msk [tilespmem:v25+s12+$0x0], $0xffff;
	v28 =	vor.u32 v1, v18  }
0x15e: {  	v29 =	vor.u32 s22, v7;
	_ =	sdelay $0x3  }
0x15f: {  	s15 =	rddreg [dreg:$0x1b];
	[tilespmem:v28+s30+$0x0] =	vst.idx.msk $0xffff, v19  }
0x160: {  	s0 =	sand.u32 $0x7F, s15;
	v18 =	vor.u32 v3, v18;
	v19 =	vld.idx.msk [tilespmem:v29+s12+$0x0], $0xffff  }
0x161: {  	v30 =	vor.u32 s0, v6;
	_ =	sdelay $0x3  }
0x162: {  	[tilespmem:v18+s30+$0x0] =	vst.idx.msk $0xffff, v19  }
0x163: {  	v19 =	vld.idx.msk [tilespmem:v30+s13+$0x0], $0xffff  }
0x164: {  	v31 =	vor.u32 s0, v7;
	_ =	sdelay $0x3  }
0x165: {  	s22 =	rddreg [dreg:$0x1a];
	[tilespmem:v28+s31+$0x0] =	vst.idx.msk $0xffff, v19  }
0x166: {  	s0 =	sand.u32 $0x7F, s22;
	v19 =	vld.idx.msk [tilespmem:v31+s13+$0x0], $0xffff  }
0x167: {  	s24 =	sadd.s32 $0xFFFFFFFC, s8;
	v32 =	vor.u32 s0, v8  }
0x168: {  	v33 =	vmov s24  }
0x169: {  	v34 =	vshll.u32 v33, $0x3  }
0x16a: {  	v21 =	vand.u32 $0x7B, v33;
	v22 =	vand.u32 $0xC00, v34  }
0x16b: {  	[tilespmem:v18+s31+$0x0] =	vst.idx.msk $0xffff, v19;
	v18 =	vor.u32 v21, v22  }
0x16c: {  	v19 =	vld.idx.msk [tilespmem:v32+s12+$0x0], $0xffff;
	v35 =	vor.u32 v1, v18  }
0x16d: {  	v36 =	vor.u32 s0, v9;
	_ =	sdelay $0x3  }
0x16e: {  	s3 =	rddreg [dreg:$0x16];
	[tilespmem:v35+s30+$0x0] =	vst.idx.msk $0xffff, v19  }
0x16f: {  	s0 =	sand.u32 $0x7F, s3;
	v18 =	vor.u32 v3, v18;
	v19 =	vld.idx.msk [tilespmem:v36+s12+$0x0], $0xffff  }
0x170: {  	v37 =	vor.u32 s0, v8;
	_ =	sdelay $0x3  }
0x171: {  	[tilespmem:v18+s30+$0x0] =	vst.idx.msk $0xffff, v19  }
0x172: {  	v19 =	vld.idx.msk [tilespmem:v37+s13+$0x0], $0xffff  }
0x173: {  	v38 =	vor.u32 s0, v9;
	_ =	sdelay $0x3  }
0x174: {  	[tilespmem:v35+s31+$0x0] =	vst.idx.msk $0xffff, v19  }
0x175: {  	v19 =	vld.idx.msk [tilespmem:v38+s13+$0x0], $0xffff;
	_ =	sdelay $0x4  }
0x176: {  	[tilespmem:v18+s31+$0x0] =	vst.idx.msk $0xffff, v19  }
0x177: {  	_ =	swait.ge [sflag:s2], $0x1000  }
0x178: {  	[sflag:s2] =	ssyncset.done $0x0  }
0x179: {  	[sflag:s2] =	ssyncadd.s32 $0xFFFFF000  }
0x17a: {  	_ =	swait.ge [sflag:s2], $0x1000  }
0x17b: {  	[sflag:s2] =	ssyncset.done $0x0  }
0x17c: {  	[sflag:s2] =	ssyncadd.s32 $0xFFFFF000  }
0x17d: {  	_ =	swait.ge [sflag:s2], $0x1000  }
0x17e: {  	[sflag:s2] =	ssyncset.done $0x0  }
0x17f: {  	[sflag:s2] =	ssyncadd.s32 $0xFFFFF000  }
0x180: {  	_ =	swait.ge [sflag:s2], $0x1000  }
0x181: {  	[sflag:s2] =	ssyncset.done $0x0  }
0x182: {  	[sflag:s2] =	ssyncadd.s32 $0xFFFFF000  }
0x183: {  	_ =	swait.ge [sflag:s2], $0x1000  }
0x184: {  	[sflag:s2] =	ssyncset.done $0x0  }
0x185: {  	[sflag:s2] =	ssyncadd.s32 $0xFFFFF000  }
0x186: {  	_ =	swait.ge [sflag:s2], $0x1000  }
0x187: {  	[sflag:s2] =	ssyncset.done $0x0  }
0x188: {  	[sflag:s2] =	ssyncadd.s32 $0xFFFFF000  }
0x189: {  	s15 =	sand.u32 $0x7F, s23;
	_ =	swait.ge [sflag:s2], $0x1000  }
0x18a: {  	s22 =	sadd.s32 $0xFFFFFFFD, s8;
	v18 =	vor.u32 s15, v10;
	[sflag:s2] =	ssyncset.done $0x0  }
0x18b: {  	v19 =	vmov s22;
	[sflag:s2] =	ssyncadd.s32 $0xFFFFF000  }
0x18c: {  	v39 =	vshll.u32 v19, $0x3;
	_ =	swait.ge [sflag:s2], $0x1000  }
0x18d: {  	v19 =	vand.u32 $0x7C, v19;
	v20 =	vand.u32 $0xC00, v39;
	[sflag:s2] =	ssyncset.done $0x0  }
0x18e: {  	v19 =	vor.u32 v19, v20;
	[sflag:s2] =	ssyncadd.s32 $0xFFFFF000  }
0x18f: {  	v20 =	vor.u32 v1, v19;
	v18 =	vld.idx.msk [tilespmem:v18+s12+$0x0], $0xffff  }
0x190: {  	v40 =	vor.u32 s15, v11;
	_ =	sdelay $0x3  }
0x191: {  	[tilespmem:v20+s30+$0x0] =	vst.idx.msk $0xffff, v18  }
0x192: {  	s23 =	sand.u32 $0x7F, s11;
	v19 =	vor.u32 v3, v19;
	v18 =	vld.idx.msk [tilespmem:v40+s12+$0x0], $0xffff  }
0x193: {  	v41 =	vor.u32 s23, v10;
	_ =	sdelay $0x3  }
0x194: {  	[tilespmem:v19+s30+$0x0] =	vst.idx.msk $0xffff, v18  }
0x195: {  	v18 =	vld.idx.msk [tilespmem:v41+s13+$0x0], $0xffff  }
0x196: {  	v42 =	vor.u32 s23, v11;
	_ =	sdelay $0x3  }
0x197: {  	[tilespmem:v20+s31+$0x0] =	vst.idx.msk $0xffff, v18  }
0x198: {  	s24 =	sand.u32 $0x7F, s20;
	v18 =	vld.idx.msk [tilespmem:v42+s13+$0x0], $0xffff  }
0x199: {  	v43 =	vor.u32 s24, v12;
	s11 =	sadd.s32 $0xFFFFFFFE, s8  }
0x19a: {  	v44 =	vmov s11  }
0x19b: {  	v45 =	vshll.u32 v44, $0x3  }
0x19c: {  	v21 =	vand.u32 $0x7D, v44;
	v22 =	vand.u32 $0xC00, v45  }
0x19d: {  	[tilespmem:v19+s31+$0x0] =	vst.idx.msk $0xffff, v18;
	v18 =	vor.u32 v21, v22  }
0x19e: {  	v19 =	vld.idx.msk [tilespmem:v43+s12+$0x0], $0xffff;
	v46 =	vor.u32 v1, v18  }
0x19f: {  	v47 =	vor.u32 s24, v13;
	_ =	sdelay $0x3  }
0x1a0: {  	[tilespmem:v46+s30+$0x0] =	vst.idx.msk $0xffff, v19  }
0x1a1: {  	s15 =	sand.u32 $0x7F, s19;
	v18 =	vor.u32 v3, v18;
	v19 =	vld.idx.msk [tilespmem:v47+s12+$0x0], $0xffff  }
0x1a2: {  	v48 =	vor.u32 s15, v12;
	_ =	sdelay $0x3  }
0x1a3: {  	[tilespmem:v18+s30+$0x0] =	vst.idx.msk $0xffff, v19  }
0x1a4: {  	v19 =	vld.idx.msk [tilespmem:v48+s13+$0x0], $0xffff  }
0x1a5: {  	v49 =	vor.u32 s15, v13;
	_ =	sdelay $0x3  }
0x1a6: {  	[tilespmem:v46+s31+$0x0] =	vst.idx.msk $0xffff, v19  }
0x1a7: {  	s19 =	sand.u32 $0x7F, s17;
	v19 =	vld.idx.msk [tilespmem:v49+s13+$0x0], $0xffff  }
0x1a8: {  	s20 =	sadd.s32 $0xFFFFFFFF, s8;
	v50 =	vor.u32 s19, v14  }
0x1a9: {  	v51 =	vmov s20  }
0x1aa: {  	v52 =	vshll.u32 v51, $0x3  }
0x1ab: {  	v21 =	vand.u32 $0x7E, v51;
	v22 =	vand.u32 $0xC00, v52  }
0x1ac: {  	[tilespmem:v18+s31+$0x0] =	vst.idx.msk $0xffff, v19;
	v18 =	vor.u32 v21, v22  }
0x1ad: {  	v19 =	vld.idx.msk [tilespmem:v50+s12+$0x0], $0xffff;
	v53 =	vor.u32 v1, v18  }
0x1ae: {  	v54 =	vor.u32 s19, v15;
	_ =	sdelay $0x3  }
0x1af: {  	[tilespmem:v53+s30+$0x0] =	vst.idx.msk $0xffff, v19  }
0x1b0: {  	s22 =	sand.u32 $0x7F, s7;
	v18 =	vor.u32 v3, v18;
	v19 =	vld.idx.msk [tilespmem:v54+s12+$0x0], $0xffff  }
0x1b1: {  	v55 =	vor.u32 s22, v14;
	_ =	sdelay $0x3  }
0x1b2: {  	[tilespmem:v18+s30+$0x0] =	vst.idx.msk $0xffff, v19  }
0x1b3: {  	v19 =	vld.idx.msk [tilespmem:v55+s13+$0x0], $0xffff  }
0x1b4: {  	v56 =	vor.u32 s22, v15;
	_ =	sdelay $0x3  }
0x1b5: {  	[tilespmem:v53+s31+$0x0] =	vst.idx.msk $0xffff, v19  }
0x1b6: {  	s23 =	sand.u32 $0x7F, s28;
	v19 =	vld.idx.msk [tilespmem:v56+s13+$0x0], $0xffff  }
0x1b7: {  	v57 =	vor.u32 s23, v16  }
0x1b8: {  	v58 =	vmov s8  }
0x1b9: {  	v59 =	vshll.u32 v58, $0x3  }
0x1ba: {  	v21 =	vand.u32 $0x7F, v58;
	v22 =	vand.u32 $0xC00, v59  }
0x1bb: {  	[tilespmem:v18+s31+$0x0] =	vst.idx.msk $0xffff, v19;
	v18 =	vor.u32 v21, v22  }
0x1bc: {  	v19 =	vld.idx.msk [tilespmem:v57+s12+$0x0], $0xffff;
	v60 =	vor.u32 v1, v18  }
0x1bd: {  	v61 =	vor.u32 s23, v17;
	_ =	sdelay $0x3  }
0x1be: {  	[tilespmem:v60+s30+$0x0] =	vst.idx.msk $0xffff, v19  }
0x1bf: {  	s24 =	sand.u32 $0x7F, s18;
	v18 =	vor.u32 v3, v18;
	v19 =	vld.idx.msk [tilespmem:v61+s12+$0x0], $0xffff  }
0x1c0: {  	v62 =	vor.u32 s24, v16;
	_ =	sdelay $0x3  }
0x1c1: {  	[tilespmem:v18+s30+$0x0] =	vst.idx.msk $0xffff, v19  }
0x1c2: {  	v19 =	vld.idx.msk [tilespmem:v62+s13+$0x0], $0xffff  }
0x1c3: {  	v63 =	vor.u32 s24, v17;
	_ =	sdelay $0x3  }
0x1c4: {  	[tilespmem:v60+s31+$0x0] =	vst.idx.msk $0xffff, v19  }
0x1c5: {  	p0 =	sne.s32 s8, $0x1FF;
	v19 =	vld.idx.msk [tilespmem:v63+s13+$0x0], $0xffff  }
.Ltmp0:
0x1c6: {  	_ = 	snop;
	(pc) =	sbr.rel @p0 .LBB2_2-.Ltmp0, $4  }
0x1c7: {  	_ = 	snop  }
0x1c8: {  	s4 =	simm.s32 $0xA400  }
0x1c9: {  	s9 =	simm.s32 $0xB400;
	s5 =	simm.s32 $0x3400;
	s28 =	rddreg [dreg:$0xd]  }
0x1ca: {  	s6 =	sadd.s32 $0x10, s6;
	s8 =	sadd.s32 $0x10, s8;
	s0 =	sadd.s32 $0x10, s28;
	[tilespmem:v18+s31+$0x0] =	vst.idx.msk $0xffff, v19  }
0x1cb: {  	s0 =	rddreg [dreg:$0x8]  }
0x1cc: {  	s3 =	simm.s32 $0x1000;
	s6 =	simm.s32 $0x20000;
	s7 =	simm.s32 $0x4  }
0x1cd: {  	[hbm4b:s0+s3] =	stream.strided.scatter [tilespmem:s30], [sflag:$0x4], $0x4000, s6, s3, $0x38;
	[tilespmem:$0x18400] =	vst v63  }
0x1ce: {  	_ =	swait.ge [sflag:s7], $0x4000  }
0x1cf: {  	[sflag:s7] =	ssyncset.done $0x0  }
0x1d0: {  	s23 =	rddreg [dreg:$0x9];
	[sflag:s7] =	ssyncadd.s32 $0xFFFFC000  }
0x1d1: {  	[hbm4b:s23+s3] =	stream.strided.scatter [tilespmem:s31], [sflag:$0x4], $0x4000, s6, s3, $0x38;
	[tilespmem:$0x18400] =	vst v63  }
0x1d2: {  	_ =	swait.ge [sflag:s7], $0x4000  }
0x1d3: {  	s24 =	rddreg [dreg:$0xb]  }
0x1d4: {  	s28 =	rddreg [dreg:$0xa];
	s3 =	sadd.s32 $0x1, s24  }
0x1d5: {  	p0 =	sne.s32 s3, s28  }
.Ltmp1:
0x1d6: {  	_ = 	snop;
	(pc) =	sbr.rel @p0 .LBB2_1-.Ltmp1, $3  }
0x1d7: {  	_ =	sdelay $0x1  }
0x1d8: {  	[sflag:s7] =	ssyncset.done $0x0  }
0x1d9: {  	[sflag:s7] =	ssyncadd.s32 $0xFFFFC000  }
0x1da: {  	_ =	sfence.sel $0x180000  }
0x1db: {  	[bflag:$0x0] =	sbarrier.arrive $0xFFFF  }
0x1dc: {  	_ =	strace $0x90000047  }
0x1dd: {  	s0 =	stileid.u32;
	[bflag:$0x2] =	sbarrier.arrive $0xFFFF  }
0x1de: {  	p0 =	sne.s32 s0, $0x0;
	s0 =	rddreg [dreg:$0x5]  }
0x1df: {  	s0 =	sadd.s32 @!p0 $0x100000, s0  }
0x1e0: {  	[sflag:s0] =	ssyncadd.tile.s32 @!p0 $0x1;
	_ =	shalt  }
.Lfunc_end2:
_tile_overlayer_lowered:
.L_overlay_start_2:
0x1e1: {  	(tag) =	ssettag $0x2  }
0x1e2: {  	s0 =	rddreg [dreg:$0x0];
	s2 =	stileid.u32  }
0x1e3: {  	s1 =	rddreg [dreg:$0x1];
	p0 =	sne.s32 s2, $0x0  }
0x1e4: {  	s3 =	rddreg [dreg:$0x2];
	[bflag:$0x3] =	sbarrier.arrive $0xFFFF;
	s2 =	simm.s32 @!p0 $0x1C04  }
0x1e5: {  	[timem:s3], [sflag:s2] =	dma.local @!p0 [hbm:s0], s1  }
0x1e6: {  	s0 =	simm.s32 @!p0 $0x4  }
0x1e7: {  	_ =	swait.ge @!p0 [sflag:s0], s1  }
0x1e8: {  	s1 =	ssub.s32 @!p0 $0x0, s1;
	[sflag:s0] =	ssyncset.done @!p0 $0x0  }
0x1e9: {  	[sflag:s0] =	ssyncadd.s32 @!p0 s1  }
0x1ea: {  	[bflag:$0x3] =	sbarrier.arrive $0xFFFF  }
0x1eb: {  	_ =	shalt  }

</sc_bundles>
